<compile_context>
chip_gen: v7x
topology: tpu7x:2x2x1
jax: 0.10.2.dev20260603
libtpu: 0.0.44.dev20260713+nightly
codegen_flags: <defaults>
</compile_context>

<pallas_src>
import functools

import jax
import jax.numpy as jnp
from jax import lax
from jax.experimental import pallas as pl
from jax.experimental.pallas import tpu as pltpu
from jax.experimental.pallas import tpu_sc as plsc

N = 10000
E = 320000
D_IN = 128
D_H = 128
D_OUT = 64

NC = 2
NS = 16
CHUNK = 128
IB = 4
NB0 = 20
NB1 = 20
DB0 = 20
DB1 = 20
TB = NS * (NB0 + NB1)
EPAD = TB * IB * CHUNK
SINK = N
ROWS_PER_TILE = 640
NSINK = NS * ROWS_PER_TILE

_mesh = plsc.VectorSubcoreMesh(core_axis_name="c", subcore_axis_name="s")


def _tile_blocks(cid, sid, nb0, nb1):
    base = lax.select(cid == 0, sid * nb0, NS * nb0 + sid * nb1)
    nb = lax.select(cid == 0, nb0, nb1)
    return base, nb


@functools.partial(
    pl.kernel,
    mesh=_mesh,
    out_type=jax.ShapeDtypeStruct((NC, NSINK), jnp.float32),
    scratch_types=[
        pltpu.VMEM((2, IB, CHUNK), jnp.int32),
        pltpu.VMEM((CHUNK,), jnp.float32),
        pltpu.VMEM((ROWS_PER_TILE,), jnp.float32),
        pltpu.VMEM_SHARED((NSINK,), jnp.float32),
    ],
)
def _degree_kernel(e_hbm, out_hbm, eb_v, ones_v, zero_v, acc):
    cid = lax.axis_index("c")
    sid = lax.axis_index("s")
    base, nb = _tile_blocks(cid, sid, DB0, DB1)

    for i in range(CHUNK // 16):
        ones_v[pl.ds(i * 16, 16)] = jnp.ones((16,), jnp.float32)

    def _z(i, carry):
        zero_v[pl.ds(i * 16, 16)] = jnp.zeros((16,), jnp.float32)
        return carry

    lax.fori_loop(0, ROWS_PER_TILE // 16, _z, 0)
    pltpu.sync_copy(zero_v, acc.at[pl.ds(sid * ROWS_PER_TILE, ROWS_PER_TILE)])
    plsc.subcore_barrier()

    def _block(blk, carry):
        pltpu.sync_copy(e_hbm.at[base + blk], eb_v)

        def _scatter(c, carry2):
            pltpu.sync_copy(ones_v, acc.at[eb_v.at[1, c]], add=True)
            return carry2

        lax.fori_loop(0, IB, _scatter, 0)
        return carry

    lax.fori_loop(0, nb, _block, 0)
    plsc.subcore_barrier()
    pltpu.sync_copy(
        acc.at[pl.ds(sid * ROWS_PER_TILE, ROWS_PER_TILE)],
        out_hbm.at[cid, pl.ds(sid * ROWS_PER_TILE, ROWS_PER_TILE)],
    )


def _make_row_scatter(D):
    @functools.partial(
        pl.kernel,
        mesh=_mesh,
        out_type=jax.ShapeDtypeStruct((NC, NSINK, D), jnp.float32),
        scratch_types=[
            pltpu.VMEM((2, 2, IB, CHUNK), jnp.int32),
            pltpu.VMEM((2, CHUNK, D), jnp.float32),
            pltpu.VMEM_SHARED((NSINK, D), jnp.float32),
            pltpu.SemaphoreType.DMA,
            pltpu.SemaphoreType.DMA,
        ],
    )
    def _row_scatter(g_hbm, e_hbm, out_hbm, idx_v, rows_v, acc, sem_i, sem_g):
        cid = lax.axis_index("c")
        sid = lax.axis_index("s")
        base, nb = _tile_blocks(cid, sid, NB0, NB1)

        nchunks = nb * IB

        @pl.when(nb > 0)
        def _():
            pltpu.sync_copy(e_hbm.at[base], idx_v.at[0])

        @pl.when(nb > 1)
        def _():
            pltpu.async_copy(e_hbm.at[base + 1], idx_v.at[1], sem_i)

        def _z(i, carry):
            r = i // (D // 16)
            c = lax.rem(i, D // 16)
            rows_v[0, r, pl.ds(c * 16, 16)] = jnp.zeros((16,), jnp.float32)
            return carry

        lax.fori_loop(0, CHUNK * D // 16, _z, 0)
        for b in range(ROWS_PER_TILE // CHUNK):
            pltpu.sync_copy(
                rows_v.at[0],
                acc.at[pl.ds(sid * ROWS_PER_TILE + b * CHUNK, CHUNK)],
            )
        plsc.subcore_barrier()

        @pl.when(nb > 0)
        def _():
            pltpu.async_copy(
                g_hbm.at[idx_v.at[0, 0, 0]], rows_v.at[0], sem_g)

        def _chunk(j, carry):
            blk = j // IB
            c = lax.rem(j, IB)
            nxt = j + 1
            nblk = nxt // IB
            ncc = lax.rem(nxt, IB)

            @pl.when(jnp.logical_and(c == IB - 1, nxt < nchunks))
            def _():
                pltpu.make_async_copy(
                    e_hbm.at[0], idx_v.at[lax.rem(nblk, 2)], sem_i).wait()

            @pl.when(nxt < nchunks)
            def _():
                pltpu.async_copy(
                    g_hbm.at[idx_v.at[lax.rem(nblk, 2), 0, ncc]],
                    rows_v.at[lax.rem(nxt, 2)], sem_g)

            buf = rows_v.at[lax.rem(j, 2)]
            pltpu.make_async_copy(
                g_hbm.at[pl.ds(0, CHUNK)], buf, sem_g).wait()
            pltpu.sync_copy(
                buf, acc.at[idx_v.at[lax.rem(blk, 2), 1, c]], add=True)

            @pl.when(jnp.logical_and(c == IB - 1, blk + 2 < nb))
            def _():
                pltpu.async_copy(
                    e_hbm.at[base + blk + 2], idx_v.at[lax.rem(blk, 2)],
                    sem_i)

            return carry

        lax.fori_loop(0, nchunks, _chunk, 0)
        plsc.subcore_barrier()
        pltpu.sync_copy(
            acc.at[pl.ds(sid * ROWS_PER_TILE, ROWS_PER_TILE)],
            out_hbm.at[cid, pl.ds(sid * ROWS_PER_TILE, ROWS_PER_TILE)],
        )

    return _row_scatter


_row_scatter_h = _make_row_scatter(D_H)


def _dot(a, b):
    return jnp.dot(a, b, preferred_element_type=jnp.float32)


def _tc1_body(x_ref, w1_ref, b1_ref, wc1_ref, d0_ref, d1_ref, g1_ref):
    h = jnp.maximum(_dot(x_ref[...], w1_ref[...]) + b1_ref[...], 0.0)
    dis = lax.rsqrt(d0_ref[...] + d1_ref[...])
    g1_ref[...] = _dot(h, wc1_ref[...]) * dis


def _tc2_body(s0_ref, s1_ref, g1_ref, b1_ref, wc2_ref, d0_ref, d1_ref, g2_ref):
    dis = lax.rsqrt(d0_ref[...] + d1_ref[...])
    h = jnp.maximum(
        dis * (s0_ref[...] + s1_ref[...] + g1_ref[...]) + b1_ref[...], 0.0)
    g2_ref[...] = jnp.concatenate(
        [_dot(h, wc2_ref[...]) * dis, jnp.zeros((N, D_H - D_OUT), jnp.float32)],
        axis=1)


def _tc3_body(s0_ref, s1_ref, g2_ref, b2_ref, d0_ref, d1_ref, out_ref):
    dis = lax.rsqrt(d0_ref[...] + d1_ref[...])
    agg = (s0_ref[...] + s1_ref[...] + g2_ref[...])[:, :D_OUT]
    out_ref[...] = dis * agg + b2_ref[...]


_tc1 = pl.pallas_call(
    _tc1_body, out_shape=jax.ShapeDtypeStruct((N, D_H), jnp.float32))
_tc2 = pl.pallas_call(
    _tc2_body, out_shape=jax.ShapeDtypeStruct((N, D_H), jnp.float32))
_tc3 = pl.pallas_call(
    _tc3_body, out_shape=jax.ShapeDtypeStruct((N, D_OUT), jnp.float32))


def kernel(x, edge_index, fc1_w, fc1_b, conv1_w, conv1_b, conv2_w, conv2_b):
    src = edge_index[0]
    dst = edge_index[1]
    pad = EPAD - E
    pad_i = jnp.arange(pad, dtype=jnp.int32)
    src4 = jnp.concatenate(
        [src, pad_i % N]).reshape(TB, 1, IB, CHUNK)
    dst4 = jnp.concatenate(
        [dst, SINK + pad_i % (NSINK - N)]).reshape(TB, 1, IB, CHUNK)
    e4 = jnp.concatenate([src4, dst4], axis=1)

    degp = _degree_kernel(e4)
    d0 = degp[0, :N, None] + 1.0
    d1 = degp[1, :N, None]

    g1 = _tc1(x, fc1_w, fc1_b.reshape(1, D_H), conv1_w, d0, d1)
    s1 = _row_scatter_h(g1, e4)
    g2 = _tc2(s1[0, :N], s1[1, :N], g1, conv1_b.reshape(1, D_H), conv2_w,
              d0, d1)
    s2 = _row_scatter_h(g2, e4)
    out = _tc3(s2[0, :N], s2[1, :N], g2, conv2_b.reshape(1, D_OUT), d0, d1)
    return out

# --- scband reference (transcript-rebuilt; emitter-appended) ---
"""Pipeline reference for scband-gnnpolicy-extractor-65197603553735 (READ-ONLY COPY).

The authoritative reference and input builder live on the scoring server;
editing this copy changes nothing except your own understanding.
"""

import jax, jax.numpy as jnp
import numpy as np

N = 10000
E = 320000
D_IN = 128
D_H = 128
D_OUT = 64


def setup_inputs(seed: int = 0) -> dict:
    key = jax.random.key(seed)
    ks = jax.random.split(key, 8)
    x = jax.random.normal(ks[0], (N, D_IN), dtype=jnp.float32)
    edge_index = jax.random.randint(ks[1], (2, E), 0, N, dtype=jnp.int32)
    fc1_w = jax.random.normal(ks[2], (D_IN, D_H), dtype=jnp.float32) * (1.0 / np.sqrt(D_IN))
    fc1_b = jnp.zeros((D_H,), dtype=jnp.float32)
    conv1_w = jax.random.normal(ks[3], (D_H, D_H), dtype=jnp.float32) * (1.0 / np.sqrt(D_H))
    conv1_b = jnp.zeros((D_H,), dtype=jnp.float32)
    conv2_w = jax.random.normal(ks[4], (D_H, D_OUT), dtype=jnp.float32) * (1.0 / np.sqrt(D_H))
    conv2_b = jnp.zeros((D_OUT,), dtype=jnp.float32)
    return {
        "x": x,
        "edge_index": edge_index,
        "fc1_w": fc1_w,
        "fc1_b": fc1_b,
        "conv1_w": conv1_w,
        "conv1_b": conv1_b,
        "conv2_w": conv2_w,
        "conv2_b": conv2_b,
    }


def _gcn_layer(h, edge_index, W, b):
    # Faithful PyG GCNConv: linear -> add self-loops -> sym-normalized scatter-add -> bias
    h = h @ W
    src = edge_index[0]
    dst = edge_index[1]
    loop = jnp.arange(N, dtype=src.dtype)
    src_full = jnp.concatenate([src, loop])
    dst_full = jnp.concatenate([dst, loop])
    deg = jnp.zeros((N,), dtype=h.dtype).at[dst_full].add(1.0)
    deg_inv_sqrt = jnp.where(deg > 0, jax.lax.rsqrt(jnp.maximum(deg, 1e-12)), 0.0)
    norm = deg_inv_sqrt[src_full] * deg_inv_sqrt[dst_full]
    msg = h[src_full] * norm[:, None]
    out = jnp.zeros((N, h.shape[1]), dtype=h.dtype).at[dst_full].add(msg)
    return out + b


def reference(x, edge_index, fc1_w, fc1_b, conv1_w, conv1_b, conv2_w, conv2_b):
    h = jax.nn.relu(x @ fc1_w + fc1_b)
    h = jax.nn.relu(_gcn_layer(h, edge_index, conv1_w, conv1_b))
    out = _gcn_layer(h, edge_index, conv2_w, conv2_b)
    return out

if __name__ == "__main__":
    import jax
    _d = setup_inputs()
    print(jax.jit(kernel)(*tuple(_d.values())))

</pallas_src>

<mosaic_0001>
#map = affine_map<(d0, d1) -> (0, 0, 0, 0)>
#map1 = affine_map<(d0, d1) -> (0, 0)>
module attributes {stable_mosaic.version = 14 : i64} {
  func.func @_degree_kernel(%arg0: i32, %arg1: i32, %arg2: memref<640x2x4x128xi32, #tpu.memory_space<hbm>>, %arg3: memref<2x10240xf32, #tpu.memory_space<hbm>>, %arg4: memref<2x4x128xi32, #tpu.memory_space<vmem>>, %arg5: memref<128xf32, #tpu.memory_space<vmem>>, %arg6: memref<640xf32, #tpu.memory_space<vmem>>, %arg7: memref<10240xf32, #tpu.memory_space<vmem_shared>>) attributes {dimension_semantics = [#tpu.dimension_semantics<core_parallel>, #tpu.dimension_semantics<subcore_parallel>], iteration_bounds = array<i64: 2, 16>, scalar_prefetch = 0 : i64, scratch_operands = 4 : i64, tpu.core_type = #tpu.core_type<sc_vector_subcore>, window_params = [{transform_indices = #map}, {transform_indices = #map1}]} {
    %eq3A = arith.constant 0 : i32
    %eq3A_0 = arith.cmpi eq, %arg0, %eq3A : i32
    %mul3A = arith.constant 20 : i32
    %mul3A_1 = arith.muli %arg1, %mul3A : i32
    %mul3A_2 = arith.constant 20 : i32
    %mul3A_3 = arith.muli %arg1, %mul3A_2 : i32
    %add3A = arith.constant 320 : i32
    %add3A_4 = arith.addi %add3A, %mul3A_3 : i32
    %select_n3A = arith.select %eq3A_0, %mul3A_1, %add3A_4 : i32
    %eq3A_5 = arith.constant 0 : i32
    %eq3A_6 = arith.cmpi eq, %arg0, %eq3A_5 : i32
    %select_n3A_7 = arith.constant 20 : i32
    %select_n3A_8 = arith.constant 20 : i32
    %select_n3A_9 = arith.select %eq3A_6, %select_n3A_8, %select_n3A_7 : i32
    %broadcast_in_dim3A = arith.constant 1.000000e+00 : f32
    %broadcast_in_dim3A_10 = vector.broadcast %broadcast_in_dim3A : f32 to vector<16xf32>
    %swap3A = arith.constant 0 : index
    %swap3A_11 = tpu.vector_load %arg5[%swap3A] {strides = array<i32>} : memref<128xf32, #tpu.memory_space<vmem>>, vector<16xf32>,
    %swap3A_12 = vector.shape_cast %swap3A_11 : vector<16xf32> to vector<16xf32>
    %swap3A_13 = vector.shape_cast %broadcast_in_dim3A_10 : vector<16xf32> to vector<16xf32>
    tpu.vector_store %arg5[%swap3A], %swap3A_13 {strides = array<i32>} : memref<128xf32, #tpu.memory_space<vmem>>, vector<16xf32>,
    %broadcast_in_dim3A_14 = arith.constant 1.000000e+00 : f32
    %broadcast_in_dim3A_15 = vector.broadcast %broadcast_in_dim3A_14 : f32 to vector<16xf32>
    %swap3A_16 = arith.constant 16 : index
    %swap3A_17 = tpu.vector_load %arg5[%swap3A_16] {strides = array<i32>} : memref<128xf32, #tpu.memory_space<vmem>>, vector<16xf32>,
    %swap3A_18 = vector.shape_cast %swap3A_17 : vector<16xf32> to vector<16xf32>
    %swap3A_19 = vector.shape_cast %broadcast_in_dim3A_15 : vector<16xf32> to vector<16xf32>
    tpu.vector_store %arg5[%swap3A_16], %swap3A_19 {strides = array<i32>} : memref<128xf32, #tpu.memory_space<vmem>>, vector<16xf32>,
    %broadcast_in_dim3A_20 = arith.constant 1.000000e+00 : f32
    %broadcast_in_dim3A_21 = vector.broadcast %broadcast_in_dim3A_20 : f32 to vector<16xf32>
    %swap3A_22 = arith.constant 32 : index
    %swap3A_23 = tpu.vector_load %arg5[%swap3A_22] {strides = array<i32>} : memref<128xf32, #tpu.memory_space<vmem>>, vector<16xf32>,
    %swap3A_24 = vector.shape_cast %swap3A_23 : vector<16xf32> to vector<16xf32>
    %swap3A_25 = vector.shape_cast %broadcast_in_dim3A_21 : vector<16xf32> to vector<16xf32>
    tpu.vector_store %arg5[%swap3A_22], %swap3A_25 {strides = array<i32>} : memref<128xf32, #tpu.memory_space<vmem>>, vector<16xf32>,
    %broadcast_in_dim3A_26 = arith.constant 1.000000e+00 : f32
    %broadcast_in_dim3A_27 = vector.broadcast %broadcast_in_dim3A_26 : f32 to vector<16xf32>
    %swap3A_28 = arith.constant 48 : index
    %swap3A_29 = tpu.vector_load %arg5[%swap3A_28] {strides = array<i32>} : memref<128xf32, #tpu.memory_space<vmem>>, vector<16xf32>,
    %swap3A_30 = vector.shape_cast %swap3A_29 : vector<16xf32> to vector<16xf32>
    %swap3A_31 = vector.shape_cast %broadcast_in_dim3A_27 : vector<16xf32> to vector<16xf32>
    tpu.vector_store %arg5[%swap3A_28], %swap3A_31 {strides = array<i32>} : memref<128xf32, #tpu.memory_space<vmem>>, vector<16xf32>,
    %broadcast_in_dim3A_32 = arith.constant 1.000000e+00 : f32
    %broadcast_in_dim3A_33 = vector.broadcast %broadcast_in_dim3A_32 : f32 to vector<16xf32>
    %swap3A_34 = arith.constant 64 : index
    %swap3A_35 = tpu.vector_load %arg5[%swap3A_34] {strides = array<i32>} : memref<128xf32, #tpu.memory_space<vmem>>, vector<16xf32>,
    %swap3A_36 = vector.shape_cast %swap3A_35 : vector<16xf32> to vector<16xf32>
    %swap3A_37 = vector.shape_cast %broadcast_in_dim3A_33 : vector<16xf32> to vector<16xf32>
    tpu.vector_store %arg5[%swap3A_34], %swap3A_37 {strides = array<i32>} : memref<128xf32, #tpu.memory_space<vmem>>, vector<16xf32>,
    %broadcast_in_dim3A_38 = arith.constant 1.000000e+00 : f32
    %broadcast_in_dim3A_39 = vector.broadcast %broadcast_in_dim3A_38 : f32 to vector<16xf32>
    %swap3A_40 = arith.constant 80 : index
    %swap3A_41 = tpu.vector_load %arg5[%swap3A_40] {strides = array<i32>} : memref<128xf32, #tpu.memory_space<vmem>>, vector<16xf32>,
    %swap3A_42 = vector.shape_cast %swap3A_41 : vector<16xf32> to vector<16xf32>
    %swap3A_43 = vector.shape_cast %broadcast_in_dim3A_39 : vector<16xf32> to vector<16xf32>
    tpu.vector_store %arg5[%swap3A_40], %swap3A_43 {strides = array<i32>} : memref<128xf32, #tpu.memory_space<vmem>>, vector<16xf32>,
    %broadcast_in_dim3A_44 = arith.constant 1.000000e+00 : f32
    %broadcast_in_dim3A_45 = vector.broadcast %broadcast_in_dim3A_44 : f32 to vector<16xf32>
    %swap3A_46 = arith.constant 96 : index
    %swap3A_47 = tpu.vector_load %arg5[%swap3A_46] {strides = array<i32>} : memref<128xf32, #tpu.memory_space<vmem>>, vector<16xf32>,
    %swap3A_48 = vector.shape_cast %swap3A_47 : vector<16xf32> to vector<16xf32>
    %swap3A_49 = vector.shape_cast %broadcast_in_dim3A_45 : vector<16xf32> to vector<16xf32>
    tpu.vector_store %arg5[%swap3A_46], %swap3A_49 {strides = array<i32>} : memref<128xf32, #tpu.memory_space<vmem>>, vector<16xf32>,
    %broadcast_in_dim3A_50 = arith.constant 1.000000e+00 : f32
    %broadcast_in_dim3A_51 = vector.broadcast %broadcast_in_dim3A_50 : f32 to vector<16xf32>
    %swap3A_52 = arith.constant 112 : index
    %swap3A_53 = tpu.vector_load %arg5[%swap3A_52] {strides = array<i32>} : memref<128xf32, #tpu.memory_space<vmem>>, vector<16xf32>,
    %swap3A_54 = vector.shape_cast %swap3A_53 : vector<16xf32> to vector<16xf32>
    %swap3A_55 = vector.shape_cast %broadcast_in_dim3A_51 : vector<16xf32> to vector<16xf32>
    tpu.vector_store %arg5[%swap3A_52], %swap3A_55 {strides = array<i32>} : memref<128xf32, #tpu.memory_space<vmem>>, vector<16xf32>,
    %scan3A = arith.constant 0 : i32
    %scan3A_56 = arith.constant 0 : i32
    %scan3A_57 = arith.constant 40 : i32
    %scan3A_58 = arith.addi %scan3A_56, %scan3A_57 : i32
    %scan3A_59 = arith.constant 1 : i32
    scf.for %scan3A_77 = %scan3A_56 to %scan3A_58 step %scan3A_59  : i32 {
      %broadcast_in_dim3A_78 = arith.constant 0.000000e+00 : f32
      %broadcast_in_dim3A_79 = vector.broadcast %broadcast_in_dim3A_78 : f32 to vector<16xf32>
      %mul3A_80 = arith.constant 16 : i32
      %mul3A_81 = arith.muli %scan3A_77, %mul3A_80 : i32
      %swap3A_82 = arith.index_cast %mul3A_81 : i32 to index
      %swap3A_83 = tpu.vector_load %arg6[%swap3A_82] {strides = array<i32>} : memref<640xf32, #tpu.memory_space<vmem>>, vector<16xf32>,
      %swap3A_84 = vector.shape_cast %swap3A_83 : vector<16xf32> to vector<16xf32>
      %swap3A_85 = vector.shape_cast %broadcast_in_dim3A_79 : vector<16xf32> to vector<16xf32>
      tpu.vector_store %arg6[%swap3A_82], %swap3A_85 {strides = array<i32>} : memref<640xf32, #tpu.memory_space<vmem>>, vector<16xf32>,
    }
    %scan3A_60 = arith.constant 40 : i32
    %mul3A_61 = arith.constant 640 : i32
    %mul3A_62 = arith.muli %arg1, %mul3A_61 : i32
    "tpu.region"() ({
      %run_scoped3A = tpu.sem_alloc : memref<!tpu.dma_semaphore, #tpu.memory_space<semaphore_mem>>
      %dma_start3A = tpu.memref_slice %arg7[%mul3A_62] : memref<10240xf32, #tpu.memory_space<vmem_shared>> -> memref<640xf32, #tpu.memory_space<vmem_shared>>
      %dma_start3A_77 = tpu.memref_slice %arg7[%mul3A_62] : memref<10240xf32, #tpu.memory_space<vmem_shared>> -> memref<640xf32, #tpu.memory_space<vmem_shared>>
      tpu.enqueue_dma source(%arg6 : memref<640xf32, #tpu.memory_space<vmem>>) target(%dma_start3A_77 : memref<640xf32, #tpu.memory_space<vmem_shared>>) target_semaphore(%run_scoped3A : memref<!tpu.dma_semaphore, #tpu.memory_space<semaphore_mem>>)
      %dma_wait3A = tpu.memref_slice %arg7[%mul3A_62] : memref<10240xf32, #tpu.memory_space<vmem_shared>> -> memref<640xf32, #tpu.memory_space<vmem_shared>>
      %dma_wait3A_78 = tpu.memref_slice %arg7[%mul3A_62] : memref<10240xf32, #tpu.memory_space<vmem_shared>> -> memref<640xf32, #tpu.memory_space<vmem_shared>>
      tpu.wait_dma2 semaphore(%run_scoped3A : memref<!tpu.dma_semaphore, #tpu.memory_space<semaphore_mem>>) src(%arg6 : memref<640xf32, #tpu.memory_space<vmem>>) dst(%dma_wait3A_78 : memref<640xf32, #tpu.memory_space<vmem_shared>>)
      tpu.yield
    }) : () -> ()
    %barrier3A = arith.constant 0 : index
    tpu.barrier barrier_id(%barrier3A)
    %while3A = arith.constant 0 : i32
    %while3A_63 = arith.constant 0 : i32
    %while3A_64 = arith.subi %select_n3A_9, %while3A_63 : i32
    %while3A_65 = arith.addi %while3A_63, %while3A_64 : i32
    %while3A_66 = arith.constant 1 : i32
    %while3A_67 = arith.divsi %while3A_64, %while3A_66 : i32
    %while3A_68 = arith.muli %while3A_67, %while3A_66 : i32
    %while3A_69 = arith.addi %while3A_63, %while3A_68 : i32
    %while3A_70 = arith.constant 1 : i32
    scf.for %while3A_77 = %while3A_63 to %while3A_69 step %while3A_70  : i32 {
      %add3A_78 = arith.addi %select_n3A, %while3A_77 : i32
      "tpu.region"() ({
        %run_scoped3A = tpu.sem_alloc : memref<!tpu.dma_semaphore, #tpu.memory_space<semaphore_mem>>
        %dma_start3A = arith.constant 0 : i32
        %dma_start3A_85 = arith.constant 0 : i32
        %dma_start3A_86 = arith.constant 0 : i32
        %dma_start3A_87 = tpu.memref_slice %arg2[%add3A_78, %dma_start3A, %dma_start3A_85, %dma_start3A_86] : memref<640x2x4x128xi32, #tpu.memory_space<hbm>> -> memref<1x2x4x128xi32, #tpu.memory_space<hbm>>
        %dma_start3A_88 = tpu.memref_squeeze %dma_start3A_87 : memref<1x2x4x128xi32, #tpu.memory_space<hbm>> -> memref<2x4x128xi32, #tpu.memory_space<hbm>>
        %dma_start3A_89 = arith.constant 0 : i32
        %dma_start3A_90 = arith.constant 0 : i32
        %dma_start3A_91 = arith.constant 0 : i32
        %dma_start3A_92 = tpu.memref_slice %arg2[%add3A_78, %dma_start3A_89, %dma_start3A_90, %dma_start3A_91] : memref<640x2x4x128xi32, #tpu.memory_space<hbm>> -> memref<1x2x4x128xi32, #tpu.memory_space<hbm>>
        %dma_start3A_93 = tpu.memref_squeeze %dma_start3A_92 : memref<1x2x4x128xi32, #tpu.memory_space<hbm>> -> memref<2x4x128xi32, #tpu.memory_space<hbm>>
        tpu.enqueue_dma source(%dma_start3A_93 : memref<2x4x128xi32, #tpu.memory_space<hbm>>) target(%arg4 : memref<2x4x128xi32, #tpu.memory_space<vmem>>) target_semaphore(%run_scoped3A : memref<!tpu.dma_semaphore, #tpu.memory_space<semaphore_mem>>)
        %dma_wait3A = arith.constant 0 : i32
        %dma_wait3A_94 = arith.constant 0 : i32
        %dma_wait3A_95 = arith.constant 0 : i32
        %dma_wait3A_96 = tpu.memref_slice %arg2[%add3A_78, %dma_wait3A, %dma_wait3A_94, %dma_wait3A_95] : memref<640x2x4x128xi32, #tpu.memory_space<hbm>> -> memref<1x2x4x128xi32, #tpu.memory_space<hbm>>
        %dma_wait3A_97 = tpu.memref_squeeze %dma_wait3A_96 : memref<1x2x4x128xi32, #tpu.memory_space<hbm>> -> memref<2x4x128xi32, #tpu.memory_space<hbm>>
        %dma_wait3A_98 = arith.constant 0 : i32
        %dma_wait3A_99 = arith.constant 0 : i32
        %dma_wait3A_100 = arith.constant 0 : i32
        %dma_wait3A_101 = tpu.memref_slice %arg2[%add3A_78, %dma_wait3A_98, %dma_wait3A_99, %dma_wait3A_100] : memref<640x2x4x128xi32, #tpu.memory_space<hbm>> -> memref<1x2x4x128xi32, #tpu.memory_space<hbm>>
        %dma_wait3A_102 = tpu.memref_squeeze %dma_wait3A_101 : memref<1x2x4x128xi32, #tpu.memory_space<hbm>> -> memref<2x4x128xi32, #tpu.memory_space<hbm>>
        tpu.wait_dma2 semaphore(%run_scoped3A : memref<!tpu.dma_semaphore, #tpu.memory_space<semaphore_mem>>) src(%dma_wait3A_102 : memref<2x4x128xi32, #tpu.memory_space<hbm>>) dst(%arg4 : memref<2x4x128xi32, #tpu.memory_space<vmem>>)
        tpu.yield
      }) : () -> ()
      %scan3A_79 = arith.constant 0 : i32
      %scan3A_80 = arith.constant 0 : i32
      %scan3A_81 = arith.constant 4 : i32
      %scan3A_82 = arith.addi %scan3A_80, %scan3A_81 : i32
      %scan3A_83 = arith.constant 1 : i32
      scf.for %scan3A_85 = %scan3A_80 to %scan3A_82 step %scan3A_83  : i32 {
        %run_scoped3A = arith.constant 1 : i32
        "tpu.region"() ({
          %run_scoped3A_86 = tpu.sem_alloc : memref<!tpu.dma_semaphore, #tpu.memory_space<semaphore_mem>>
          %dma_start3A = arith.constant 0 : i32
          %dma_start3A_87 = tpu.memref_slice %arg4[%run_scoped3A, %scan3A_85, %dma_start3A] : memref<2x4x128xi32, #tpu.memory_space<vmem>> -> memref<1x1x128xi32, #tpu.memory_space<vmem>>
          %dma_start3A_88 = tpu.memref_squeeze %dma_start3A_87 : memref<1x1x128xi32, #tpu.memory_space<vmem>> -> memref<128xi32, #tpu.memory_space<vmem>>
          %dma_start3A_89 = arith.constant 0 : i32
          %dma_start3A_90 = tpu.memref_slice %arg7[%dma_start3A_89] : memref<10240xf32, #tpu.memory_space<vmem_shared>> -> memref<10240xf32, #tpu.memory_space<vmem_shared>>
          tpu.enqueue_indirect_dma source(%arg5 : memref<128xf32, #tpu.memory_space<vmem>>) target(%dma_start3A_90 : memref<10240xf32, #tpu.memory_space<vmem_shared>>) offsets(%dma_start3A_88 : memref<128xi32, #tpu.memory_space<vmem>>) semaphore(%run_scoped3A_86 : memref<!tpu.dma_semaphore, #tpu.memory_space<semaphore_mem>>) {add = true}
          %dma_wait3A = arith.constant 0 : i32
          %dma_wait3A_91 = tpu.memref_slice %arg4[%run_scoped3A, %scan3A_85, %dma_wait3A] : memref<2x4x128xi32, #tpu.memory_space<vmem>> -> memref<1x1x128xi32, #tpu.memory_space<vmem>>
          %dma_wait3A_92 = tpu.memref_squeeze %dma_wait3A_91 : memref<1x1x128xi32, #tpu.memory_space<vmem>> -> memref<128xi32, #tpu.memory_space<vmem>>
          %dma_wait3A_93 = arith.constant 0 : i32
          %dma_wait3A_94 = tpu.memref_slice %arg7[%dma_wait3A_93] : memref<10240xf32, #tpu.memory_space<vmem_shared>> -> memref<10240xf32, #tpu.memory_space<vmem_shared>>
          tpu.wait_indirect_dma semaphore(%run_scoped3A_86 : memref<!tpu.dma_semaphore, #tpu.memory_space<semaphore_mem>>) src(%arg5 : memref<128xf32, #tpu.memory_space<vmem>>) dst(%dma_wait3A_94 : memref<10240xf32, #tpu.memory_space<vmem_shared>>)
          tpu.yield
        }) : () -> ()
      }
      %scan3A_84 = arith.constant 4 : i32
    }
    %while3A_71 = arith.constant 1 : i32
    scf.for %while3A_77 = %while3A_69 to %while3A_65 step %while3A_71  : i32 {
      %add3A_78 = arith.addi %select_n3A, %while3A_77 : i32
      "tpu.region"() ({
        %run_scoped3A = tpu.sem_alloc : memref<!tpu.dma_semaphore, #tpu.memory_space<semaphore_mem>>
        %dma_start3A = arith.constant 0 : i32
        %dma_start3A_85 = arith.constant 0 : i32
        %dma_start3A_86 = arith.constant 0 : i32
        %dma_start3A_87 = tpu.memref_slice %arg2[%add3A_78, %dma_start3A, %dma_start3A_85, %dma_start3A_86] : memref<640x2x4x128xi32, #tpu.memory_space<hbm>> -> memref<1x2x4x128xi32, #tpu.memory_space<hbm>>
        %dma_start3A_88 = tpu.memref_squeeze %dma_start3A_87 : memref<1x2x4x128xi32, #tpu.memory_space<hbm>> -> memref<2x4x128xi32, #tpu.memory_space<hbm>>
        %dma_start3A_89 = arith.constant 0 : i32
        %dma_start3A_90 = arith.constant 0 : i32
        %dma_start3A_91 = arith.constant 0 : i32
        %dma_start3A_92 = tpu.memref_slice %arg2[%add3A_78, %dma_start3A_89, %dma_start3A_90, %dma_start3A_91] : memref<640x2x4x128xi32, #tpu.memory_space<hbm>> -> memref<1x2x4x128xi32, #tpu.memory_space<hbm>>
        %dma_start3A_93 = tpu.memref_squeeze %dma_start3A_92 : memref<1x2x4x128xi32, #tpu.memory_space<hbm>> -> memref<2x4x128xi32, #tpu.memory_space<hbm>>
        tpu.enqueue_dma source(%dma_start3A_93 : memref<2x4x128xi32, #tpu.memory_space<hbm>>) target(%arg4 : memref<2x4x128xi32, #tpu.memory_space<vmem>>) target_semaphore(%run_scoped3A : memref<!tpu.dma_semaphore, #tpu.memory_space<semaphore_mem>>)
        %dma_wait3A = arith.constant 0 : i32
        %dma_wait3A_94 = arith.constant 0 : i32
        %dma_wait3A_95 = arith.constant 0 : i32
        %dma_wait3A_96 = tpu.memref_slice %arg2[%add3A_78, %dma_wait3A, %dma_wait3A_94, %dma_wait3A_95] : memref<640x2x4x128xi32, #tpu.memory_space<hbm>> -> memref<1x2x4x128xi32, #tpu.memory_space<hbm>>
        %dma_wait3A_97 = tpu.memref_squeeze %dma_wait3A_96 : memref<1x2x4x128xi32, #tpu.memory_space<hbm>> -> memref<2x4x128xi32, #tpu.memory_space<hbm>>
        %dma_wait3A_98 = arith.constant 0 : i32
        %dma_wait3A_99 = arith.constant 0 : i32
        %dma_wait3A_100 = arith.constant 0 : i32
        %dma_wait3A_101 = tpu.memref_slice %arg2[%add3A_78, %dma_wait3A_98, %dma_wait3A_99, %dma_wait3A_100] : memref<640x2x4x128xi32, #tpu.memory_space<hbm>> -> memref<1x2x4x128xi32, #tpu.memory_space<hbm>>
        %dma_wait3A_102 = tpu.memref_squeeze %dma_wait3A_101 : memref<1x2x4x128xi32, #tpu.memory_space<hbm>> -> memref<2x4x128xi32, #tpu.memory_space<hbm>>
        tpu.wait_dma2 semaphore(%run_scoped3A : memref<!tpu.dma_semaphore, #tpu.memory_space<semaphore_mem>>) src(%dma_wait3A_102 : memref<2x4x128xi32, #tpu.memory_space<hbm>>) dst(%arg4 : memref<2x4x128xi32, #tpu.memory_space<vmem>>)
        tpu.yield
      }) : () -> ()
      %scan3A_79 = arith.constant 0 : i32
      %scan3A_80 = arith.constant 0 : i32
      %scan3A_81 = arith.constant 4 : i32
      %scan3A_82 = arith.addi %scan3A_80, %scan3A_81 : i32
      %scan3A_83 = arith.constant 1 : i32
      scf.for %scan3A_85 = %scan3A_80 to %scan3A_82 step %scan3A_83  : i32 {
        %run_scoped3A = arith.constant 1 : i32
        "tpu.region"() ({
          %run_scoped3A_86 = tpu.sem_alloc : memref<!tpu.dma_semaphore, #tpu.memory_space<semaphore_mem>>
          %dma_start3A = arith.constant 0 : i32
          %dma_start3A_87 = tpu.memref_slice %arg4[%run_scoped3A, %scan3A_85, %dma_start3A] : memref<2x4x128xi32, #tpu.memory_space<vmem>> -> memref<1x1x128xi32, #tpu.memory_space<vmem>>
          %dma_start3A_88 = tpu.memref_squeeze %dma_start3A_87 : memref<1x1x128xi32, #tpu.memory_space<vmem>> -> memref<128xi32, #tpu.memory_space<vmem>>
          %dma_start3A_89 = arith.constant 0 : i32
          %dma_start3A_90 = tpu.memref_slice %arg7[%dma_start3A_89] : memref<10240xf32, #tpu.memory_space<vmem_shared>> -> memref<10240xf32, #tpu.memory_space<vmem_shared>>
          tpu.enqueue_indirect_dma source(%arg5 : memref<128xf32, #tpu.memory_space<vmem>>) target(%dma_start3A_90 : memref<10240xf32, #tpu.memory_space<vmem_shared>>) offsets(%dma_start3A_88 : memref<128xi32, #tpu.memory_space<vmem>>) semaphore(%run_scoped3A_86 : memref<!tpu.dma_semaphore, #tpu.memory_space<semaphore_mem>>) {add = true}
          %dma_wait3A = arith.constant 0 : i32
          %dma_wait3A_91 = tpu.memref_slice %arg4[%run_scoped3A, %scan3A_85, %dma_wait3A] : memref<2x4x128xi32, #tpu.memory_space<vmem>> -> memref<1x1x128xi32, #tpu.memory_space<vmem>>
          %dma_wait3A_92 = tpu.memref_squeeze %dma_wait3A_91 : memref<1x1x128xi32, #tpu.memory_space<vmem>> -> memref<128xi32, #tpu.memory_space<vmem>>
          %dma_wait3A_93 = arith.constant 0 : i32
          %dma_wait3A_94 = tpu.memref_slice %arg7[%dma_wait3A_93] : memref<10240xf32, #tpu.memory_space<vmem_shared>> -> memref<10240xf32, #tpu.memory_space<vmem_shared>>
          tpu.wait_indirect_dma semaphore(%run_scoped3A_86 : memref<!tpu.dma_semaphore, #tpu.memory_space<semaphore_mem>>) src(%arg5 : memref<128xf32, #tpu.memory_space<vmem>>) dst(%dma_wait3A_94 : memref<10240xf32, #tpu.memory_space<vmem_shared>>)
          tpu.yield
        }) : () -> ()
      }
      %scan3A_84 = arith.constant 4 : i32
    }
    %barrier3A_72 = arith.constant 0 : index
    tpu.barrier barrier_id(%barrier3A_72)
    %mul3A_73 = arith.constant 640 : i32
    %mul3A_74 = arith.muli %arg1, %mul3A_73 : i32
    %mul3A_75 = arith.constant 640 : i32
    %mul3A_76 = arith.muli %arg1, %mul3A_75 : i32
    "tpu.region"() ({
      %run_scoped3A = tpu.sem_alloc : memref<!tpu.dma_semaphore, #tpu.memory_space<semaphore_mem>>
      %dma_start3A = tpu.memref_slice %arg3[%arg0, %mul3A_76] : memref<2x10240xf32, #tpu.memory_space<hbm>> -> memref<1x640xf32, #tpu.memory_space<hbm>>
      %dma_start3A_77 = tpu.memref_squeeze %dma_start3A : memref<1x640xf32, #tpu.memory_space<hbm>> -> memref<640xf32, #tpu.memory_space<hbm>>
      %dma_start3A_78 = tpu.memref_slice %arg7[%mul3A_74] : memref<10240xf32, #tpu.memory_space<vmem_shared>> -> memref<640xf32, #tpu.memory_space<vmem_shared>>
      tpu.enqueue_dma source(%dma_start3A_78 : memref<640xf32, #tpu.memory_space<vmem_shared>>) target(%dma_start3A_77 : memref<640xf32, #tpu.memory_space<hbm>>) target_semaphore(%run_scoped3A : memref<!tpu.dma_semaphore, #tpu.memory_space<semaphore_mem>>)
      %dma_wait3A = tpu.memref_slice %arg3[%arg0, %mul3A_76] : memref<2x10240xf32, #tpu.memory_space<hbm>> -> memref<1x640xf32, #tpu.memory_space<hbm>>
      %dma_wait3A_79 = tpu.memref_squeeze %dma_wait3A : memref<1x640xf32, #tpu.memory_space<hbm>> -> memref<640xf32, #tpu.memory_space<hbm>>
      %dma_wait3A_80 = tpu.memref_slice %arg7[%mul3A_74] : memref<10240xf32, #tpu.memory_space<vmem_shared>> -> memref<640xf32, #tpu.memory_space<vmem_shared>>
      tpu.wait_dma2 semaphore(%run_scoped3A : memref<!tpu.dma_semaphore, #tpu.memory_space<semaphore_mem>>) src(%dma_wait3A_80 : memref<640xf32, #tpu.memory_space<vmem_shared>>) dst(%dma_wait3A_79 : memref<640xf32, #tpu.memory_space<hbm>>)
      tpu.yield
    }) : () -> ()
    return
  }
}

#map = affine_map<(d0, d1) -> (0, 0)>
#map1 = affine_map<(d0, d1) -> (0, 0, 0, 0)>
#map2 = affine_map<(d0, d1) -> (0, 0, 0)>
module attributes {stable_mosaic.version = 14 : i64} {
  func.func @_row_scatter(%arg0: i32, %arg1: i32, %arg2: memref<10000x128xf32, #tpu.memory_space<hbm>>, %arg3: memref<640x2x4x128xi32, #tpu.memory_space<hbm>>, %arg4: memref<2x10240x128xf32, #tpu.memory_space<hbm>>, %arg5: memref<2x2x4x128xi32, #tpu.memory_space<vmem>>, %arg6: memref<2x128x128xf32, #tpu.memory_space<vmem>>, %arg7: memref<10240x128xf32, #tpu.memory_space<vmem_shared>>, %arg8: memref<!tpu.dma_semaphore, #tpu.memory_space<semaphore_mem>>, %arg9: memref<!tpu.dma_semaphore, #tpu.memory_space<semaphore_mem>>) attributes {dimension_semantics = [#tpu.dimension_semantics<core_parallel>, #tpu.dimension_semantics<subcore_parallel>], iteration_bounds = array<i64: 2, 16>, scalar_prefetch = 0 : i64, scratch_operands = 5 : i64, tpu.core_type = #tpu.core_type<sc_vector_subcore>, window_params = [{transform_indices = #map}, {transform_indices = #map1}, {transform_indices = #map2}]} {
    %eq3A = arith.constant 0 : i32
    %eq3A_0 = arith.cmpi eq, %arg0, %eq3A : i32
    %mul3A = arith.constant 20 : i32
    %mul3A_1 = arith.muli %arg1, %mul3A : i32
    %mul3A_2 = arith.constant 20 : i32
    %mul3A_3 = arith.muli %arg1, %mul3A_2 : i32
    %add3A = arith.constant 320 : i32
    %add3A_4 = arith.addi %add3A, %mul3A_3 : i32
    %select_n3A = arith.select %eq3A_0, %mul3A_1, %add3A_4 : i32
    %eq3A_5 = arith.constant 0 : i32
    %eq3A_6 = arith.cmpi eq, %arg0, %eq3A_5 : i32
    %select_n3A_7 = arith.constant 20 : i32
    %select_n3A_8 = arith.constant 20 : i32
    %select_n3A_9 = arith.select %eq3A_6, %select_n3A_8, %select_n3A_7 : i32
    %mul3A_10 = arith.constant 4 : i32
    %mul3A_11 = arith.muli %select_n3A_9, %mul3A_10 : i32
    %gt3A = arith.constant 0 : i32
    %gt3A_12 = arith.cmpi sgt, %select_n3A_9, %gt3A : i32
    %convert_element_type3A = arith.extui %gt3A_12 : i1 to i32
    %cond3A = arith.constant 0 : i32
    %cond3A_13 = arith.cmpi ne, %convert_element_type3A, %cond3A : i32
    scf.if %cond3A_13 {
      %run_scoped3A_67 = arith.constant 0 : i32
      "tpu.region"() ({
        %run_scoped3A_68 = tpu.sem_alloc : memref<!tpu.dma_semaphore, #tpu.memory_space<semaphore_mem>>
        %dma_start3A = arith.constant 0 : i32
        %dma_start3A_69 = arith.constant 0 : i32
        %dma_start3A_70 = arith.constant 0 : i32
        %dma_start3A_71 = tpu.memref_slice %arg5[%run_scoped3A_67, %dma_start3A, %dma_start3A_69, %dma_start3A_70] : memref<2x2x4x128xi32, #tpu.memory_space<vmem>> -> memref<1x2x4x128xi32, #tpu.memory_space<vmem>>
        %dma_start3A_72 = tpu.memref_squeeze %dma_start3A_71 : memref<1x2x4x128xi32, #tpu.memory_space<vmem>> -> memref<2x4x128xi32, #tpu.memory_space<vmem>>
        %dma_start3A_73 = arith.constant 0 : i32
        %dma_start3A_74 = arith.constant 0 : i32
        %dma_start3A_75 = arith.constant 0 : i32
        %dma_start3A_76 = tpu.memref_slice %arg3[%select_n3A, %dma_start3A_73, %dma_start3A_74, %dma_start3A_75] : memref<640x2x4x128xi32, #tpu.memory_space<hbm>> -> memref<1x2x4x128xi32, #tpu.memory_space<hbm>>
        %dma_start3A_77 = tpu.memref_squeeze %dma_start3A_76 : memref<1x2x4x128xi32, #tpu.memory_space<hbm>> -> memref<2x4x128xi32, #tpu.memory_space<hbm>>
        %dma_start3A_78 = arith.constant 0 : i32
        %dma_start3A_79 = arith.constant 0 : i32
        %dma_start3A_80 = arith.constant 0 : i32
        %dma_start3A_81 = tpu.memref_slice %arg5[%run_scoped3A_67, %dma_start3A_78, %dma_start3A_79, %dma_start3A_80] : memref<2x2x4x128xi32, #tpu.memory_space<vmem>> -> memref<1x2x4x128xi32, #tpu.memory_space<vmem>>
        %dma_start3A_82 = tpu.memref_squeeze %dma_start3A_81 : memref<1x2x4x128xi32, #tpu.memory_space<vmem>> -> memref<2x4x128xi32, #tpu.memory_space<vmem>>
        %dma_start3A_83 = arith.constant 0 : i32
        %dma_start3A_84 = arith.constant 0 : i32
        %dma_start3A_85 = arith.constant 0 : i32
        %dma_start3A_86 = tpu.memref_slice %arg3[%select_n3A, %dma_start3A_83, %dma_start3A_84, %dma_start3A_85] : memref<640x2x4x128xi32, #tpu.memory_space<hbm>> -> memref<1x2x4x128xi32, #tpu.memory_space<hbm>>
        %dma_start3A_87 = tpu.memref_squeeze %dma_start3A_86 : memref<1x2x4x128xi32, #tpu.memory_space<hbm>> -> memref<2x4x128xi32, #tpu.memory_space<hbm>>
        tpu.enqueue_dma source(%dma_start3A_87 : memref<2x4x128xi32, #tpu.memory_space<hbm>>) target(%dma_start3A_82 : memref<2x4x128xi32, #tpu.memory_space<vmem>>) target_semaphore(%run_scoped3A_68 : memref<!tpu.dma_semaphore, #tpu.memory_space<semaphore_mem>>)
        %dma_wait3A = arith.constant 0 : i32
        %dma_wait3A_88 = arith.constant 0 : i32
        %dma_wait3A_89 = arith.constant 0 : i32
        %dma_wait3A_90 = tpu.memref_slice %arg5[%run_scoped3A_67, %dma_wait3A, %dma_wait3A_88, %dma_wait3A_89] : memref<2x2x4x128xi32, #tpu.memory_space<vmem>> -> memref<1x2x4x128xi32, #tpu.memory_space<vmem>>
        %dma_wait3A_91 = tpu.memref_squeeze %dma_wait3A_90 : memref<1x2x4x128xi32, #tpu.memory_space<vmem>> -> memref<2x4x128xi32, #tpu.memory_space<vmem>>
        %dma_wait3A_92 = arith.constant 0 : i32
        %dma_wait3A_93 = arith.constant 0 : i32
        %dma_wait3A_94 = arith.constant 0 : i32
        %dma_wait3A_95 = tpu.memref_slice %arg3[%select_n3A, %dma_wait3A_92, %dma_wait3A_93, %dma_wait3A_94] : memref<640x2x4x128xi32, #tpu.memory_space<hbm>> -> memref<1x2x4x128xi32, #tpu.memory_space<hbm>>
        %dma_wait3A_96 = tpu.memref_squeeze %dma_wait3A_95 : memref<1x2x4x128xi32, #tpu.memory_space<hbm>> -> memref<2x4x128xi32, #tpu.memory_space<hbm>>
        %dma_wait3A_97 = arith.constant 0 : i32
        %dma_wait3A_98 = arith.constant 0 : i32
        %dma_wait3A_99 = arith.constant 0 : i32
        %dma_wait3A_100 = tpu.memref_slice %arg5[%run_scoped3A_67, %dma_wait3A_97, %dma_wait3A_98, %dma_wait3A_99] : memref<2x2x4x128xi32, #tpu.memory_space<vmem>> -> memref<1x2x4x128xi32, #tpu.memory_space<vmem>>
        %dma_wait3A_101 = tpu.memref_squeeze %dma_wait3A_100 : memref<1x2x4x128xi32, #tpu.memory_space<vmem>> -> memref<2x4x128xi32, #tpu.memory_space<vmem>>
        %dma_wait3A_102 = arith.constant 0 : i32
        %dma_wait3A_103 = arith.constant 0 : i32
        %dma_wait3A_104 = arith.constant 0 : i32
        %dma_wait3A_105 = tpu.memref_slice %arg3[%select_n3A, %dma_wait3A_102, %dma_wait3A_103, %dma_wait3A_104] : memref<640x2x4x128xi32, #tpu.memory_space<hbm>> -> memref<1x2x4x128xi32, #tpu.memory_space<hbm>>
        %dma_wait3A_106 = tpu.memref_squeeze %dma_wait3A_105 : memref<1x2x4x128xi32, #tpu.memory_space<hbm>> -> memref<2x4x128xi32, #tpu.memory_space<hbm>>
        tpu.wait_dma2 semaphore(%run_scoped3A_68 : memref<!tpu.dma_semaphore, #tpu.memory_space<semaphore_mem>>) src(%dma_wait3A_106 : memref<2x4x128xi32, #tpu.memory_space<hbm>>) dst(%dma_wait3A_101 : memref<2x4x128xi32, #tpu.memory_space<vmem>>)
        tpu.yield
      }) : () -> ()
    } else {
    }
    %gt3A_14 = arith.constant 1 : i32
    %gt3A_15 = arith.cmpi sgt, %select_n3A_9, %gt3A_14 : i32
    %convert_element_type3A_16 = arith.extui %gt3A_15 : i1 to i32
    %cond3A_17 = arith.constant 0 : i32
    %cond3A_18 = arith.cmpi ne, %convert_element_type3A_16, %cond3A_17 : i32
    scf.if %cond3A_18 {
      %add3A_67 = arith.constant 1 : i32
      %add3A_68 = arith.addi %select_n3A, %add3A_67 : i32
      %dma_start3A = arith.constant 1 : i32
      %dma_start3A_69 = arith.constant 0 : i32
      %dma_start3A_70 = arith.constant 0 : i32
      %dma_start3A_71 = arith.constant 0 : i32
      %dma_start3A_72 = tpu.memref_slice %arg5[%dma_start3A, %dma_start3A_69, %dma_start3A_70, %dma_start3A_71] : memref<2x2x4x128xi32, #tpu.memory_space<vmem>> -> memref<1x2x4x128xi32, #tpu.memory_space<vmem>>
      %dma_start3A_73 = tpu.memref_squeeze %dma_start3A_72 : memref<1x2x4x128xi32, #tpu.memory_space<vmem>> -> memref<2x4x128xi32, #tpu.memory_space<vmem>>
      %dma_start3A_74 = arith.constant 0 : i32
      %dma_start3A_75 = arith.constant 0 : i32
      %dma_start3A_76 = arith.constant 0 : i32
      %dma_start3A_77 = tpu.memref_slice %arg3[%add3A_68, %dma_start3A_74, %dma_start3A_75, %dma_start3A_76] : memref<640x2x4x128xi32, #tpu.memory_space<hbm>> -> memref<1x2x4x128xi32, #tpu.memory_space<hbm>>
      %dma_start3A_78 = tpu.memref_squeeze %dma_start3A_77 : memref<1x2x4x128xi32, #tpu.memory_space<hbm>> -> memref<2x4x128xi32, #tpu.memory_space<hbm>>
      %dma_start3A_79 = arith.constant 0 : i32
      %dma_start3A_80 = arith.constant 0 : i32
      %dma_start3A_81 = arith.constant 0 : i32
      %dma_start3A_82 = tpu.memref_slice %arg5[%dma_start3A, %dma_start3A_79, %dma_start3A_80, %dma_start3A_81] : memref<2x2x4x128xi32, #tpu.memory_space<vmem>> -> memref<1x2x4x128xi32, #tpu.memory_space<vmem>>
      %dma_start3A_83 = tpu.memref_squeeze %dma_start3A_82 : memref<1x2x4x128xi32, #tpu.memory_space<vmem>> -> memref<2x4x128xi32, #tpu.memory_space<vmem>>
      %dma_start3A_84 = arith.constant 0 : i32
      %dma_start3A_85 = arith.constant 0 : i32
      %dma_start3A_86 = arith.constant 0 : i32
      %dma_start3A_87 = tpu.memref_slice %arg3[%add3A_68, %dma_start3A_84, %dma_start3A_85, %dma_start3A_86] : memref<640x2x4x128xi32, #tpu.memory_space<hbm>> -> memref<1x2x4x128xi32, #tpu.memory_space<hbm>>
      %dma_start3A_88 = tpu.memref_squeeze %dma_start3A_87 : memref<1x2x4x128xi32, #tpu.memory_space<hbm>> -> memref<2x4x128xi32, #tpu.memory_space<hbm>>
      tpu.enqueue_dma source(%dma_start3A_88 : memref<2x4x128xi32, #tpu.memory_space<hbm>>) target(%dma_start3A_83 : memref<2x4x128xi32, #tpu.memory_space<vmem>>) target_semaphore(%arg8 : memref<!tpu.dma_semaphore, #tpu.memory_space<semaphore_mem>>)
    } else {
    }
    %scan3A = arith.constant 0 : i32
    %scan3A_19 = arith.constant 0 : i32
    %scan3A_20 = arith.constant 1024 : i32
    %scan3A_21 = arith.addi %scan3A_19, %scan3A_20 : i32
    %scan3A_22 = arith.constant 1 : i32
    scf.for %scan3A_67 = %scan3A_19 to %scan3A_21 step %scan3A_22  : i32 {
      %jit3A = arith.constant 8 : i32
      %div3A = arith.divsi %scan3A_67, %jit3A : i32
      %sign3A = arith.constant 0 : i32
      %sign3A_68 = arith.cmpi sgt, %scan3A_67, %sign3A : i32
      %sign3A_69 = arith.extui %sign3A_68 : i1 to i32
      %sign3A_70 = arith.constant 0 : i32
      %sign3A_71 = arith.cmpi slt, %scan3A_67, %sign3A_70 : i32
      %sign3A_72 = arith.extui %sign3A_71 : i1 to i32
      %sign3A_73 = arith.subi %sign3A_69, %sign3A_72 : i32
      %sign3A_74 = arith.constant 0 : i32
      %sign3A_75 = arith.cmpi sgt, %jit3A, %sign3A_74 : i32
      %sign3A_76 = arith.extui %sign3A_75 : i1 to i32
      %sign3A_77 = arith.constant 0 : i32
      %sign3A_78 = arith.cmpi slt, %jit3A, %sign3A_77 : i32
      %sign3A_79 = arith.extui %sign3A_78 : i1 to i32
      %sign3A_80 = arith.subi %sign3A_76, %sign3A_79 : i32
      %ne3A = arith.cmpi ne, %sign3A_73, %sign3A_80 : i32
      %rem3A = arith.remsi %scan3A_67, %jit3A : i32
      %ne3A_81 = arith.constant 0 : i32
      %ne3A_82 = arith.cmpi ne, %rem3A, %ne3A_81 : i32
      %and3A = arith.andi %ne3A, %ne3A_82 : i1
      %sub3A = arith.constant 1 : i32
      %sub3A_83 = arith.subi %div3A, %sub3A : i32
      %select_n3A_84 = arith.select %and3A, %sub3A_83, %div3A : i32
      %rem3A_85 = arith.constant 8 : i32
      %rem3A_86 = arith.remsi %scan3A_67, %rem3A_85 : i32
      %broadcast_in_dim3A = arith.constant 0.000000e+00 : f32
      %broadcast_in_dim3A_87 = vector.broadcast %broadcast_in_dim3A : f32 to vector<16xf32>
      %mul3A_88 = arith.constant 16 : i32
      %mul3A_89 = arith.muli %rem3A_86, %mul3A_88 : i32
      %swap3A = arith.constant 0 : i32
      %swap3A_90 = arith.index_cast %swap3A : i32 to index
      %swap3A_91 = arith.index_cast %select_n3A_84 : i32 to index
      %swap3A_92 = arith.index_cast %mul3A_89 : i32 to index
      %swap3A_93 = tpu.vector_load %arg6[%swap3A_90, %swap3A_91, %swap3A_92] {strides = array<i32>} : memref<2x128x128xf32, #tpu.memory_space<vmem>>, vector<1x1x16xf32>,
      %swap3A_94 = vector.shape_cast %swap3A_93 : vector<1x1x16xf32> to vector<16xf32>
      %swap3A_95 = vector.shape_cast %broadcast_in_dim3A_87 : vector<16xf32> to vector<1x1x16xf32>
      tpu.vector_store %arg6[%swap3A_90, %swap3A_91, %swap3A_92], %swap3A_95 {strides = array<i32>} : memref<2x128x128xf32, #tpu.memory_space<vmem>>, vector<1x1x16xf32>,
    }
    %scan3A_23 = arith.constant 1024 : i32
    %mul3A_24 = arith.constant 640 : i32
    %mul3A_25 = arith.muli %arg1, %mul3A_24 : i32
    %add3A_26 = arith.constant 0 : i32
    %add3A_27 = arith.addi %mul3A_25, %add3A_26 : i32
    %run_scoped3A = arith.constant 0 : i32
    "tpu.region"() ({
      %run_scoped3A_67 = tpu.sem_alloc : memref<!tpu.dma_semaphore, #tpu.memory_space<semaphore_mem>>
      %dma_start3A = arith.constant 0 : i32
      %dma_start3A_68 = arith.constant 0 : i32
      %dma_start3A_69 = tpu.memref_slice %arg6[%run_scoped3A, %dma_start3A, %dma_start3A_68] : memref<2x128x128xf32, #tpu.memory_space<vmem>> -> memref<1x128x128xf32, #tpu.memory_space<vmem>>
      %dma_start3A_70 = tpu.memref_squeeze %dma_start3A_69 : memref<1x128x128xf32, #tpu.memory_space<vmem>> -> memref<128x128xf32, #tpu.memory_space<vmem>>
      %dma_start3A_71 = arith.constant 0 : i32
      %dma_start3A_72 = tpu.memref_slice %arg7[%add3A_27, %dma_start3A_71] : memref<10240x128xf32, #tpu.memory_space<vmem_shared>> -> memref<128x128xf32, #tpu.memory_space<vmem_shared>>
      %dma_start3A_73 = arith.constant 0 : i32
      %dma_start3A_74 = tpu.memref_slice %arg7[%add3A_27, %dma_start3A_73] : memref<10240x128xf32, #tpu.memory_space<vmem_shared>> -> memref<128x128xf32, #tpu.memory_space<vmem_shared>>
      %dma_start3A_75 = arith.constant 0 : i32
      %dma_start3A_76 = arith.constant 0 : i32
      %dma_start3A_77 = tpu.memref_slice %arg6[%run_scoped3A, %dma_start3A_75, %dma_start3A_76] : memref<2x128x128xf32, #tpu.memory_space<vmem>> -> memref<1x128x128xf32, #tpu.memory_space<vmem>>
      %dma_start3A_78 = tpu.memref_squeeze %dma_start3A_77 : memref<1x128x128xf32, #tpu.memory_space<vmem>> -> memref<128x128xf32, #tpu.memory_space<vmem>>
      tpu.enqueue_dma source(%dma_start3A_78 : memref<128x128xf32, #tpu.memory_space<vmem>>) target(%dma_start3A_74 : memref<128x128xf32, #tpu.memory_space<vmem_shared>>) target_semaphore(%run_scoped3A_67 : memref<!tpu.dma_semaphore, #tpu.memory_space<semaphore_mem>>)
      %dma_wait3A = arith.constant 0 : i32
      %dma_wait3A_79 = arith.constant 0 : i32
      %dma_wait3A_80 = tpu.memref_slice %arg6[%run_scoped3A, %dma_wait3A, %dma_wait3A_79] : memref<2x128x128xf32, #tpu.memory_space<vmem>> -> memref<1x128x128xf32, #tpu.memory_space<vmem>>
      %dma_wait3A_81 = tpu.memref_squeeze %dma_wait3A_80 : memref<1x128x128xf32, #tpu.memory_space<vmem>> -> memref<128x128xf32, #tpu.memory_space<vmem>>
      %dma_wait3A_82 = arith.constant 0 : i32
      %dma_wait3A_83 = tpu.memref_slice %arg7[%add3A_27, %dma_wait3A_82] : memref<10240x128xf32, #tpu.memory_space<vmem_shared>> -> memref<128x128xf32, #tpu.memory_space<vmem_shared>>
      %dma_wait3A_84 = arith.constant 0 : i32
      %dma_wait3A_85 = tpu.memref_slice %arg7[%add3A_27, %dma_wait3A_84] : memref<10240x128xf32, #tpu.memory_space<vmem_shared>> -> memref<128x128xf32, #tpu.memory_space<vmem_shared>>
      %dma_wait3A_86 = arith.constant 0 : i32
      %dma_wait3A_87 = arith.constant 0 : i32
      %dma_wait3A_88 = tpu.memref_slice %arg6[%run_scoped3A, %dma_wait3A_86, %dma_wait3A_87] : memref<2x128x128xf32, #tpu.memory_space<vmem>> -> memref<1x128x128xf32, #tpu.memory_space<vmem>>
      %dma_wait3A_89 = tpu.memref_squeeze %dma_wait3A_88 : memref<1x128x128xf32, #tpu.memory_space<vmem>> -> memref<128x128xf32, #tpu.memory_space<vmem>>
      tpu.wait_dma2 semaphore(%run_scoped3A_67 : memref<!tpu.dma_semaphore, #tpu.memory_space<semaphore_mem>>) src(%dma_wait3A_89 : memref<128x128xf32, #tpu.memory_space<vmem>>) dst(%dma_wait3A_85 : memref<128x128xf32, #tpu.memory_space<vmem_shared>>)
      tpu.yield
    }) : () -> ()
    %mul3A_28 = arith.constant 640 : i32
    %mul3A_29 = arith.muli %arg1, %mul3A_28 : i32
    %add3A_30 = arith.constant 128 : i32
    %add3A_31 = arith.addi %mul3A_29, %add3A_30 : i32
    %run_scoped3A_32 = arith.constant 0 : i32
    "tpu.region"() ({
      %run_scoped3A_67 = tpu.sem_alloc : memref<!tpu.dma_semaphore, #tpu.memory_space<semaphore_mem>>
      %dma_start3A = arith.constant 0 : i32
      %dma_start3A_68 = arith.constant 0 : i32
      %dma_start3A_69 = tpu.memref_slice %arg6[%run_scoped3A_32, %dma_start3A, %dma_start3A_68] : memref<2x128x128xf32, #tpu.memory_space<vmem>> -> memref<1x128x128xf32, #tpu.memory_space<vmem>>
      %dma_start3A_70 = tpu.memref_squeeze %dma_start3A_69 : memref<1x128x128xf32, #tpu.memory_space<vmem>> -> memref<128x128xf32, #tpu.memory_space<vmem>>
      %dma_start3A_71 = arith.constant 0 : i32
      %dma_start3A_72 = tpu.memref_slice %arg7[%add3A_31, %dma_start3A_71] : memref<10240x128xf32, #tpu.memory_space<vmem_shared>> -> memref<128x128xf32, #tpu.memory_space<vmem_shared>>
      %dma_start3A_73 = arith.constant 0 : i32
      %dma_start3A_74 = tpu.memref_slice %arg7[%add3A_31, %dma_start3A_73] : memref<10240x128xf32, #tpu.memory_space<vmem_shared>> -> memref<128x128xf32, #tpu.memory_space<vmem_shared>>
      %dma_start3A_75 = arith.constant 0 : i32
      %dma_start3A_76 = arith.constant 0 : i32
      %dma_start3A_77 = tpu.memref_slice %arg6[%run_scoped3A_32, %dma_start3A_75, %dma_start3A_76] : memref<2x128x128xf32, #tpu.memory_space<vmem>> -> memref<1x128x128xf32, #tpu.memory_space<vmem>>
      %dma_start3A_78 = tpu.memref_squeeze %dma_start3A_77 : memref<1x128x128xf32, #tpu.memory_space<vmem>> -> memref<128x128xf32, #tpu.memory_space<vmem>>
      tpu.enqueue_dma source(%dma_start3A_78 : memref<128x128xf32, #tpu.memory_space<vmem>>) target(%dma_start3A_74 : memref<128x128xf32, #tpu.memory_space<vmem_shared>>) target_semaphore(%run_scoped3A_67 : memref<!tpu.dma_semaphore, #tpu.memory_space<semaphore_mem>>)
      %dma_wait3A = arith.constant 0 : i32
      %dma_wait3A_79 = arith.constant 0 : i32
      %dma_wait3A_80 = tpu.memref_slice %arg6[%run_scoped3A_32, %dma_wait3A, %dma_wait3A_79] : memref<2x128x128xf32, #tpu.memory_space<vmem>> -> memref<1x128x128xf32, #tpu.memory_space<vmem>>
      %dma_wait3A_81 = tpu.memref_squeeze %dma_wait3A_80 : memref<1x128x128xf32, #tpu.memory_space<vmem>> -> memref<128x128xf32, #tpu.memory_space<vmem>>
      %dma_wait3A_82 = arith.constant 0 : i32
      %dma_wait3A_83 = tpu.memref_slice %arg7[%add3A_31, %dma_wait3A_82] : memref<10240x128xf32, #tpu.memory_space<vmem_shared>> -> memref<128x128xf32, #tpu.memory_space<vmem_shared>>
      %dma_wait3A_84 = arith.constant 0 : i32
      %dma_wait3A_85 = tpu.memref_slice %arg7[%add3A_31, %dma_wait3A_84] : memref<10240x128xf32, #tpu.memory_space<vmem_shared>> -> memref<128x128xf32, #tpu.memory_space<vmem_shared>>
      %dma_wait3A_86 = arith.constant 0 : i32
      %dma_wait3A_87 = arith.constant 0 : i32
      %dma_wait3A_88 = tpu.memref_slice %arg6[%run_scoped3A_32, %dma_wait3A_86, %dma_wait3A_87] : memref<2x128x128xf32, #tpu.memory_space<vmem>> -> memref<1x128x128xf32, #tpu.memory_space<vmem>>
      %dma_wait3A_89 = tpu.memref_squeeze %dma_wait3A_88 : memref<1x128x128xf32, #tpu.memory_space<vmem>> -> memref<128x128xf32, #tpu.memory_space<vmem>>
      tpu.wait_dma2 semaphore(%run_scoped3A_67 : memref<!tpu.dma_semaphore, #tpu.memory_space<semaphore_mem>>) src(%dma_wait3A_89 : memref<128x128xf32, #tpu.memory_space<vmem>>) dst(%dma_wait3A_85 : memref<128x128xf32, #tpu.memory_space<vmem_shared>>)
      tpu.yield
    }) : () -> ()
    %mul3A_33 = arith.constant 640 : i32
    %mul3A_34 = arith.muli %arg1, %mul3A_33 : i32
    %add3A_35 = arith.constant 256 : i32
    %add3A_36 = arith.addi %mul3A_34, %add3A_35 : i32
    %run_scoped3A_37 = arith.constant 0 : i32
    "tpu.region"() ({
      %run_scoped3A_67 = tpu.sem_alloc : memref<!tpu.dma_semaphore, #tpu.memory_space<semaphore_mem>>
      %dma_start3A = arith.constant 0 : i32
      %dma_start3A_68 = arith.constant 0 : i32
      %dma_start3A_69 = tpu.memref_slice %arg6[%run_scoped3A_37, %dma_start3A, %dma_start3A_68] : memref<2x128x128xf32, #tpu.memory_space<vmem>> -> memref<1x128x128xf32, #tpu.memory_space<vmem>>
      %dma_start3A_70 = tpu.memref_squeeze %dma_start3A_69 : memref<1x128x128xf32, #tpu.memory_space<vmem>> -> memref<128x128xf32, #tpu.memory_space<vmem>>
      %dma_start3A_71 = arith.constant 0 : i32
      %dma_start3A_72 = tpu.memref_slice %arg7[%add3A_36, %dma_start3A_71] : memref<10240x128xf32, #tpu.memory_space<vmem_shared>> -> memref<128x128xf32, #tpu.memory_space<vmem_shared>>
      %dma_start3A_73 = arith.constant 0 : i32
      %dma_start3A_74 = tpu.memref_slice %arg7[%add3A_36, %dma_start3A_73] : memref<10240x128xf32, #tpu.memory_space<vmem_shared>> -> memref<128x128xf32, #tpu.memory_space<vmem_shared>>
      %dma_start3A_75 = arith.constant 0 : i32
      %dma_start3A_76 = arith.constant 0 : i32
      %dma_start3A_77 = tpu.memref_slice %arg6[%run_scoped3A_37, %dma_start3A_75, %dma_start3A_76] : memref<2x128x128xf32, #tpu.memory_space<vmem>> -> memref<1x128x128xf32, #tpu.memory_space<vmem>>
      %dma_start3A_78 = tpu.memref_squeeze %dma_start3A_77 : memref<1x128x128xf32, #tpu.memory_space<vmem>> -> memref<128x128xf32, #tpu.memory_space<vmem>>
      tpu.enqueue_dma source(%dma_start3A_78 : memref<128x128xf32, #tpu.memory_space<vmem>>) target(%dma_start3A_74 : memref<128x128xf32, #tpu.memory_space<vmem_shared>>) target_semaphore(%run_scoped3A_67 : memref<!tpu.dma_semaphore, #tpu.memory_space<semaphore_mem>>)
      %dma_wait3A = arith.constant 0 : i32
      %dma_wait3A_79 = arith.constant 0 : i32
      %dma_wait3A_80 = tpu.memref_slice %arg6[%run_scoped3A_37, %dma_wait3A, %dma_wait3A_79] : memref<2x128x128xf32, #tpu.memory_space<vmem>> -> memref<1x128x128xf32, #tpu.memory_space<vmem>>
      %dma_wait3A_81 = tpu.memref_squeeze %dma_wait3A_80 : memref<1x128x128xf32, #tpu.memory_space<vmem>> -> memref<128x128xf32, #tpu.memory_space<vmem>>
      %dma_wait3A_82 = arith.constant 0 : i32
      %dma_wait3A_83 = tpu.memref_slice %arg7[%add3A_36, %dma_wait3A_82] : memref<10240x128xf32, #tpu.memory_space<vmem_shared>> -> memref<128x128xf32, #tpu.memory_space<vmem_shared>>
      %dma_wait3A_84 = arith.constant 0 : i32
      %dma_wait3A_85 = tpu.memref_slice %arg7[%add3A_36, %dma_wait3A_84] : memref<10240x128xf32, #tpu.memory_space<vmem_shared>> -> memref<128x128xf32, #tpu.memory_space<vmem_shared>>
      %dma_wait3A_86 = arith.constant 0 : i32
      %dma_wait3A_87 = arith.constant 0 : i32
      %dma_wait3A_88 = tpu.memref_slice %arg6[%run_scoped3A_37, %dma_wait3A_86, %dma_wait3A_87] : memref<2x128x128xf32, #tpu.memory_space<vmem>> -> memref<1x128x128xf32, #tpu.memory_space<vmem>>
      %dma_wait3A_89 = tpu.memref_squeeze %dma_wait3A_88 : memref<1x128x128xf32, #tpu.memory_space<vmem>> -> memref<128x128xf32, #tpu.memory_space<vmem>>
      tpu.wait_dma2 semaphore(%run_scoped3A_67 : memref<!tpu.dma_semaphore, #tpu.memory_space<semaphore_mem>>) src(%dma_wait3A_89 : memref<128x128xf32, #tpu.memory_space<vmem>>) dst(%dma_wait3A_85 : memref<128x128xf32, #tpu.memory_space<vmem_shared>>)
      tpu.yield
    }) : () -> ()
    %mul3A_38 = arith.constant 640 : i32
    %mul3A_39 = arith.muli %arg1, %mul3A_38 : i32
    %add3A_40 = arith.constant 384 : i32
    %add3A_41 = arith.addi %mul3A_39, %add3A_40 : i32
    %run_scoped3A_42 = arith.constant 0 : i32
    "tpu.region"() ({
      %run_scoped3A_67 = tpu.sem_alloc : memref<!tpu.dma_semaphore, #tpu.memory_space<semaphore_mem>>
      %dma_start3A = arith.constant 0 : i32
      %dma_start3A_68 = arith.constant 0 : i32
      %dma_start3A_69 = tpu.memref_slice %arg6[%run_scoped3A_42, %dma_start3A, %dma_start3A_68] : memref<2x128x128xf32, #tpu.memory_space<vmem>> -> memref<1x128x128xf32, #tpu.memory_space<vmem>>
      %dma_start3A_70 = tpu.memref_squeeze %dma_start3A_69 : memref<1x128x128xf32, #tpu.memory_space<vmem>> -> memref<128x128xf32, #tpu.memory_space<vmem>>
      %dma_start3A_71 = arith.constant 0 : i32
      %dma_start3A_72 = tpu.memref_slice %arg7[%add3A_41, %dma_start3A_71] : memref<10240x128xf32, #tpu.memory_space<vmem_shared>> -> memref<128x128xf32, #tpu.memory_space<vmem_shared>>
      %dma_start3A_73 = arith.constant 0 : i32
      %dma_start3A_74 = tpu.memref_slice %arg7[%add3A_41, %dma_start3A_73] : memref<10240x128xf32, #tpu.memory_space<vmem_shared>> -> memref<128x128xf32, #tpu.memory_space<vmem_shared>>
      %dma_start3A_75 = arith.constant 0 : i32
      %dma_start3A_76 = arith.constant 0 : i32
      %dma_start3A_77 = tpu.memref_slice %arg6[%run_scoped3A_42, %dma_start3A_75, %dma_start3A_76] : memref<2x128x128xf32, #tpu.memory_space<vmem>> -> memref<1x128x128xf32, #tpu.memory_space<vmem>>
      %dma_start3A_78 = tpu.memref_squeeze %dma_start3A_77 : memref<1x128x128xf32, #tpu.memory_space<vmem>> -> memref<128x128xf32, #tpu.memory_space<vmem>>
      tpu.enqueue_dma source(%dma_start3A_78 : memref<128x128xf32, #tpu.memory_space<vmem>>) target(%dma_start3A_74 : memref<128x128xf32, #tpu.memory_space<vmem_shared>>) target_semaphore(%run_scoped3A_67 : memref<!tpu.dma_semaphore, #tpu.memory_space<semaphore_mem>>)
      %dma_wait3A = arith.constant 0 : i32
      %dma_wait3A_79 = arith.constant 0 : i32
      %dma_wait3A_80 = tpu.memref_slice %arg6[%run_scoped3A_42, %dma_wait3A, %dma_wait3A_79] : memref<2x128x128xf32, #tpu.memory_space<vmem>> -> memref<1x128x128xf32, #tpu.memory_space<vmem>>
      %dma_wait3A_81 = tpu.memref_squeeze %dma_wait3A_80 : memref<1x128x128xf32, #tpu.memory_space<vmem>> -> memref<128x128xf32, #tpu.memory_space<vmem>>
      %dma_wait3A_82 = arith.constant 0 : i32
      %dma_wait3A_83 = tpu.memref_slice %arg7[%add3A_41, %dma_wait3A_82] : memref<10240x128xf32, #tpu.memory_space<vmem_shared>> -> memref<128x128xf32, #tpu.memory_space<vmem_shared>>
      %dma_wait3A_84 = arith.constant 0 : i32
      %dma_wait3A_85 = tpu.memref_slice %arg7[%add3A_41, %dma_wait3A_84] : memref<10240x128xf32, #tpu.memory_space<vmem_shared>> -> memref<128x128xf32, #tpu.memory_space<vmem_shared>>
      %dma_wait3A_86 = arith.constant 0 : i32
      %dma_wait3A_87 = arith.constant 0 : i32
      %dma_wait3A_88 = tpu.memref_slice %arg6[%run_scoped3A_42, %dma_wait3A_86, %dma_wait3A_87] : memref<2x128x128xf32, #tpu.memory_space<vmem>> -> memref<1x128x128xf32, #tpu.memory_space<vmem>>
      %dma_wait3A_89 = tpu.memref_squeeze %dma_wait3A_88 : memref<1x128x128xf32, #tpu.memory_space<vmem>> -> memref<128x128xf32, #tpu.memory_space<vmem>>
      tpu.wait_dma2 semaphore(%run_scoped3A_67 : memref<!tpu.dma_semaphore, #tpu.memory_space<semaphore_mem>>) src(%dma_wait3A_89 : memref<128x128xf32, #tpu.memory_space<vmem>>) dst(%dma_wait3A_85 : memref<128x128xf32, #tpu.memory_space<vmem_shared>>)
      tpu.yield
    }) : () -> ()
    %mul3A_43 = arith.constant 640 : i32
    %mul3A_44 = arith.muli %arg1, %mul3A_43 : i32
    %add3A_45 = arith.constant 512 : i32
    %add3A_46 = arith.addi %mul3A_44, %add3A_45 : i32
    %run_scoped3A_47 = arith.constant 0 : i32
    "tpu.region"() ({
      %run_scoped3A_67 = tpu.sem_alloc : memref<!tpu.dma_semaphore, #tpu.memory_space<semaphore_mem>>
      %dma_start3A = arith.constant 0 : i32
      %dma_start3A_68 = arith.constant 0 : i32
      %dma_start3A_69 = tpu.memref_slice %arg6[%run_scoped3A_47, %dma_start3A, %dma_start3A_68] : memref<2x128x128xf32, #tpu.memory_space<vmem>> -> memref<1x128x128xf32, #tpu.memory_space<vmem>>
      %dma_start3A_70 = tpu.memref_squeeze %dma_start3A_69 : memref<1x128x128xf32, #tpu.memory_space<vmem>> -> memref<128x128xf32, #tpu.memory_space<vmem>>
      %dma_start3A_71 = arith.constant 0 : i32
      %dma_start3A_72 = tpu.memref_slice %arg7[%add3A_46, %dma_start3A_71] : memref<10240x128xf32, #tpu.memory_space<vmem_shared>> -> memref<128x128xf32, #tpu.memory_space<vmem_shared>>
      %dma_start3A_73 = arith.constant 0 : i32
      %dma_start3A_74 = tpu.memref_slice %arg7[%add3A_46, %dma_start3A_73] : memref<10240x128xf32, #tpu.memory_space<vmem_shared>> -> memref<128x128xf32, #tpu.memory_space<vmem_shared>>
      %dma_start3A_75 = arith.constant 0 : i32
      %dma_start3A_76 = arith.constant 0 : i32
      %dma_start3A_77 = tpu.memref_slice %arg6[%run_scoped3A_47, %dma_start3A_75, %dma_start3A_76] : memref<2x128x128xf32, #tpu.memory_space<vmem>> -> memref<1x128x128xf32, #tpu.memory_space<vmem>>
      %dma_start3A_78 = tpu.memref_squeeze %dma_start3A_77 : memref<1x128x128xf32, #tpu.memory_space<vmem>> -> memref<128x128xf32, #tpu.memory_space<vmem>>
      tpu.enqueue_dma source(%dma_start3A_78 : memref<128x128xf32, #tpu.memory_space<vmem>>) target(%dma_start3A_74 : memref<128x128xf32, #tpu.memory_space<vmem_shared>>) target_semaphore(%run_scoped3A_67 : memref<!tpu.dma_semaphore, #tpu.memory_space<semaphore_mem>>)
      %dma_wait3A = arith.constant 0 : i32
      %dma_wait3A_79 = arith.constant 0 : i32
      %dma_wait3A_80 = tpu.memref_slice %arg6[%run_scoped3A_47, %dma_wait3A, %dma_wait3A_79] : memref<2x128x128xf32, #tpu.memory_space<vmem>> -> memref<1x128x128xf32, #tpu.memory_space<vmem>>
      %dma_wait3A_81 = tpu.memref_squeeze %dma_wait3A_80 : memref<1x128x128xf32, #tpu.memory_space<vmem>> -> memref<128x128xf32, #tpu.memory_space<vmem>>
      %dma_wait3A_82 = arith.constant 0 : i32
      %dma_wait3A_83 = tpu.memref_slice %arg7[%add3A_46, %dma_wait3A_82] : memref<10240x128xf32, #tpu.memory_space<vmem_shared>> -> memref<128x128xf32, #tpu.memory_space<vmem_shared>>
      %dma_wait3A_84 = arith.constant 0 : i32
      %dma_wait3A_85 = tpu.memref_slice %arg7[%add3A_46, %dma_wait3A_84] : memref<10240x128xf32, #tpu.memory_space<vmem_shared>> -> memref<128x128xf32, #tpu.memory_space<vmem_shared>>
      %dma_wait3A_86 = arith.constant 0 : i32
      %dma_wait3A_87 = arith.constant 0 : i32
      %dma_wait3A_88 = tpu.memref_slice %arg6[%run_scoped3A_47, %dma_wait3A_86, %dma_wait3A_87] : memref<2x128x128xf32, #tpu.memory_space<vmem>> -> memref<1x128x128xf32, #tpu.memory_space<vmem>>
      %dma_wait3A_89 = tpu.memref_squeeze %dma_wait3A_88 : memref<1x128x128xf32, #tpu.memory_space<vmem>> -> memref<128x128xf32, #tpu.memory_space<vmem>>
      tpu.wait_dma2 semaphore(%run_scoped3A_67 : memref<!tpu.dma_semaphore, #tpu.memory_space<semaphore_mem>>) src(%dma_wait3A_89 : memref<128x128xf32, #tpu.memory_space<vmem>>) dst(%dma_wait3A_85 : memref<128x128xf32, #tpu.memory_space<vmem_shared>>)
      tpu.yield
    }) : () -> ()
    %barrier3A = arith.constant 0 : index
    tpu.barrier barrier_id(%barrier3A)
    %gt3A_48 = arith.constant 0 : i32
    %gt3A_49 = arith.cmpi sgt, %select_n3A_9, %gt3A_48 : i32
    %convert_element_type3A_50 = arith.extui %gt3A_49 : i1 to i32
    %cond3A_51 = arith.constant 0 : i32
    %cond3A_52 = arith.cmpi ne, %convert_element_type3A_50, %cond3A_51 : i32
    scf.if %cond3A_52 {
      %dma_start3A = arith.constant 0 : i32
      %dma_start3A_67 = arith.constant 0 : i32
      %dma_start3A_68 = arith.constant 0 : i32
      %dma_start3A_69 = arith.constant 0 : i32
      %dma_start3A_70 = arith.constant 0 : i32
      %dma_start3A_71 = arith.constant 0 : i32
      %dma_start3A_72 = tpu.memref_slice %arg6[%dma_start3A_69, %dma_start3A_70, %dma_start3A_71] : memref<2x128x128xf32, #tpu.memory_space<vmem>> -> memref<1x128x128xf32, #tpu.memory_space<vmem>>
      %dma_start3A_73 = tpu.memref_squeeze %dma_start3A_72 : memref<1x128x128xf32, #tpu.memory_space<vmem>> -> memref<128x128xf32, #tpu.memory_space<vmem>>
      %dma_start3A_74 = arith.constant 0 : i32
      %dma_start3A_75 = tpu.memref_slice %arg5[%dma_start3A, %dma_start3A_67, %dma_start3A_68, %dma_start3A_74] : memref<2x2x4x128xi32, #tpu.memory_space<vmem>> -> memref<1x1x1x128xi32, #tpu.memory_space<vmem>>
      %dma_start3A_76 = tpu.memref_squeeze %dma_start3A_75 : memref<1x1x1x128xi32, #tpu.memory_space<vmem>> -> memref<128xi32, #tpu.memory_space<vmem>>
      %dma_start3A_77 = arith.constant 0 : i32
      %dma_start3A_78 = arith.constant 0 : i32
      %dma_start3A_79 = tpu.memref_slice %arg2[%dma_start3A_77, %dma_start3A_78] : memref<10000x128xf32, #tpu.memory_space<hbm>> -> memref<10000x128xf32, #tpu.memory_space<hbm>>
      tpu.enqueue_indirect_dma source(%dma_start3A_79 : memref<10000x128xf32, #tpu.memory_space<hbm>>) target(%dma_start3A_73 : memref<128x128xf32, #tpu.memory_space<vmem>>) offsets(%dma_start3A_76 : memref<128xi32, #tpu.memory_space<vmem>>) semaphore(%arg9 : memref<!tpu.dma_semaphore, #tpu.memory_space<semaphore_mem>>)
    } else {
    }
    %while3A = arith.constant 0 : i32
    %while3A_53 = arith.constant 0 : i32
    %while3A_54 = arith.subi %mul3A_11, %while3A_53 : i32
    %while3A_55 = arith.addi %while3A_53, %while3A_54 : i32
    %while3A_56 = arith.constant 1 : i32
    %while3A_57 = arith.divsi %while3A_54, %while3A_56 : i32
    %while3A_58 = arith.muli %while3A_57, %while3A_56 : i32
    %while3A_59 = arith.addi %while3A_53, %while3A_58 : i32
    %while3A_60 = arith.constant 1 : i32
    scf.for %while3A_67 = %while3A_53 to %while3A_59 step %while3A_60  : i32 {
      %jit3A = arith.constant 4 : i32
      %div3A = arith.divsi %while3A_67, %jit3A : i32
      %sign3A = arith.constant 0 : i32
      %sign3A_68 = arith.cmpi sgt, %while3A_67, %sign3A : i32
      %sign3A_69 = arith.extui %sign3A_68 : i1 to i32
      %sign3A_70 = arith.constant 0 : i32
      %sign3A_71 = arith.cmpi slt, %while3A_67, %sign3A_70 : i32
      %sign3A_72 = arith.extui %sign3A_71 : i1 to i32
      %sign3A_73 = arith.subi %sign3A_69, %sign3A_72 : i32
      %sign3A_74 = arith.constant 0 : i32
      %sign3A_75 = arith.cmpi sgt, %jit3A, %sign3A_74 : i32
      %sign3A_76 = arith.extui %sign3A_75 : i1 to i32
      %sign3A_77 = arith.constant 0 : i32
      %sign3A_78 = arith.cmpi slt, %jit3A, %sign3A_77 : i32
      %sign3A_79 = arith.extui %sign3A_78 : i1 to i32
      %sign3A_80 = arith.subi %sign3A_76, %sign3A_79 : i32
      %ne3A = arith.cmpi ne, %sign3A_73, %sign3A_80 : i32
      %rem3A = arith.remsi %while3A_67, %jit3A : i32
      %ne3A_81 = arith.constant 0 : i32
      %ne3A_82 = arith.cmpi ne, %rem3A, %ne3A_81 : i32
      %and3A = arith.andi %ne3A, %ne3A_82 : i1
      %sub3A = arith.constant 1 : i32
      %sub3A_83 = arith.subi %div3A, %sub3A : i32
      %select_n3A_84 = arith.select %and3A, %sub3A_83, %div3A : i32
      %rem3A_85 = arith.constant 4 : i32
      %rem3A_86 = arith.remsi %while3A_67, %rem3A_85 : i32
      %add3A_87 = arith.constant 1 : i32
      %add3A_88 = arith.addi %while3A_67, %add3A_87 : i32
      %jit3A_89 = arith.constant 4 : i32
      %div3A_90 = arith.divsi %add3A_88, %jit3A_89 : i32
      %sign3A_91 = arith.constant 0 : i32
      %sign3A_92 = arith.cmpi sgt, %add3A_88, %sign3A_91 : i32
      %sign3A_93 = arith.extui %sign3A_92 : i1 to i32
      %sign3A_94 = arith.constant 0 : i32
      %sign3A_95 = arith.cmpi slt, %add3A_88, %sign3A_94 : i32
      %sign3A_96 = arith.extui %sign3A_95 : i1 to i32
      %sign3A_97 = arith.subi %sign3A_93, %sign3A_96 : i32
      %sign3A_98 = arith.constant 0 : i32
      %sign3A_99 = arith.cmpi sgt, %jit3A_89, %sign3A_98 : i32
      %sign3A_100 = arith.extui %sign3A_99 : i1 to i32
      %sign3A_101 = arith.constant 0 : i32
      %sign3A_102 = arith.cmpi slt, %jit3A_89, %sign3A_101 : i32
      %sign3A_103 = arith.extui %sign3A_102 : i1 to i32
      %sign3A_104 = arith.subi %sign3A_100, %sign3A_103 : i32
      %ne3A_105 = arith.cmpi ne, %sign3A_97, %sign3A_104 : i32
      %rem3A_106 = arith.remsi %add3A_88, %jit3A_89 : i32
      %ne3A_107 = arith.constant 0 : i32
      %ne3A_108 = arith.cmpi ne, %rem3A_106, %ne3A_107 : i32
      %and3A_109 = arith.andi %ne3A_105, %ne3A_108 : i1
      %sub3A_110 = arith.constant 1 : i32
      %sub3A_111 = arith.subi %div3A_90, %sub3A_110 : i32
      %select_n3A_112 = arith.select %and3A_109, %sub3A_111, %div3A_90 : i32
      %rem3A_113 = arith.constant 4 : i32
      %rem3A_114 = arith.remsi %add3A_88, %rem3A_113 : i32
      %eq3A_115 = arith.constant 3 : i32
      %eq3A_116 = arith.cmpi eq, %rem3A_86, %eq3A_115 : i32
      %lt3A = arith.cmpi slt, %add3A_88, %mul3A_11 : i32
      %and3A_117 = arith.andi %eq3A_116, %lt3A : i1
      %convert_element_type3A_118 = arith.extui %and3A_117 : i1 to i32
      %cond3A_119 = arith.constant 0 : i32
      %cond3A_120 = arith.cmpi ne, %convert_element_type3A_118, %cond3A_119 : i32
      scf.if %cond3A_120 {
        %rem3A_152 = arith.constant 2 : i32
        %rem3A_153 = arith.remsi %select_n3A_112, %rem3A_152 : i32
        %dma_wait3A_154 = arith.constant 0 : i32
        %dma_wait3A_155 = arith.constant 0 : i32
        %dma_wait3A_156 = arith.constant 0 : i32
        %dma_wait3A_157 = arith.constant 0 : i32
        %dma_wait3A_158 = tpu.memref_slice %arg5[%rem3A_153, %dma_wait3A_155, %dma_wait3A_156, %dma_wait3A_157] : memref<2x2x4x128xi32, #tpu.memory_space<vmem>> -> memref<1x2x4x128xi32, #tpu.memory_space<vmem>>
        %dma_wait3A_159 = tpu.memref_squeeze %dma_wait3A_158 : memref<1x2x4x128xi32, #tpu.memory_space<vmem>> -> memref<2x4x128xi32, #tpu.memory_space<vmem>>
        %dma_wait3A_160 = arith.constant 0 : i32
        %dma_wait3A_161 = arith.constant 0 : i32
        %dma_wait3A_162 = arith.constant 0 : i32
        %dma_wait3A_163 = tpu.memref_slice %arg3[%dma_wait3A_154, %dma_wait3A_160, %dma_wait3A_161, %dma_wait3A_162] : memref<640x2x4x128xi32, #tpu.memory_space<hbm>> -> memref<1x2x4x128xi32, #tpu.memory_space<hbm>>
        %dma_wait3A_164 = tpu.memref_squeeze %dma_wait3A_163 : memref<1x2x4x128xi32, #tpu.memory_space<hbm>> -> memref<2x4x128xi32, #tpu.memory_space<hbm>>
        %dma_wait3A_165 = arith.constant 0 : i32
        %dma_wait3A_166 = arith.constant 0 : i32
        %dma_wait3A_167 = arith.constant 0 : i32
        %dma_wait3A_168 = tpu.memref_slice %arg5[%rem3A_153, %dma_wait3A_165, %dma_wait3A_166, %dma_wait3A_167] : memref<2x2x4x128xi32, #tpu.memory_space<vmem>> -> memref<1x2x4x128xi32, #tpu.memory_space<vmem>>
        %dma_wait3A_169 = tpu.memref_squeeze %dma_wait3A_168 : memref<1x2x4x128xi32, #tpu.memory_space<vmem>> -> memref<2x4x128xi32, #tpu.memory_space<vmem>>
        %dma_wait3A_170 = arith.constant 0 : i32
        %dma_wait3A_171 = arith.constant 0 : i32
        %dma_wait3A_172 = arith.constant 0 : i32
        %dma_wait3A_173 = tpu.memref_slice %arg3[%dma_wait3A_154, %dma_wait3A_170, %dma_wait3A_171, %dma_wait3A_172] : memref<640x2x4x128xi32, #tpu.memory_space<hbm>> -> memref<1x2x4x128xi32, #tpu.memory_space<hbm>>
        %dma_wait3A_174 = tpu.memref_squeeze %dma_wait3A_173 : memref<1x2x4x128xi32, #tpu.memory_space<hbm>> -> memref<2x4x128xi32, #tpu.memory_space<hbm>>
        tpu.wait_dma2 semaphore(%arg8 : memref<!tpu.dma_semaphore, #tpu.memory_space<semaphore_mem>>) src(%dma_wait3A_174 : memref<2x4x128xi32, #tpu.memory_space<hbm>>) dst(%dma_wait3A_169 : memref<2x4x128xi32, #tpu.memory_space<vmem>>)
      } else {
      }
      %lt3A_121 = arith.cmpi slt, %add3A_88, %mul3A_11 : i32
      %convert_element_type3A_122 = arith.extui %lt3A_121 : i1 to i32
      %cond3A_123 = arith.constant 0 : i32
      %cond3A_124 = arith.cmpi ne, %convert_element_type3A_122, %cond3A_123 : i32
      scf.if %cond3A_124 {
        %rem3A_152 = arith.constant 2 : i32
        %rem3A_153 = arith.remsi %select_n3A_112, %rem3A_152 : i32
        %rem3A_154 = arith.constant 2 : i32
        %rem3A_155 = arith.remsi %add3A_88, %rem3A_154 : i32
        %dma_start3A = arith.constant 0 : i32
        %dma_start3A_156 = arith.constant 0 : i32
        %dma_start3A_157 = arith.constant 0 : i32
        %dma_start3A_158 = tpu.memref_slice %arg6[%rem3A_155, %dma_start3A_156, %dma_start3A_157] : memref<2x128x128xf32, #tpu.memory_space<vmem>> -> memref<1x128x128xf32, #tpu.memory_space<vmem>>
        %dma_start3A_159 = tpu.memref_squeeze %dma_start3A_158 : memref<1x128x128xf32, #tpu.memory_space<vmem>> -> memref<128x128xf32, #tpu.memory_space<vmem>>
        %dma_start3A_160 = arith.constant 0 : i32
        %dma_start3A_161 = tpu.memref_slice %arg5[%rem3A_153, %dma_start3A, %rem3A_114, %dma_start3A_160] : memref<2x2x4x128xi32, #tpu.memory_space<vmem>> -> memref<1x1x1x128xi32, #tpu.memory_space<vmem>>
        %dma_start3A_162 = tpu.memref_squeeze %dma_start3A_161 : memref<1x1x1x128xi32, #tpu.memory_space<vmem>> -> memref<128xi32, #tpu.memory_space<vmem>>
        %dma_start3A_163 = arith.constant 0 : i32
        %dma_start3A_164 = arith.constant 0 : i32
        %dma_start3A_165 = tpu.memref_slice %arg2[%dma_start3A_163, %dma_start3A_164] : memref<10000x128xf32, #tpu.memory_space<hbm>> -> memref<10000x128xf32, #tpu.memory_space<hbm>>
        tpu.enqueue_indirect_dma source(%dma_start3A_165 : memref<10000x128xf32, #tpu.memory_space<hbm>>) target(%dma_start3A_159 : memref<128x128xf32, #tpu.memory_space<vmem>>) offsets(%dma_start3A_162 : memref<128xi32, #tpu.memory_space<vmem>>) semaphore(%arg9 : memref<!tpu.dma_semaphore, #tpu.memory_space<semaphore_mem>>)
      } else {
      }
      %rem3A_125 = arith.constant 2 : i32
      %rem3A_126 = arith.remsi %while3A_67, %rem3A_125 : i32
      %dma_wait3A = arith.constant 0 : i32
      %dma_wait3A_127 = arith.constant 0 : i32
      %dma_wait3A_128 = tpu.memref_slice %arg6[%rem3A_126, %dma_wait3A, %dma_wait3A_127] : memref<2x128x128xf32, #tpu.memory_space<vmem>> -> memref<1x128x128xf32, #tpu.memory_space<vmem>>
      %dma_wait3A_129 = tpu.memref_squeeze %dma_wait3A_128 : memref<1x128x128xf32, #tpu.memory_space<vmem>> -> memref<128x128xf32, #tpu.memory_space<vmem>>
      %dma_wait3A_130 = arith.constant 0 : i32
      %dma_wait3A_131 = arith.constant 0 : i32
      %dma_wait3A_132 = tpu.memref_slice %arg2[%dma_wait3A_130, %dma_wait3A_131] : memref<10000x128xf32, #tpu.memory_space<hbm>> -> memref<128x128xf32, #tpu.memory_space<hbm>>
      %dma_wait3A_133 = arith.constant 0 : i32
      %dma_wait3A_134 = arith.constant 0 : i32
      %dma_wait3A_135 = tpu.memref_slice %arg6[%rem3A_126, %dma_wait3A_133, %dma_wait3A_134] : memref<2x128x128xf32, #tpu.memory_space<vmem>> -> memref<1x128x128xf32, #tpu.memory_space<vmem>>
      %dma_wait3A_136 = tpu.memref_squeeze %dma_wait3A_135 : memref<1x128x128xf32, #tpu.memory_space<vmem>> -> memref<128x128xf32, #tpu.memory_space<vmem>>
      %dma_wait3A_137 = arith.constant 0 : i32
      %dma_wait3A_138 = arith.constant 0 : i32
      %dma_wait3A_139 = tpu.memref_slice %arg2[%dma_wait3A_137, %dma_wait3A_138] : memref<10000x128xf32, #tpu.memory_space<hbm>> -> memref<128x128xf32, #tpu.memory_space<hbm>>
      tpu.wait_dma2 semaphore(%arg9 : memref<!tpu.dma_semaphore, #tpu.memory_space<semaphore_mem>>) src(%dma_wait3A_139 : memref<128x128xf32, #tpu.memory_space<hbm>>) dst(%dma_wait3A_136 : memref<128x128xf32, #tpu.memory_space<vmem>>)
      %rem3A_140 = arith.constant 2 : i32
      %rem3A_141 = arith.remsi %select_n3A_84, %rem3A_140 : i32
      %run_scoped3A_142 = arith.constant 1 : i32
      "tpu.region"() ({
        %run_scoped3A_152 = tpu.sem_alloc : memref<!tpu.dma_semaphore, #tpu.memory_space<semaphore_mem>>
        %dma_start3A = arith.constant 0 : i32
        %dma_start3A_153 = arith.constant 0 : i32
        %dma_start3A_154 = tpu.memref_slice %arg6[%rem3A_126, %dma_start3A, %dma_start3A_153] : memref<2x128x128xf32, #tpu.memory_space<vmem>> -> memref<1x128x128xf32, #tpu.memory_space<vmem>>
        %dma_start3A_155 = tpu.memref_squeeze %dma_start3A_154 : memref<1x128x128xf32, #tpu.memory_space<vmem>> -> memref<128x128xf32, #tpu.memory_space<vmem>>
        %dma_start3A_156 = arith.constant 0 : i32
        %dma_start3A_157 = tpu.memref_slice %arg5[%rem3A_141, %run_scoped3A_142, %rem3A_86, %dma_start3A_156] : memref<2x2x4x128xi32, #tpu.memory_space<vmem>> -> memref<1x1x1x128xi32, #tpu.memory_space<vmem>>
        %dma_start3A_158 = tpu.memref_squeeze %dma_start3A_157 : memref<1x1x1x128xi32, #tpu.memory_space<vmem>> -> memref<128xi32, #tpu.memory_space<vmem>>
        %dma_start3A_159 = arith.constant 0 : i32
        %dma_start3A_160 = arith.constant 0 : i32
        %dma_start3A_161 = tpu.memref_slice %arg7[%dma_start3A_159, %dma_start3A_160] : memref<10240x128xf32, #tpu.memory_space<vmem_shared>> -> memref<10240x128xf32, #tpu.memory_space<vmem_shared>>
        tpu.enqueue_indirect_dma source(%dma_start3A_155 : memref<128x128xf32, #tpu.memory_space<vmem>>) target(%dma_start3A_161 : memref<10240x128xf32, #tpu.memory_space<vmem_shared>>) offsets(%dma_start3A_158 : memref<128xi32, #tpu.memory_space<vmem>>) semaphore(%run_scoped3A_152 : memref<!tpu.dma_semaphore, #tpu.memory_space<semaphore_mem>>) {add = true}
        %dma_wait3A_162 = arith.constant 0 : i32
        %dma_wait3A_163 = arith.constant 0 : i32
        %dma_wait3A_164 = tpu.memref_slice %arg6[%rem3A_126, %dma_wait3A_162, %dma_wait3A_163] : memref<2x128x128xf32, #tpu.memory_space<vmem>> -> memref<1x128x128xf32, #tpu.memory_space<vmem>>
        %dma_wait3A_165 = tpu.memref_squeeze %dma_wait3A_164 : memref<1x128x128xf32, #tpu.memory_space<vmem>> -> memref<128x128xf32, #tpu.memory_space<vmem>>
        %dma_wait3A_166 = arith.constant 0 : i32
        %dma_wait3A_167 = tpu.memref_slice %arg5[%rem3A_141, %run_scoped3A_142, %rem3A_86, %dma_wait3A_166] : memref<2x2x4x128xi32, #tpu.memory_space<vmem>> -> memref<1x1x1x128xi32, #tpu.memory_space<vmem>>
        %dma_wait3A_168 = tpu.memref_squeeze %dma_wait3A_167 : memref<1x1x1x128xi32, #tpu.memory_space<vmem>> -> memref<128xi32, #tpu.memory_space<vmem>>
        %dma_wait3A_169 = arith.constant 0 : i32
        %dma_wait3A_170 = arith.constant 0 : i32
        %dma_wait3A_171 = tpu.memref_slice %arg7[%dma_wait3A_169, %dma_wait3A_170] : memref<10240x128xf32, #tpu.memory_space<vmem_shared>> -> memref<10240x128xf32, #tpu.memory_space<vmem_shared>>
        tpu.wait_indirect_dma semaphore(%run_scoped3A_152 : memref<!tpu.dma_semaphore, #tpu.memory_space<semaphore_mem>>) src(%dma_wait3A_165 : memref<128x128xf32, #tpu.memory_space<vmem>>) dst(%dma_wait3A_171 : memref<10240x128xf32, #tpu.memory_space<vmem_shared>>)
        tpu.yield
      }) : () -> ()
      %eq3A_143 = arith.constant 3 : i32
      %eq3A_144 = arith.cmpi eq, %rem3A_86, %eq3A_143 : i32
      %add3A_145 = arith.constant 2 : i32
      %add3A_146 = arith.addi %select_n3A_84, %add3A_145 : i32
      %lt3A_147 = arith.cmpi slt, %add3A_146, %select_n3A_9 : i32
      %and3A_148 = arith.andi %eq3A_144, %lt3A_147 : i1
      %convert_element_type3A_149 = arith.extui %and3A_148 : i1 to i32
      %cond3A_150 = arith.constant 0 : i32
      %cond3A_151 = arith.cmpi ne, %convert_element_type3A_149, %cond3A_150 : i32
      scf.if %cond3A_151 {
        %add3A_152 = arith.addi %select_n3A, %select_n3A_84 : i32
        %add3A_153 = arith.constant 2 : i32
        %add3A_154 = arith.addi %add3A_152, %add3A_153 : i32
        %rem3A_155 = arith.constant 2 : i32
        %rem3A_156 = arith.remsi %select_n3A_84, %rem3A_155 : i32
        %dma_start3A = arith.constant 0 : i32
        %dma_start3A_157 = arith.constant 0 : i32
        %dma_start3A_158 = arith.constant 0 : i32
        %dma_start3A_159 = tpu.memref_slice %arg5[%rem3A_156, %dma_start3A, %dma_start3A_157, %dma_start3A_158] : memref<2x2x4x128xi32, #tpu.memory_space<vmem>> -> memref<1x2x4x128xi32, #tpu.memory_space<vmem>>
        %dma_start3A_160 = tpu.memref_squeeze %dma_start3A_159 : memref<1x2x4x128xi32, #tpu.memory_space<vmem>> -> memref<2x4x128xi32, #tpu.memory_space<vmem>>
        %dma_start3A_161 = arith.constant 0 : i32
        %dma_start3A_162 = arith.constant 0 : i32
        %dma_start3A_163 = arith.constant 0 : i32
        %dma_start3A_164 = tpu.memref_slice %arg3[%add3A_154, %dma_start3A_161, %dma_start3A_162, %dma_start3A_163] : memref<640x2x4x128xi32, #tpu.memory_space<hbm>> -> memref<1x2x4x128xi32, #tpu.memory_space<hbm>>
        %dma_start3A_165 = tpu.memref_squeeze %dma_start3A_164 : memref<1x2x4x128xi32, #tpu.memory_space<hbm>> -> memref<2x4x128xi32, #tpu.memory_space<hbm>>
        %dma_start3A_166 = arith.constant 0 : i32
        %dma_start3A_167 = arith.constant 0 : i32
        %dma_start3A_168 = arith.constant 0 : i32
        %dma_start3A_169 = tpu.memref_slice %arg5[%rem3A_156, %dma_start3A_166, %dma_start3A_167, %dma_start3A_168] : memref<2x2x4x128xi32, #tpu.memory_space<vmem>> -> memref<1x2x4x128xi32, #tpu.memory_space<vmem>>
        %dma_start3A_170 = tpu.memref_squeeze %dma_start3A_169 : memref<1x2x4x128xi32, #tpu.memory_space<vmem>> -> memref<2x4x128xi32, #tpu.memory_space<vmem>>
        %dma_start3A_171 = arith.constant 0 : i32
        %dma_start3A_172 = arith.constant 0 : i32
        %dma_start3A_173 = arith.constant 0 : i32
        %dma_start3A_174 = tpu.memref_slice %arg3[%add3A_154, %dma_start3A_171, %dma_start3A_172, %dma_start3A_173] : memref<640x2x4x128xi32, #tpu.memory_space<hbm>> -> memref<1x2x4x128xi32, #tpu.memory_space<hbm>>
        %dma_start3A_175 = tpu.memref_squeeze %dma_start3A_174 : memref<1x2x4x128xi32, #tpu.memory_space<hbm>> -> memref<2x4x128xi32, #tpu.memory_space<hbm>>
        tpu.enqueue_dma source(%dma_start3A_175 : memref<2x4x128xi32, #tpu.memory_space<hbm>>) target(%dma_start3A_170 : memref<2x4x128xi32, #tpu.memory_space<vmem>>) target_semaphore(%arg8 : memref<!tpu.dma_semaphore, #tpu.memory_space<semaphore_mem>>)
      } else {
      }
    }
    %while3A_61 = arith.constant 1 : i32
    scf.for %while3A_67 = %while3A_59 to %while3A_55 step %while3A_61  : i32 {
      %jit3A = arith.constant 4 : i32
      %div3A = arith.divsi %while3A_67, %jit3A : i32
      %sign3A = arith.constant 0 : i32
      %sign3A_68 = arith.cmpi sgt, %while3A_67, %sign3A : i32
      %sign3A_69 = arith.extui %sign3A_68 : i1 to i32
      %sign3A_70 = arith.constant 0 : i32
      %sign3A_71 = arith.cmpi slt, %while3A_67, %sign3A_70 : i32
      %sign3A_72 = arith.extui %sign3A_71 : i1 to i32
      %sign3A_73 = arith.subi %sign3A_69, %sign3A_72 : i32
      %sign3A_74 = arith.constant 0 : i32
      %sign3A_75 = arith.cmpi sgt, %jit3A, %sign3A_74 : i32
      %sign3A_76 = arith.extui %sign3A_75 : i1 to i32
      %sign3A_77 = arith.constant 0 : i32
      %sign3A_78 = arith.cmpi slt, %jit3A, %sign3A_77 : i32
      %sign3A_79 = arith.extui %sign3A_78 : i1 to i32
      %sign3A_80 = arith.subi %sign3A_76, %sign3A_79 : i32
      %ne3A = arith.cmpi ne, %sign3A_73, %sign3A_80 : i32
      %rem3A = arith.remsi %while3A_67, %jit3A : i32
      %ne3A_81 = arith.constant 0 : i32
      %ne3A_82 = arith.cmpi ne, %rem3A, %ne3A_81 : i32
      %and3A = arith.andi %ne3A, %ne3A_82 : i1
      %sub3A = arith.constant 1 : i32
      %sub3A_83 = arith.subi %div3A, %sub3A : i32
      %select_n3A_84 = arith.select %and3A, %sub3A_83, %div3A : i32
      %rem3A_85 = arith.constant 4 : i32
      %rem3A_86 = arith.remsi %while3A_67, %rem3A_85 : i32
      %add3A_87 = arith.constant 1 : i32
      %add3A_88 = arith.addi %while3A_67, %add3A_87 : i32
      %jit3A_89 = arith.constant 4 : i32
      %div3A_90 = arith.divsi %add3A_88, %jit3A_89 : i32
      %sign3A_91 = arith.constant 0 : i32
      %sign3A_92 = arith.cmpi sgt, %add3A_88, %sign3A_91 : i32
      %sign3A_93 = arith.extui %sign3A_92 : i1 to i32
      %sign3A_94 = arith.constant 0 : i32
      %sign3A_95 = arith.cmpi slt, %add3A_88, %sign3A_94 : i32
      %sign3A_96 = arith.extui %sign3A_95 : i1 to i32
      %sign3A_97 = arith.subi %sign3A_93, %sign3A_96 : i32
      %sign3A_98 = arith.constant 0 : i32
      %sign3A_99 = arith.cmpi sgt, %jit3A_89, %sign3A_98 : i32
      %sign3A_100 = arith.extui %sign3A_99 : i1 to i32
      %sign3A_101 = arith.constant 0 : i32
      %sign3A_102 = arith.cmpi slt, %jit3A_89, %sign3A_101 : i32
      %sign3A_103 = arith.extui %sign3A_102 : i1 to i32
      %sign3A_104 = arith.subi %sign3A_100, %sign3A_103 : i32
      %ne3A_105 = arith.cmpi ne, %sign3A_97, %sign3A_104 : i32
      %rem3A_106 = arith.remsi %add3A_88, %jit3A_89 : i32
      %ne3A_107 = arith.constant 0 : i32
      %ne3A_108 = arith.cmpi ne, %rem3A_106, %ne3A_107 : i32
      %and3A_109 = arith.andi %ne3A_105, %ne3A_108 : i1
      %sub3A_110 = arith.constant 1 : i32
      %sub3A_111 = arith.subi %div3A_90, %sub3A_110 : i32
      %select_n3A_112 = arith.select %and3A_109, %sub3A_111, %div3A_90 : i32
      %rem3A_113 = arith.constant 4 : i32
      %rem3A_114 = arith.remsi %add3A_88, %rem3A_113 : i32
      %eq3A_115 = arith.constant 3 : i32
      %eq3A_116 = arith.cmpi eq, %rem3A_86, %eq3A_115 : i32
      %lt3A = arith.cmpi slt, %add3A_88, %mul3A_11 : i32
      %and3A_117 = arith.andi %eq3A_116, %lt3A : i1
      %convert_element_type3A_118 = arith.extui %and3A_117 : i1 to i32
      %cond3A_119 = arith.constant 0 : i32
      %cond3A_120 = arith.cmpi ne, %convert_element_type3A_118, %cond3A_119 : i32
      scf.if %cond3A_120 {
        %rem3A_152 = arith.constant 2 : i32
        %rem3A_153 = arith.remsi %select_n3A_112, %rem3A_152 : i32
        %dma_wait3A_154 = arith.constant 0 : i32
        %dma_wait3A_155 = arith.constant 0 : i32
        %dma_wait3A_156 = arith.constant 0 : i32
        %dma_wait3A_157 = arith.constant 0 : i32
        %dma_wait3A_158 = tpu.memref_slice %arg5[%rem3A_153, %dma_wait3A_155, %dma_wait3A_156, %dma_wait3A_157] : memref<2x2x4x128xi32, #tpu.memory_space<vmem>> -> memref<1x2x4x128xi32, #tpu.memory_space<vmem>>
        %dma_wait3A_159 = tpu.memref_squeeze %dma_wait3A_158 : memref<1x2x4x128xi32, #tpu.memory_space<vmem>> -> memref<2x4x128xi32, #tpu.memory_space<vmem>>
        %dma_wait3A_160 = arith.constant 0 : i32
        %dma_wait3A_161 = arith.constant 0 : i32
        %dma_wait3A_162 = arith.constant 0 : i32
        %dma_wait3A_163 = tpu.memref_slice %arg3[%dma_wait3A_154, %dma_wait3A_160, %dma_wait3A_161, %dma_wait3A_162] : memref<640x2x4x128xi32, #tpu.memory_space<hbm>> -> memref<1x2x4x128xi32, #tpu.memory_space<hbm>>
        %dma_wait3A_164 = tpu.memref_squeeze %dma_wait3A_163 : memref<1x2x4x128xi32, #tpu.memory_space<hbm>> -> memref<2x4x128xi32, #tpu.memory_space<hbm>>
        %dma_wait3A_165 = arith.constant 0 : i32
        %dma_wait3A_166 = arith.constant 0 : i32
        %dma_wait3A_167 = arith.constant 0 : i32
        %dma_wait3A_168 = tpu.memref_slice %arg5[%rem3A_153, %dma_wait3A_165, %dma_wait3A_166, %dma_wait3A_167] : memref<2x2x4x128xi32, #tpu.memory_space<vmem>> -> memref<1x2x4x128xi32, #tpu.memory_space<vmem>>
        %dma_wait3A_169 = tpu.memref_squeeze %dma_wait3A_168 : memref<1x2x4x128xi32, #tpu.memory_space<vmem>> -> memref<2x4x128xi32, #tpu.memory_space<vmem>>
        %dma_wait3A_170 = arith.constant 0 : i32
        %dma_wait3A_171 = arith.constant 0 : i32
        %dma_wait3A_172 = arith.constant 0 : i32
        %dma_wait3A_173 = tpu.memref_slice %arg3[%dma_wait3A_154, %dma_wait3A_170, %dma_wait3A_171, %dma_wait3A_172] : memref<640x2x4x128xi32, #tpu.memory_space<hbm>> -> memref<1x2x4x128xi32, #tpu.memory_space<hbm>>
        %dma_wait3A_174 = tpu.memref_squeeze %dma_wait3A_173 : memref<1x2x4x128xi32, #tpu.memory_space<hbm>> -> memref<2x4x128xi32, #tpu.memory_space<hbm>>
        tpu.wait_dma2 semaphore(%arg8 : memref<!tpu.dma_semaphore, #tpu.memory_space<semaphore_mem>>) src(%dma_wait3A_174 : memref<2x4x128xi32, #tpu.memory_space<hbm>>) dst(%dma_wait3A_169 : memref<2x4x128xi32, #tpu.memory_space<vmem>>)
      } else {
      }
      %lt3A_121 = arith.cmpi slt, %add3A_88, %mul3A_11 : i32
      %convert_element_type3A_122 = arith.extui %lt3A_121 : i1 to i32
      %cond3A_123 = arith.constant 0 : i32
      %cond3A_124 = arith.cmpi ne, %convert_element_type3A_122, %cond3A_123 : i32
      scf.if %cond3A_124 {
        %rem3A_152 = arith.constant 2 : i32
        %rem3A_153 = arith.remsi %select_n3A_112, %rem3A_152 : i32
        %rem3A_154 = arith.constant 2 : i32
        %rem3A_155 = arith.remsi %add3A_88, %rem3A_154 : i32
        %dma_start3A = arith.constant 0 : i32
        %dma_start3A_156 = arith.constant 0 : i32
        %dma_start3A_157 = arith.constant 0 : i32
        %dma_start3A_158 = tpu.memref_slice %arg6[%rem3A_155, %dma_start3A_156, %dma_start3A_157] : memref<2x128x128xf32, #tpu.memory_space<vmem>> -> memref<1x128x128xf32, #tpu.memory_space<vmem>>
        %dma_start3A_159 = tpu.memref_squeeze %dma_start3A_158 : memref<1x128x128xf32, #tpu.memory_space<vmem>> -> memref<128x128xf32, #tpu.memory_space<vmem>>
        %dma_start3A_160 = arith.constant 0 : i32
        %dma_start3A_161 = tpu.memref_slice %arg5[%rem3A_153, %dma_start3A, %rem3A_114, %dma_start3A_160] : memref<2x2x4x128xi32, #tpu.memory_space<vmem>> -> memref<1x1x1x128xi32, #tpu.memory_space<vmem>>
        %dma_start3A_162 = tpu.memref_squeeze %dma_start3A_161 : memref<1x1x1x128xi32, #tpu.memory_space<vmem>> -> memref<128xi32, #tpu.memory_space<vmem>>
        %dma_start3A_163 = arith.constant 0 : i32
        %dma_start3A_164 = arith.constant 0 : i32
        %dma_start3A_165 = tpu.memref_slice %arg2[%dma_start3A_163, %dma_start3A_164] : memref<10000x128xf32, #tpu.memory_space<hbm>> -> memref<10000x128xf32, #tpu.memory_space<hbm>>
        tpu.enqueue_indirect_dma source(%dma_start3A_165 : memref<10000x128xf32, #tpu.memory_space<hbm>>) target(%dma_start3A_159 : memref<128x128xf32, #tpu.memory_space<vmem>>) offsets(%dma_start3A_162 : memref<128xi32, #tpu.memory_space<vmem>>) semaphore(%arg9 : memref<!tpu.dma_semaphore, #tpu.memory_space<semaphore_mem>>)
      } else {
      }
      %rem3A_125 = arith.constant 2 : i32
      %rem3A_126 = arith.remsi %while3A_67, %rem3A_125 : i32
      %dma_wait3A = arith.constant 0 : i32
      %dma_wait3A_127 = arith.constant 0 : i32
      %dma_wait3A_128 = tpu.memref_slice %arg6[%rem3A_126, %dma_wait3A, %dma_wait3A_127] : memref<2x128x128xf32, #tpu.memory_space<vmem>> -> memref<1x128x128xf32, #tpu.memory_space<vmem>>
      %dma_wait3A_129 = tpu.memref_squeeze %dma_wait3A_128 : memref<1x128x128xf32, #tpu.memory_space<vmem>> -> memref<128x128xf32, #tpu.memory_space<vmem>>
      %dma_wait3A_130 = arith.constant 0 : i32
      %dma_wait3A_131 = arith.constant 0 : i32
      %dma_wait3A_132 = tpu.memref_slice %arg2[%dma_wait3A_130, %dma_wait3A_131] : memref<10000x128xf32, #tpu.memory_space<hbm>> -> memref<128x128xf32, #tpu.memory_space<hbm>>
      %dma_wait3A_133 = arith.constant 0 : i32
      %dma_wait3A_134 = arith.constant 0 : i32
      %dma_wait3A_135 = tpu.memref_slice %arg6[%rem3A_126, %dma_wait3A_133, %dma_wait3A_134] : memref<2x128x128xf32, #tpu.memory_space<vmem>> -> memref<1x128x128xf32, #tpu.memory_space<vmem>>
      %dma_wait3A_136 = tpu.memref_squeeze %dma_wait3A_135 : memref<1x128x128xf32, #tpu.memory_space<vmem>> -> memref<128x128xf32, #tpu.memory_space<vmem>>
      %dma_wait3A_137 = arith.constant 0 : i32
      %dma_wait3A_138 = arith.constant 0 : i32
      %dma_wait3A_139 = tpu.memref_slice %arg2[%dma_wait3A_137, %dma_wait3A_138] : memref<10000x128xf32, #tpu.memory_space<hbm>> -> memref<128x128xf32, #tpu.memory_space<hbm>>
      tpu.wait_dma2 semaphore(%arg9 : memref<!tpu.dma_semaphore, #tpu.memory_space<semaphore_mem>>) src(%dma_wait3A_139 : memref<128x128xf32, #tpu.memory_space<hbm>>) dst(%dma_wait3A_136 : memref<128x128xf32, #tpu.memory_space<vmem>>)
      %rem3A_140 = arith.constant 2 : i32
      %rem3A_141 = arith.remsi %select_n3A_84, %rem3A_140 : i32
      %run_scoped3A_142 = arith.constant 1 : i32
      "tpu.region"() ({
        %run_scoped3A_152 = tpu.sem_alloc : memref<!tpu.dma_semaphore, #tpu.memory_space<semaphore_mem>>
        %dma_start3A = arith.constant 0 : i32
        %dma_start3A_153 = arith.constant 0 : i32
        %dma_start3A_154 = tpu.memref_slice %arg6[%rem3A_126, %dma_start3A, %dma_start3A_153] : memref<2x128x128xf32, #tpu.memory_space<vmem>> -> memref<1x128x128xf32, #tpu.memory_space<vmem>>
        %dma_start3A_155 = tpu.memref_squeeze %dma_start3A_154 : memref<1x128x128xf32, #tpu.memory_space<vmem>> -> memref<128x128xf32, #tpu.memory_space<vmem>>
        %dma_start3A_156 = arith.constant 0 : i32
        %dma_start3A_157 = tpu.memref_slice %arg5[%rem3A_141, %run_scoped3A_142, %rem3A_86, %dma_start3A_156] : memref<2x2x4x128xi32, #tpu.memory_space<vmem>> -> memref<1x1x1x128xi32, #tpu.memory_space<vmem>>
        %dma_start3A_158 = tpu.memref_squeeze %dma_start3A_157 : memref<1x1x1x128xi32, #tpu.memory_space<vmem>> -> memref<128xi32, #tpu.memory_space<vmem>>
        %dma_start3A_159 = arith.constant 0 : i32
        %dma_start3A_160 = arith.constant 0 : i32
        %dma_start3A_161 = tpu.memref_slice %arg7[%dma_start3A_159, %dma_start3A_160] : memref<10240x128xf32, #tpu.memory_space<vmem_shared>> -> memref<10240x128xf32, #tpu.memory_space<vmem_shared>>
        tpu.enqueue_indirect_dma source(%dma_start3A_155 : memref<128x128xf32, #tpu.memory_space<vmem>>) target(%dma_start3A_161 : memref<10240x128xf32, #tpu.memory_space<vmem_shared>>) offsets(%dma_start3A_158 : memref<128xi32, #tpu.memory_space<vmem>>) semaphore(%run_scoped3A_152 : memref<!tpu.dma_semaphore, #tpu.memory_space<semaphore_mem>>) {add = true}
        %dma_wait3A_162 = arith.constant 0 : i32
        %dma_wait3A_163 = arith.constant 0 : i32
        %dma_wait3A_164 = tpu.memref_slice %arg6[%rem3A_126, %dma_wait3A_162, %dma_wait3A_163] : memref<2x128x128xf32, #tpu.memory_space<vmem>> -> memref<1x128x128xf32, #tpu.memory_space<vmem>>
        %dma_wait3A_165 = tpu.memref_squeeze %dma_wait3A_164 : memref<1x128x128xf32, #tpu.memory_space<vmem>> -> memref<128x128xf32, #tpu.memory_space<vmem>>
        %dma_wait3A_166 = arith.constant 0 : i32
        %dma_wait3A_167 = tpu.memref_slice %arg5[%rem3A_141, %run_scoped3A_142, %rem3A_86, %dma_wait3A_166] : memref<2x2x4x128xi32, #tpu.memory_space<vmem>> -> memref<1x1x1x128xi32, #tpu.memory_space<vmem>>
        %dma_wait3A_168 = tpu.memref_squeeze %dma_wait3A_167 : memref<1x1x1x128xi32, #tpu.memory_space<vmem>> -> memref<128xi32, #tpu.memory_space<vmem>>
        %dma_wait3A_169 = arith.constant 0 : i32
        %dma_wait3A_170 = arith.constant 0 : i32
        %dma_wait3A_171 = tpu.memref_slice %arg7[%dma_wait3A_169, %dma_wait3A_170] : memref<10240x128xf32, #tpu.memory_space<vmem_shared>> -> memref<10240x128xf32, #tpu.memory_space<vmem_shared>>
        tpu.wait_indirect_dma semaphore(%run_scoped3A_152 : memref<!tpu.dma_semaphore, #tpu.memory_space<semaphore_mem>>) src(%dma_wait3A_165 : memref<128x128xf32, #tpu.memory_space<vmem>>) dst(%dma_wait3A_171 : memref<10240x128xf32, #tpu.memory_space<vmem_shared>>)
        tpu.yield
      }) : () -> ()
      %eq3A_143 = arith.constant 3 : i32
      %eq3A_144 = arith.cmpi eq, %rem3A_86, %eq3A_143 : i32
      %add3A_145 = arith.constant 2 : i32
      %add3A_146 = arith.addi %select_n3A_84, %add3A_145 : i32
      %lt3A_147 = arith.cmpi slt, %add3A_146, %select_n3A_9 : i32
      %and3A_148 = arith.andi %eq3A_144, %lt3A_147 : i1
      %convert_element_type3A_149 = arith.extui %and3A_148 : i1 to i32
      %cond3A_150 = arith.constant 0 : i32
      %cond3A_151 = arith.cmpi ne, %convert_element_type3A_149, %cond3A_150 : i32
      scf.if %cond3A_151 {
        %add3A_152 = arith.addi %select_n3A, %select_n3A_84 : i32
        %add3A_153 = arith.constant 2 : i32
        %add3A_154 = arith.addi %add3A_152, %add3A_153 : i32
        %rem3A_155 = arith.constant 2 : i32
        %rem3A_156 = arith.remsi %select_n3A_84, %rem3A_155 : i32
        %dma_start3A = arith.constant 0 : i32
        %dma_start3A_157 = arith.constant 0 : i32
        %dma_start3A_158 = arith.constant 0 : i32
        %dma_start3A_159 = tpu.memref_slice %arg5[%rem3A_156, %dma_start3A, %dma_start3A_157, %dma_start3A_158] : memref<2x2x4x128xi32, #tpu.memory_space<vmem>> -> memref<1x2x4x128xi32, #tpu.memory_space<vmem>>
        %dma_start3A_160 = tpu.memref_squeeze %dma_start3A_159 : memref<1x2x4x128xi32, #tpu.memory_space<vmem>> -> memref<2x4x128xi32, #tpu.memory_space<vmem>>
        %dma_start3A_161 = arith.constant 0 : i32
        %dma_start3A_162 = arith.constant 0 : i32
        %dma_start3A_163 = arith.constant 0 : i32
        %dma_start3A_164 = tpu.memref_slice %arg3[%add3A_154, %dma_start3A_161, %dma_start3A_162, %dma_start3A_163] : memref<640x2x4x128xi32, #tpu.memory_space<hbm>> -> memref<1x2x4x128xi32, #tpu.memory_space<hbm>>
        %dma_start3A_165 = tpu.memref_squeeze %dma_start3A_164 : memref<1x2x4x128xi32, #tpu.memory_space<hbm>> -> memref<2x4x128xi32, #tpu.memory_space<hbm>>
        %dma_start3A_166 = arith.constant 0 : i32
        %dma_start3A_167 = arith.constant 0 : i32
        %dma_start3A_168 = arith.constant 0 : i32
        %dma_start3A_169 = tpu.memref_slice %arg5[%rem3A_156, %dma_start3A_166, %dma_start3A_167, %dma_start3A_168] : memref<2x2x4x128xi32, #tpu.memory_space<vmem>> -> memref<1x2x4x128xi32, #tpu.memory_space<vmem>>
        %dma_start3A_170 = tpu.memref_squeeze %dma_start3A_169 : memref<1x2x4x128xi32, #tpu.memory_space<vmem>> -> memref<2x4x128xi32, #tpu.memory_space<vmem>>
        %dma_start3A_171 = arith.constant 0 : i32
        %dma_start3A_172 = arith.constant 0 : i32
        %dma_start3A_173 = arith.constant 0 : i32
        %dma_start3A_174 = tpu.memref_slice %arg3[%add3A_154, %dma_start3A_171, %dma_start3A_172, %dma_start3A_173] : memref<640x2x4x128xi32, #tpu.memory_space<hbm>> -> memref<1x2x4x128xi32, #tpu.memory_space<hbm>>
        %dma_start3A_175 = tpu.memref_squeeze %dma_start3A_174 : memref<1x2x4x128xi32, #tpu.memory_space<hbm>> -> memref<2x4x128xi32, #tpu.memory_space<hbm>>
        tpu.enqueue_dma source(%dma_start3A_175 : memref<2x4x128xi32, #tpu.memory_space<hbm>>) target(%dma_start3A_170 : memref<2x4x128xi32, #tpu.memory_space<vmem>>) target_semaphore(%arg8 : memref<!tpu.dma_semaphore, #tpu.memory_space<semaphore_mem>>)
      } else {
      }
    }
    %barrier3A_62 = arith.constant 0 : index
    tpu.barrier barrier_id(%barrier3A_62)
    %mul3A_63 = arith.constant 640 : i32
    %mul3A_64 = arith.muli %arg1, %mul3A_63 : i32
    %mul3A_65 = arith.constant 640 : i32
    %mul3A_66 = arith.muli %arg1, %mul3A_65 : i32
    "tpu.region"() ({
      %run_scoped3A_67 = tpu.sem_alloc : memref<!tpu.dma_semaphore, #tpu.memory_space<semaphore_mem>>
      %dma_start3A = arith.constant 0 : i32
      %dma_start3A_68 = tpu.memref_slice %arg4[%arg0, %mul3A_66, %dma_start3A] : memref<2x10240x128xf32, #tpu.memory_space<hbm>> -> memref<1x640x128xf32, #tpu.memory_space<hbm>>
      %dma_start3A_69 = tpu.memref_squeeze %dma_start3A_68 : memref<1x640x128xf32, #tpu.memory_space<hbm>> -> memref<640x128xf32, #tpu.memory_space<hbm>>
      %dma_start3A_70 = arith.constant 0 : i32
      %dma_start3A_71 = tpu.memref_slice %arg7[%mul3A_64, %dma_start3A_70] : memref<10240x128xf32, #tpu.memory_space<vmem_shared>> -> memref<640x128xf32, #tpu.memory_space<vmem_shared>>
      tpu.enqueue_dma source(%dma_start3A_71 : memref<640x128xf32, #tpu.memory_space<vmem_shared>>) target(%dma_start3A_69 : memref<640x128xf32, #tpu.memory_space<hbm>>) target_semaphore(%run_scoped3A_67 : memref<!tpu.dma_semaphore, #tpu.memory_space<semaphore_mem>>)
      %dma_wait3A = arith.constant 0 : i32
      %dma_wait3A_72 = tpu.memref_slice %arg4[%arg0, %mul3A_66, %dma_wait3A] : memref<2x10240x128xf32, #tpu.memory_space<hbm>> -> memref<1x640x128xf32, #tpu.memory_space<hbm>>
      %dma_wait3A_73 = tpu.memref_squeeze %dma_wait3A_72 : memref<1x640x128xf32, #tpu.memory_space<hbm>> -> memref<640x128xf32, #tpu.memory_space<hbm>>
      %dma_wait3A_74 = arith.constant 0 : i32
      %dma_wait3A_75 = tpu.memref_slice %arg7[%mul3A_64, %dma_wait3A_74] : memref<10240x128xf32, #tpu.memory_space<vmem_shared>> -> memref<640x128xf32, #tpu.memory_space<vmem_shared>>
      tpu.wait_dma2 semaphore(%run_scoped3A_67 : memref<!tpu.dma_semaphore, #tpu.memory_space<semaphore_mem>>) src(%dma_wait3A_75 : memref<640x128xf32, #tpu.memory_space<vmem_shared>>) dst(%dma_wait3A_73 : memref<640x128xf32, #tpu.memory_space<hbm>>)
      tpu.yield
    }) : () -> ()
    return
  }
}

#map = affine_map<(d0, d1) -> (0, 0)>
#map1 = affine_map<(d0, d1) -> (0, 0, 0, 0)>
#map2 = affine_map<(d0, d1) -> (0, 0, 0)>
module attributes {stable_mosaic.version = 14 : i64} {
  func.func @_row_scatter(%arg0: i32, %arg1: i32, %arg2: memref<10000x128xf32, #tpu.memory_space<hbm>>, %arg3: memref<640x2x4x128xi32, #tpu.memory_space<hbm>>, %arg4: memref<2x10240x128xf32, #tpu.memory_space<hbm>>, %arg5: memref<2x2x4x128xi32, #tpu.memory_space<vmem>>, %arg6: memref<2x128x128xf32, #tpu.memory_space<vmem>>, %arg7: memref<10240x128xf32, #tpu.memory_space<vmem_shared>>, %arg8: memref<!tpu.dma_semaphore, #tpu.memory_space<semaphore_mem>>, %arg9: memref<!tpu.dma_semaphore, #tpu.memory_space<semaphore_mem>>) attributes {dimension_semantics = [#tpu.dimension_semantics<core_parallel>, #tpu.dimension_semantics<subcore_parallel>], iteration_bounds = array<i64: 2, 16>, scalar_prefetch = 0 : i64, scratch_operands = 5 : i64, tpu.core_type = #tpu.core_type<sc_vector_subcore>, window_params = [{transform_indices = #map}, {transform_indices = #map1}, {transform_indices = #map2}]} {
    %eq3A = arith.constant 0 : i32
    %eq3A_0 = arith.cmpi eq, %arg0, %eq3A : i32
    %mul3A = arith.constant 20 : i32
    %mul3A_1 = arith.muli %arg1, %mul3A : i32
    %mul3A_2 = arith.constant 20 : i32
    %mul3A_3 = arith.muli %arg1, %mul3A_2 : i32
    %add3A = arith.constant 320 : i32
    %add3A_4 = arith.addi %add3A, %mul3A_3 : i32
    %select_n3A = arith.select %eq3A_0, %mul3A_1, %add3A_4 : i32
    %eq3A_5 = arith.constant 0 : i32
    %eq3A_6 = arith.cmpi eq, %arg0, %eq3A_5 : i32
    %select_n3A_7 = arith.constant 20 : i32
    %select_n3A_8 = arith.constant 20 : i32
    %select_n3A_9 = arith.select %eq3A_6, %select_n3A_8, %select_n3A_7 : i32
    %mul3A_10 = arith.constant 4 : i32
    %mul3A_11 = arith.muli %select_n3A_9, %mul3A_10 : i32
    %gt3A = arith.constant 0 : i32
    %gt3A_12 = arith.cmpi sgt, %select_n3A_9, %gt3A : i32
    %convert_element_type3A = arith.extui %gt3A_12 : i1 to i32
    %cond3A = arith.constant 0 : i32
    %cond3A_13 = arith.cmpi ne, %convert_element_type3A, %cond3A : i32
    scf.if %cond3A_13 {
      %run_scoped3A_67 = arith.constant 0 : i32
      "tpu.region"() ({
        %run_scoped3A_68 = tpu.sem_alloc : memref<!tpu.dma_semaphore, #tpu.memory_space<semaphore_mem>>
        %dma_start3A = arith.constant 0 : i32
        %dma_start3A_69 = arith.constant 0 : i32
        %dma_start3A_70 = arith.constant 0 : i32
        %dma_start3A_71 = tpu.memref_slice %arg5[%run_scoped3A_67, %dma_start3A, %dma_start3A_69, %dma_start3A_70] : memref<2x2x4x128xi32, #tpu.memory_space<vmem>> -> memref<1x2x4x128xi32, #tpu.memory_space<vmem>>
        %dma_start3A_72 = tpu.memref_squeeze %dma_start3A_71 : memref<1x2x4x128xi32, #tpu.memory_space<vmem>> -> memref<2x4x128xi32, #tpu.memory_space<vmem>>
        %dma_start3A_73 = arith.constant 0 : i32
        %dma_start3A_74 = arith.constant 0 : i32
        %dma_start3A_75 = arith.constant 0 : i32
        %dma_start3A_76 = tpu.memref_slice %arg3[%select_n3A, %dma_start3A_73, %dma_start3A_74, %dma_start3A_75] : memref<640x2x4x128xi32, #tpu.memory_space<hbm>> -> memref<1x2x4x128xi32, #tpu.memory_space<hbm>>
        %dma_start3A_77 = tpu.memref_squeeze %dma_start3A_76 : memref<1x2x4x128xi32, #tpu.memory_space<hbm>> -> memref<2x4x128xi32, #tpu.memory_space<hbm>>
        %dma_start3A_78 = arith.constant 0 : i32
        %dma_start3A_79 = arith.constant 0 : i32
        %dma_start3A_80 = arith.constant 0 : i32
        %dma_start3A_81 = tpu.memref_slice %arg5[%run_scoped3A_67, %dma_start3A_78, %dma_start3A_79, %dma_start3A_80] : memref<2x2x4x128xi32, #tpu.memory_space<vmem>> -> memref<1x2x4x128xi32, #tpu.memory_space<vmem>>
        %dma_start3A_82 = tpu.memref_squeeze %dma_start3A_81 : memref<1x2x4x128xi32, #tpu.memory_space<vmem>> -> memref<2x4x128xi32, #tpu.memory_space<vmem>>
        %dma_start3A_83 = arith.constant 0 : i32
        %dma_start3A_84 = arith.constant 0 : i32
        %dma_start3A_85 = arith.constant 0 : i32
        %dma_start3A_86 = tpu.memref_slice %arg3[%select_n3A, %dma_start3A_83, %dma_start3A_84, %dma_start3A_85] : memref<640x2x4x128xi32, #tpu.memory_space<hbm>> -> memref<1x2x4x128xi32, #tpu.memory_space<hbm>>
        %dma_start3A_87 = tpu.memref_squeeze %dma_start3A_86 : memref<1x2x4x128xi32, #tpu.memory_space<hbm>> -> memref<2x4x128xi32, #tpu.memory_space<hbm>>
        tpu.enqueue_dma source(%dma_start3A_87 : memref<2x4x128xi32, #tpu.memory_space<hbm>>) target(%dma_start3A_82 : memref<2x4x128xi32, #tpu.memory_space<vmem>>) target_semaphore(%run_scoped3A_68 : memref<!tpu.dma_semaphore, #tpu.memory_space<semaphore_mem>>)
        %dma_wait3A = arith.constant 0 : i32
        %dma_wait3A_88 = arith.constant 0 : i32
        %dma_wait3A_89 = arith.constant 0 : i32
        %dma_wait3A_90 = tpu.memref_slice %arg5[%run_scoped3A_67, %dma_wait3A, %dma_wait3A_88, %dma_wait3A_89] : memref<2x2x4x128xi32, #tpu.memory_space<vmem>> -> memref<1x2x4x128xi32, #tpu.memory_space<vmem>>
        %dma_wait3A_91 = tpu.memref_squeeze %dma_wait3A_90 : memref<1x2x4x128xi32, #tpu.memory_space<vmem>> -> memref<2x4x128xi32, #tpu.memory_space<vmem>>
        %dma_wait3A_92 = arith.constant 0 : i32
        %dma_wait3A_93 = arith.constant 0 : i32
        %dma_wait3A_94 = arith.constant 0 : i32
        %dma_wait3A_95 = tpu.memref_slice %arg3[%select_n3A, %dma_wait3A_92, %dma_wait3A_93, %dma_wait3A_94] : memref<640x2x4x128xi32, #tpu.memory_space<hbm>> -> memref<1x2x4x128xi32, #tpu.memory_space<hbm>>
        %dma_wait3A_96 = tpu.memref_squeeze %dma_wait3A_95 : memref<1x2x4x128xi32, #tpu.memory_space<hbm>> -> memref<2x4x128xi32, #tpu.memory_space<hbm>>
        %dma_wait3A_97 = arith.constant 0 : i32
        %dma_wait3A_98 = arith.constant 0 : i32
        %dma_wait3A_99 = arith.constant 0 : i32
        %dma_wait3A_100 = tpu.memref_slice %arg5[%run_scoped3A_67, %dma_wait3A_97, %dma_wait3A_98, %dma_wait3A_99] : memref<2x2x4x128xi32, #tpu.memory_space<vmem>> -> memref<1x2x4x128xi32, #tpu.memory_space<vmem>>
        %dma_wait3A_101 = tpu.memref_squeeze %dma_wait3A_100 : memref<1x2x4x128xi32, #tpu.memory_space<vmem>> -> memref<2x4x128xi32, #tpu.memory_space<vmem>>
        %dma_wait3A_102 = arith.constant 0 : i32
        %dma_wait3A_103 = arith.constant 0 : i32
        %dma_wait3A_104 = arith.constant 0 : i32
        %dma_wait3A_105 = tpu.memref_slice %arg3[%select_n3A, %dma_wait3A_102, %dma_wait3A_103, %dma_wait3A_104] : memref<640x2x4x128xi32, #tpu.memory_space<hbm>> -> memref<1x2x4x128xi32, #tpu.memory_space<hbm>>
        %dma_wait3A_106 = tpu.memref_squeeze %dma_wait3A_105 : memref<1x2x4x128xi32, #tpu.memory_space<hbm>> -> memref<2x4x128xi32, #tpu.memory_space<hbm>>
        tpu.wait_dma2 semaphore(%run_scoped3A_68 : memref<!tpu.dma_semaphore, #tpu.memory_space<semaphore_mem>>) src(%dma_wait3A_106 : memref<2x4x128xi32, #tpu.memory_space<hbm>>) dst(%dma_wait3A_101 : memref<2x4x128xi32, #tpu.memory_space<vmem>>)
        tpu.yield
      }) : () -> ()
    } else {
    }
    %gt3A_14 = arith.constant 1 : i32
    %gt3A_15 = arith.cmpi sgt, %select_n3A_9, %gt3A_14 : i32
    %convert_element_type3A_16 = arith.extui %gt3A_15 : i1 to i32
    %cond3A_17 = arith.constant 0 : i32
    %cond3A_18 = arith.cmpi ne, %convert_element_type3A_16, %cond3A_17 : i32
    scf.if %cond3A_18 {
      %add3A_67 = arith.constant 1 : i32
      %add3A_68 = arith.addi %select_n3A, %add3A_67 : i32
      %dma_start3A = arith.constant 1 : i32
      %dma_start3A_69 = arith.constant 0 : i32
      %dma_start3A_70 = arith.constant 0 : i32
      %dma_start3A_71 = arith.constant 0 : i32
      %dma_start3A_72 = tpu.memref_slice %arg5[%dma_start3A, %dma_start3A_69, %dma_start3A_70, %dma_start3A_71] : memref<2x2x4x128xi32, #tpu.memory_space<vmem>> -> memref<1x2x4x128xi32, #tpu.memory_space<vmem>>
      %dma_start3A_73 = tpu.memref_squeeze %dma_start3A_72 : memref<1x2x4x128xi32, #tpu.memory_space<vmem>> -> memref<2x4x128xi32, #tpu.memory_space<vmem>>
      %dma_start3A_74 = arith.constant 0 : i32
      %dma_start3A_75 = arith.constant 0 : i32
      %dma_start3A_76 = arith.constant 0 : i32
      %dma_start3A_77 = tpu.memref_slice %arg3[%add3A_68, %dma_start3A_74, %dma_start3A_75, %dma_start3A_76] : memref<640x2x4x128xi32, #tpu.memory_space<hbm>> -> memref<1x2x4x128xi32, #tpu.memory_space<hbm>>
      %dma_start3A_78 = tpu.memref_squeeze %dma_start3A_77 : memref<1x2x4x128xi32, #tpu.memory_space<hbm>> -> memref<2x4x128xi32, #tpu.memory_space<hbm>>
      %dma_start3A_79 = arith.constant 0 : i32
      %dma_start3A_80 = arith.constant 0 : i32
      %dma_start3A_81 = arith.constant 0 : i32
      %dma_start3A_82 = tpu.memref_slice %arg5[%dma_start3A, %dma_start3A_79, %dma_start3A_80, %dma_start3A_81] : memref<2x2x4x128xi32, #tpu.memory_space<vmem>> -> memref<1x2x4x128xi32, #tpu.memory_space<vmem>>
      %dma_start3A_83 = tpu.memref_squeeze %dma_start3A_82 : memref<1x2x4x128xi32, #tpu.memory_space<vmem>> -> memref<2x4x128xi32, #tpu.memory_space<vmem>>
      %dma_start3A_84 = arith.constant 0 : i32
      %dma_start3A_85 = arith.constant 0 : i32
      %dma_start3A_86 = arith.constant 0 : i32
      %dma_start3A_87 = tpu.memref_slice %arg3[%add3A_68, %dma_start3A_84, %dma_start3A_85, %dma_start3A_86] : memref<640x2x4x128xi32, #tpu.memory_space<hbm>> -> memref<1x2x4x128xi32, #tpu.memory_space<hbm>>
      %dma_start3A_88 = tpu.memref_squeeze %dma_start3A_87 : memref<1x2x4x128xi32, #tpu.memory_space<hbm>> -> memref<2x4x128xi32, #tpu.memory_space<hbm>>
      tpu.enqueue_dma source(%dma_start3A_88 : memref<2x4x128xi32, #tpu.memory_space<hbm>>) target(%dma_start3A_83 : memref<2x4x128xi32, #tpu.memory_space<vmem>>) target_semaphore(%arg8 : memref<!tpu.dma_semaphore, #tpu.memory_space<semaphore_mem>>)
    } else {
    }
    %scan3A = arith.constant 0 : i32
    %scan3A_19 = arith.constant 0 : i32
    %scan3A_20 = arith.constant 1024 : i32
    %scan3A_21 = arith.addi %scan3A_19, %scan3A_20 : i32
    %scan3A_22 = arith.constant 1 : i32
    scf.for %scan3A_67 = %scan3A_19 to %scan3A_21 step %scan3A_22  : i32 {
      %jit3A = arith.constant 8 : i32
      %div3A = arith.divsi %scan3A_67, %jit3A : i32
      %sign3A = arith.constant 0 : i32
      %sign3A_68 = arith.cmpi sgt, %scan3A_67, %sign3A : i32
      %sign3A_69 = arith.extui %sign3A_68 : i1 to i32
      %sign3A_70 = arith.constant 0 : i32
      %sign3A_71 = arith.cmpi slt, %scan3A_67, %sign3A_70 : i32
      %sign3A_72 = arith.extui %sign3A_71 : i1 to i32
      %sign3A_73 = arith.subi %sign3A_69, %sign3A_72 : i32
      %sign3A_74 = arith.constant 0 : i32
      %sign3A_75 = arith.cmpi sgt, %jit3A, %sign3A_74 : i32
      %sign3A_76 = arith.extui %sign3A_75 : i1 to i32
      %sign3A_77 = arith.constant 0 : i32
      %sign3A_78 = arith.cmpi slt, %jit3A, %sign3A_77 : i32
      %sign3A_79 = arith.extui %sign3A_78 : i1 to i32
      %sign3A_80 = arith.subi %sign3A_76, %sign3A_79 : i32
      %ne3A = arith.cmpi ne, %sign3A_73, %sign3A_80 : i32
      %rem3A = arith.remsi %scan3A_67, %jit3A : i32
      %ne3A_81 = arith.constant 0 : i32
      %ne3A_82 = arith.cmpi ne, %rem3A, %ne3A_81 : i32
      %and3A = arith.andi %ne3A, %ne3A_82 : i1
      %sub3A = arith.constant 1 : i32
      %sub3A_83 = arith.subi %div3A, %sub3A : i32
      %select_n3A_84 = arith.select %and3A, %sub3A_83, %div3A : i32
      %rem3A_85 = arith.constant 8 : i32
      %rem3A_86 = arith.remsi %scan3A_67, %rem3A_85 : i32
      %broadcast_in_dim3A = arith.constant 0.000000e+00 : f32
      %broadcast_in_dim3A_87 = vector.broadcast %broadcast_in_dim3A : f32 to vector<16xf32>
      %mul3A_88 = arith.constant 16 : i32
      %mul3A_89 = arith.muli %rem3A_86, %mul3A_88 : i32
      %swap3A = arith.constant 0 : i32
      %swap3A_90 = arith.index_cast %swap3A : i32 to index
      %swap3A_91 = arith.index_cast %select_n3A_84 : i32 to index
      %swap3A_92 = arith.index_cast %mul3A_89 : i32 to index
      %swap3A_93 = tpu.vector_load %arg6[%swap3A_90, %swap3A_91, %swap3A_92] {strides = array<i32>} : memref<2x128x128xf32, #tpu.memory_space<vmem>>, vector<1x1x16xf32>,
      %swap3A_94 = vector.shape_cast %swap3A_93 : vector<1x1x16xf32> to vector<16xf32>
      %swap3A_95 = vector.shape_cast %broadcast_in_dim3A_87 : vector<16xf32> to vector<1x1x16xf32>
      tpu.vector_store %arg6[%swap3A_90, %swap3A_91, %swap3A_92], %swap3A_95 {strides = array<i32>} : memref<2x128x128xf32, #tpu.memory_space<vmem>>, vector<1x1x16xf32>,
    }
    %scan3A_23 = arith.constant 1024 : i32
    %mul3A_24 = arith.constant 640 : i32
    %mul3A_25 = arith.muli %arg1, %mul3A_24 : i32
    %add3A_26 = arith.constant 0 : i32
    %add3A_27 = arith.addi %mul3A_25, %add3A_26 : i32
    %run_scoped3A = arith.constant 0 : i32
    "tpu.region"() ({
      %run_scoped3A_67 = tpu.sem_alloc : memref<!tpu.dma_semaphore, #tpu.memory_space<semaphore_mem>>
      %dma_start3A = arith.constant 0 : i32
      %dma_start3A_68 = arith.constant 0 : i32
      %dma_start3A_69 = tpu.memref_slice %arg6[%run_scoped3A, %dma_start3A, %dma_start3A_68] : memref<2x128x128xf32, #tpu.memory_space<vmem>> -> memref<1x128x128xf32, #tpu.memory_space<vmem>>
      %dma_start3A_70 = tpu.memref_squeeze %dma_start3A_69 : memref<1x128x128xf32, #tpu.memory_space<vmem>> -> memref<128x128xf32, #tpu.memory_space<vmem>>
      %dma_start3A_71 = arith.constant 0 : i32
      %dma_start3A_72 = tpu.memref_slice %arg7[%add3A_27, %dma_start3A_71] : memref<10240x128xf32, #tpu.memory_space<vmem_shared>> -> memref<128x128xf32, #tpu.memory_space<vmem_shared>>
      %dma_start3A_73 = arith.constant 0 : i32
      %dma_start3A_74 = tpu.memref_slice %arg7[%add3A_27, %dma_start3A_73] : memref<10240x128xf32, #tpu.memory_space<vmem_shared>> -> memref<128x128xf32, #tpu.memory_space<vmem_shared>>
      %dma_start3A_75 = arith.constant 0 : i32
      %dma_start3A_76 = arith.constant 0 : i32
      %dma_start3A_77 = tpu.memref_slice %arg6[%run_scoped3A, %dma_start3A_75, %dma_start3A_76] : memref<2x128x128xf32, #tpu.memory_space<vmem>> -> memref<1x128x128xf32, #tpu.memory_space<vmem>>
      %dma_start3A_78 = tpu.memref_squeeze %dma_start3A_77 : memref<1x128x128xf32, #tpu.memory_space<vmem>> -> memref<128x128xf32, #tpu.memory_space<vmem>>
      tpu.enqueue_dma source(%dma_start3A_78 : memref<128x128xf32, #tpu.memory_space<vmem>>) target(%dma_start3A_74 : memref<128x128xf32, #tpu.memory_space<vmem_shared>>) target_semaphore(%run_scoped3A_67 : memref<!tpu.dma_semaphore, #tpu.memory_space<semaphore_mem>>)
      %dma_wait3A = arith.constant 0 : i32
      %dma_wait3A_79 = arith.constant 0 : i32
      %dma_wait3A_80 = tpu.memref_slice %arg6[%run_scoped3A, %dma_wait3A, %dma_wait3A_79] : memref<2x128x128xf32, #tpu.memory_space<vmem>> -> memref<1x128x128xf32, #tpu.memory_space<vmem>>
      %dma_wait3A_81 = tpu.memref_squeeze %dma_wait3A_80 : memref<1x128x128xf32, #tpu.memory_space<vmem>> -> memref<128x128xf32, #tpu.memory_space<vmem>>
      %dma_wait3A_82 = arith.constant 0 : i32
      %dma_wait3A_83 = tpu.memref_slice %arg7[%add3A_27, %dma_wait3A_82] : memref<10240x128xf32, #tpu.memory_space<vmem_shared>> -> memref<128x128xf32, #tpu.memory_space<vmem_shared>>
      %dma_wait3A_84 = arith.constant 0 : i32
      %dma_wait3A_85 = tpu.memref_slice %arg7[%add3A_27, %dma_wait3A_84] : memref<10240x128xf32, #tpu.memory_space<vmem_shared>> -> memref<128x128xf32, #tpu.memory_space<vmem_shared>>
      %dma_wait3A_86 = arith.constant 0 : i32
      %dma_wait3A_87 = arith.constant 0 : i32
      %dma_wait3A_88 = tpu.memref_slice %arg6[%run_scoped3A, %dma_wait3A_86, %dma_wait3A_87] : memref<2x128x128xf32, #tpu.memory_space<vmem>> -> memref<1x128x128xf32, #tpu.memory_space<vmem>>
      %dma_wait3A_89 = tpu.memref_squeeze %dma_wait3A_88 : memref<1x128x128xf32, #tpu.memory_space<vmem>> -> memref<128x128xf32, #tpu.memory_space<vmem>>
      tpu.wait_dma2 semaphore(%run_scoped3A_67 : memref<!tpu.dma_semaphore, #tpu.memory_space<semaphore_mem>>) src(%dma_wait3A_89 : memref<128x128xf32, #tpu.memory_space<vmem>>) dst(%dma_wait3A_85 : memref<128x128xf32, #tpu.memory_space<vmem_shared>>)
      tpu.yield
    }) : () -> ()
    %mul3A_28 = arith.constant 640 : i32
    %mul3A_29 = arith.muli %arg1, %mul3A_28 : i32
    %add3A_30 = arith.constant 128 : i32
    %add3A_31 = arith.addi %mul3A_29, %add3A_30 : i32
    %run_scoped3A_32 = arith.constant 0 : i32
    "tpu.region"() ({
      %run_scoped3A_67 = tpu.sem_alloc : memref<!tpu.dma_semaphore, #tpu.memory_space<semaphore_mem>>
      %dma_start3A = arith.constant 0 : i32
      %dma_start3A_68 = arith.constant 0 : i32
      %dma_start3A_69 = tpu.memref_slice %arg6[%run_scoped3A_32, %dma_start3A, %dma_start3A_68] : memref<2x128x128xf32, #tpu.memory_space<vmem>> -> memref<1x128x128xf32, #tpu.memory_space<vmem>>
      %dma_start3A_70 = tpu.memref_squeeze %dma_start3A_69 : memref<1x128x128xf32, #tpu.memory_space<vmem>> -> memref<128x128xf32, #tpu.memory_space<vmem>>
      %dma_start3A_71 = arith.constant 0 : i32
      %dma_start3A_72 = tpu.memref_slice %arg7[%add3A_31, %dma_start3A_71] : memref<10240x128xf32, #tpu.memory_space<vmem_shared>> -> memref<128x128xf32, #tpu.memory_space<vmem_shared>>
      %dma_start3A_73 = arith.constant 0 : i32
      %dma_start3A_74 = tpu.memref_slice %arg7[%add3A_31, %dma_start3A_73] : memref<10240x128xf32, #tpu.memory_space<vmem_shared>> -> memref<128x128xf32, #tpu.memory_space<vmem_shared>>
      %dma_start3A_75 = arith.constant 0 : i32
      %dma_start3A_76 = arith.constant 0 : i32
      %dma_start3A_77 = tpu.memref_slice %arg6[%run_scoped3A_32, %dma_start3A_75, %dma_start3A_76] : memref<2x128x128xf32, #tpu.memory_space<vmem>> -> memref<1x128x128xf32, #tpu.memory_space<vmem>>
      %dma_start3A_78 = tpu.memref_squeeze %dma_start3A_77 : memref<1x128x128xf32, #tpu.memory_space<vmem>> -> memref<128x128xf32, #tpu.memory_space<vmem>>
      tpu.enqueue_dma source(%dma_start3A_78 : memref<128x128xf32, #tpu.memory_space<vmem>>) target(%dma_start3A_74 : memref<128x128xf32, #tpu.memory_space<vmem_shared>>) target_semaphore(%run_scoped3A_67 : memref<!tpu.dma_semaphore, #tpu.memory_space<semaphore_mem>>)
      %dma_wait3A = arith.constant 0 : i32
      %dma_wait3A_79 = arith.constant 0 : i32
      %dma_wait3A_80 = tpu.memref_slice %arg6[%run_scoped3A_32, %dma_wait3A, %dma_wait3A_79] : memref<2x128x128xf32, #tpu.memory_space<vmem>> -> memref<1x128x128xf32, #tpu.memory_space<vmem>>
      %dma_wait3A_81 = tpu.memref_squeeze %dma_wait3A_80 : memref<1x128x128xf32, #tpu.memory_space<vmem>> -> memref<128x128xf32, #tpu.memory_space<vmem>>
      %dma_wait3A_82 = arith.constant 0 : i32
      %dma_wait3A_83 = tpu.memref_slice %arg7[%add3A_31, %dma_wait3A_82] : memref<10240x128xf32, #tpu.memory_space<vmem_shared>> -> memref<128x128xf32, #tpu.memory_space<vmem_shared>>
      %dma_wait3A_84 = arith.constant 0 : i32
      %dma_wait3A_85 = tpu.memref_slice %arg7[%add3A_31, %dma_wait3A_84] : memref<10240x128xf32, #tpu.memory_space<vmem_shared>> -> memref<128x128xf32, #tpu.memory_space<vmem_shared>>
      %dma_wait3A_86 = arith.constant 0 : i32
      %dma_wait3A_87 = arith.constant 0 : i32
      %dma_wait3A_88 = tpu.memref_slice %arg6[%run_scoped3A_32, %dma_wait3A_86, %dma_wait3A_87] : memref<2x128x128xf32, #tpu.memory_space<vmem>> -> memref<1x128x128xf32, #tpu.memory_space<vmem>>
      %dma_wait3A_89 = tpu.memref_squeeze %dma_wait3A_88 : memref<1x128x128xf32, #tpu.memory_space<vmem>> -> memref<128x128xf32, #tpu.memory_space<vmem>>
      tpu.wait_dma2 semaphore(%run_scoped3A_67 : memref<!tpu.dma_semaphore, #tpu.memory_space<semaphore_mem>>) src(%dma_wait3A_89 : memref<128x128xf32, #tpu.memory_space<vmem>>) dst(%dma_wait3A_85 : memref<128x128xf32, #tpu.memory_space<vmem_shared>>)
      tpu.yield
    }) : () -> ()
    %mul3A_33 = arith.constant 640 : i32
    %mul3A_34 = arith.muli %arg1, %mul3A_33 : i32
    %add3A_35 = arith.constant 256 : i32
    %add3A_36 = arith.addi %mul3A_34, %add3A_35 : i32
    %run_scoped3A_37 = arith.constant 0 : i32
    "tpu.region"() ({
      %run_scoped3A_67 = tpu.sem_alloc : memref<!tpu.dma_semaphore, #tpu.memory_space<semaphore_mem>>
      %dma_start3A = arith.constant 0 : i32
      %dma_start3A_68 = arith.constant 0 : i32
      %dma_start3A_69 = tpu.memref_slice %arg6[%run_scoped3A_37, %dma_start3A, %dma_start3A_68] : memref<2x128x128xf32, #tpu.memory_space<vmem>> -> memref<1x128x128xf32, #tpu.memory_space<vmem>>
      %dma_start3A_70 = tpu.memref_squeeze %dma_start3A_69 : memref<1x128x128xf32, #tpu.memory_space<vmem>> -> memref<128x128xf32, #tpu.memory_space<vmem>>
      %dma_start3A_71 = arith.constant 0 : i32
      %dma_start3A_72 = tpu.memref_slice %arg7[%add3A_36, %dma_start3A_71] : memref<10240x128xf32, #tpu.memory_space<vmem_shared>> -> memref<128x128xf32, #tpu.memory_space<vmem_shared>>
      %dma_start3A_73 = arith.constant 0 : i32
      %dma_start3A_74 = tpu.memref_slice %arg7[%add3A_36, %dma_start3A_73] : memref<10240x128xf32, #tpu.memory_space<vmem_shared>> -> memref<128x128xf32, #tpu.memory_space<vmem_shared>>
      %dma_start3A_75 = arith.constant 0 : i32
      %dma_start3A_76 = arith.constant 0 : i32
      %dma_start3A_77 = tpu.memref_slice %arg6[%run_scoped3A_37, %dma_start3A_75, %dma_start3A_76] : memref<2x128x128xf32, #tpu.memory_space<vmem>> -> memref<1x128x128xf32, #tpu.memory_space<vmem>>
      %dma_start3A_78 = tpu.memref_squeeze %dma_start3A_77 : memref<1x128x128xf32, #tpu.memory_space<vmem>> -> memref<128x128xf32, #tpu.memory_space<vmem>>
      tpu.enqueue_dma source(%dma_start3A_78 : memref<128x128xf32, #tpu.memory_space<vmem>>) target(%dma_start3A_74 : memref<128x128xf32, #tpu.memory_space<vmem_shared>>) target_semaphore(%run_scoped3A_67 : memref<!tpu.dma_semaphore, #tpu.memory_space<semaphore_mem>>)
      %dma_wait3A = arith.constant 0 : i32
      %dma_wait3A_79 = arith.constant 0 : i32
      %dma_wait3A_80 = tpu.memref_slice %arg6[%run_scoped3A_37, %dma_wait3A, %dma_wait3A_79] : memref<2x128x128xf32, #tpu.memory_space<vmem>> -> memref<1x128x128xf32, #tpu.memory_space<vmem>>
      %dma_wait3A_81 = tpu.memref_squeeze %dma_wait3A_80 : memref<1x128x128xf32, #tpu.memory_space<vmem>> -> memref<128x128xf32, #tpu.memory_space<vmem>>
      %dma_wait3A_82 = arith.constant 0 : i32
      %dma_wait3A_83 = tpu.memref_slice %arg7[%add3A_36, %dma_wait3A_82] : memref<10240x128xf32, #tpu.memory_space<vmem_shared>> -> memref<128x128xf32, #tpu.memory_space<vmem_shared>>
      %dma_wait3A_84 = arith.constant 0 : i32
      %dma_wait3A_85 = tpu.memref_slice %arg7[%add3A_36, %dma_wait3A_84] : memref<10240x128xf32, #tpu.memory_space<vmem_shared>> -> memref<128x128xf32, #tpu.memory_space<vmem_shared>>
      %dma_wait3A_86 = arith.constant 0 : i32
      %dma_wait3A_87 = arith.constant 0 : i32
      %dma_wait3A_88 = tpu.memref_slice %arg6[%run_scoped3A_37, %dma_wait3A_86, %dma_wait3A_87] : memref<2x128x128xf32, #tpu.memory_space<vmem>> -> memref<1x128x128xf32, #tpu.memory_space<vmem>>
      %dma_wait3A_89 = tpu.memref_squeeze %dma_wait3A_88 : memref<1x128x128xf32, #tpu.memory_space<vmem>> -> memref<128x128xf32, #tpu.memory_space<vmem>>
      tpu.wait_dma2 semaphore(%run_scoped3A_67 : memref<!tpu.dma_semaphore, #tpu.memory_space<semaphore_mem>>) src(%dma_wait3A_89 : memref<128x128xf32, #tpu.memory_space<vmem>>) dst(%dma_wait3A_85 : memref<128x128xf32, #tpu.memory_space<vmem_shared>>)
      tpu.yield
    }) : () -> ()
    %mul3A_38 = arith.constant 640 : i32
    %mul3A_39 = arith.muli %arg1, %mul3A_38 : i32
    %add3A_40 = arith.constant 384 : i32
    %add3A_41 = arith.addi %mul3A_39, %add3A_40 : i32
    %run_scoped3A_42 = arith.constant 0 : i32
    "tpu.region"() ({
      %run_scoped3A_67 = tpu.sem_alloc : memref<!tpu.dma_semaphore, #tpu.memory_space<semaphore_mem>>
      %dma_start3A = arith.constant 0 : i32
      %dma_start3A_68 = arith.constant 0 : i32
      %dma_start3A_69 = tpu.memref_slice %arg6[%run_scoped3A_42, %dma_start3A, %dma_start3A_68] : memref<2x128x128xf32, #tpu.memory_space<vmem>> -> memref<1x128x128xf32, #tpu.memory_space<vmem>>
      %dma_start3A_70 = tpu.memref_squeeze %dma_start3A_69 : memref<1x128x128xf32, #tpu.memory_space<vmem>> -> memref<128x128xf32, #tpu.memory_space<vmem>>
      %dma_start3A_71 = arith.constant 0 : i32
      %dma_start3A_72 = tpu.memref_slice %arg7[%add3A_41, %dma_start3A_71] : memref<10240x128xf32, #tpu.memory_space<vmem_shared>> -> memref<128x128xf32, #tpu.memory_space<vmem_shared>>
      %dma_start3A_73 = arith.constant 0 : i32
      %dma_start3A_74 = tpu.memref_slice %arg7[%add3A_41, %dma_start3A_73] : memref<10240x128xf32, #tpu.memory_space<vmem_shared>> -> memref<128x128xf32, #tpu.memory_space<vmem_shared>>
      %dma_start3A_75 = arith.constant 0 : i32
      %dma_start3A_76 = arith.constant 0 : i32
      %dma_start3A_77 = tpu.memref_slice %arg6[%run_scoped3A_42, %dma_start3A_75, %dma_start3A_76] : memref<2x128x128xf32, #tpu.memory_space<vmem>> -> memref<1x128x128xf32, #tpu.memory_space<vmem>>
      %dma_start3A_78 = tpu.memref_squeeze %dma_start3A_77 : memref<1x128x128xf32, #tpu.memory_space<vmem>> -> memref<128x128xf32, #tpu.memory_space<vmem>>
      tpu.enqueue_dma source(%dma_start3A_78 : memref<128x128xf32, #tpu.memory_space<vmem>>) target(%dma_start3A_74 : memref<128x128xf32, #tpu.memory_space<vmem_shared>>) target_semaphore(%run_scoped3A_67 : memref<!tpu.dma_semaphore, #tpu.memory_space<semaphore_mem>>)
      %dma_wait3A = arith.constant 0 : i32
      %dma_wait3A_79 = arith.constant 0 : i32
      %dma_wait3A_80 = tpu.memref_slice %arg6[%run_scoped3A_42, %dma_wait3A, %dma_wait3A_79] : memref<2x128x128xf32, #tpu.memory_space<vmem>> -> memref<1x128x128xf32, #tpu.memory_space<vmem>>
      %dma_wait3A_81 = tpu.memref_squeeze %dma_wait3A_80 : memref<1x128x128xf32, #tpu.memory_space<vmem>> -> memref<128x128xf32, #tpu.memory_space<vmem>>
      %dma_wait3A_82 = arith.constant 0 : i32
      %dma_wait3A_83 = tpu.memref_slice %arg7[%add3A_41, %dma_wait3A_82] : memref<10240x128xf32, #tpu.memory_space<vmem_shared>> -> memref<128x128xf32, #tpu.memory_space<vmem_shared>>
      %dma_wait3A_84 = arith.constant 0 : i32
      %dma_wait3A_85 = tpu.memref_slice %arg7[%add3A_41, %dma_wait3A_84] : memref<10240x128xf32, #tpu.memory_space<vmem_shared>> -> memref<128x128xf32, #tpu.memory_space<vmem_shared>>
      %dma_wait3A_86 = arith.constant 0 : i32
      %dma_wait3A_87 = arith.constant 0 : i32
      %dma_wait3A_88 = tpu.memref_slice %arg6[%run_scoped3A_42, %dma_wait3A_86, %dma_wait3A_87] : memref<2x128x128xf32, #tpu.memory_space<vmem>> -> memref<1x128x128xf32, #tpu.memory_space<vmem>>
      %dma_wait3A_89 = tpu.memref_squeeze %dma_wait3A_88 : memref<1x128x128xf32, #tpu.memory_space<vmem>> -> memref<128x128xf32, #tpu.memory_space<vmem>>
      tpu.wait_dma2 semaphore(%run_scoped3A_67 : memref<!tpu.dma_semaphore, #tpu.memory_space<semaphore_mem>>) src(%dma_wait3A_89 : memref<128x128xf32, #tpu.memory_space<vmem>>) dst(%dma_wait3A_85 : memref<128x128xf32, #tpu.memory_space<vmem_shared>>)
      tpu.yield
    }) : () -> ()
    %mul3A_43 = arith.constant 640 : i32
    %mul3A_44 = arith.muli %arg1, %mul3A_43 : i32
    %add3A_45 = arith.constant 512 : i32
    %add3A_46 = arith.addi %mul3A_44, %add3A_45 : i32
    %run_scoped3A_47 = arith.constant 0 : i32
    "tpu.region"() ({
      %run_scoped3A_67 = tpu.sem_alloc : memref<!tpu.dma_semaphore, #tpu.memory_space<semaphore_mem>>
      %dma_start3A = arith.constant 0 : i32
      %dma_start3A_68 = arith.constant 0 : i32
      %dma_start3A_69 = tpu.memref_slice %arg6[%run_scoped3A_47, %dma_start3A, %dma_start3A_68] : memref<2x128x128xf32, #tpu.memory_space<vmem>> -> memref<1x128x128xf32, #tpu.memory_space<vmem>>
      %dma_start3A_70 = tpu.memref_squeeze %dma_start3A_69 : memref<1x128x128xf32, #tpu.memory_space<vmem>> -> memref<128x128xf32, #tpu.memory_space<vmem>>
      %dma_start3A_71 = arith.constant 0 : i32
      %dma_start3A_72 = tpu.memref_slice %arg7[%add3A_46, %dma_start3A_71] : memref<10240x128xf32, #tpu.memory_space<vmem_shared>> -> memref<128x128xf32, #tpu.memory_space<vmem_shared>>
      %dma_start3A_73 = arith.constant 0 : i32
      %dma_start3A_74 = tpu.memref_slice %arg7[%add3A_46, %dma_start3A_73] : memref<10240x128xf32, #tpu.memory_space<vmem_shared>> -> memref<128x128xf32, #tpu.memory_space<vmem_shared>>
      %dma_start3A_75 = arith.constant 0 : i32
      %dma_start3A_76 = arith.constant 0 : i32
      %dma_start3A_77 = tpu.memref_slice %arg6[%run_scoped3A_47, %dma_start3A_75, %dma_start3A_76] : memref<2x128x128xf32, #tpu.memory_space<vmem>> -> memref<1x128x128xf32, #tpu.memory_space<vmem>>
      %dma_start3A_78 = tpu.memref_squeeze %dma_start3A_77 : memref<1x128x128xf32, #tpu.memory_space<vmem>> -> memref<128x128xf32, #tpu.memory_space<vmem>>
      tpu.enqueue_dma source(%dma_start3A_78 : memref<128x128xf32, #tpu.memory_space<vmem>>) target(%dma_start3A_74 : memref<128x128xf32, #tpu.memory_space<vmem_shared>>) target_semaphore(%run_scoped3A_67 : memref<!tpu.dma_semaphore, #tpu.memory_space<semaphore_mem>>)
      %dma_wait3A = arith.constant 0 : i32
      %dma_wait3A_79 = arith.constant 0 : i32
      %dma_wait3A_80 = tpu.memref_slice %arg6[%run_scoped3A_47, %dma_wait3A, %dma_wait3A_79] : memref<2x128x128xf32, #tpu.memory_space<vmem>> -> memref<1x128x128xf32, #tpu.memory_space<vmem>>
      %dma_wait3A_81 = tpu.memref_squeeze %dma_wait3A_80 : memref<1x128x128xf32, #tpu.memory_space<vmem>> -> memref<128x128xf32, #tpu.memory_space<vmem>>
      %dma_wait3A_82 = arith.constant 0 : i32
      %dma_wait3A_83 = tpu.memref_slice %arg7[%add3A_46, %dma_wait3A_82] : memref<10240x128xf32, #tpu.memory_space<vmem_shared>> -> memref<128x128xf32, #tpu.memory_space<vmem_shared>>
      %dma_wait3A_84 = arith.constant 0 : i32
      %dma_wait3A_85 = tpu.memref_slice %arg7[%add3A_46, %dma_wait3A_84] : memref<10240x128xf32, #tpu.memory_space<vmem_shared>> -> memref<128x128xf32, #tpu.memory_space<vmem_shared>>
      %dma_wait3A_86 = arith.constant 0 : i32
      %dma_wait3A_87 = arith.constant 0 : i32
      %dma_wait3A_88 = tpu.memref_slice %arg6[%run_scoped3A_47, %dma_wait3A_86, %dma_wait3A_87] : memref<2x128x128xf32, #tpu.memory_space<vmem>> -> memref<1x128x128xf32, #tpu.memory_space<vmem>>
      %dma_wait3A_89 = tpu.memref_squeeze %dma_wait3A_88 : memref<1x128x128xf32, #tpu.memory_space<vmem>> -> memref<128x128xf32, #tpu.memory_space<vmem>>
      tpu.wait_dma2 semaphore(%run_scoped3A_67 : memref<!tpu.dma_semaphore, #tpu.memory_space<semaphore_mem>>) src(%dma_wait3A_89 : memref<128x128xf32, #tpu.memory_space<vmem>>) dst(%dma_wait3A_85 : memref<128x128xf32, #tpu.memory_space<vmem_shared>>)
      tpu.yield
    }) : () -> ()
    %barrier3A = arith.constant 0 : index
    tpu.barrier barrier_id(%barrier3A)
    %gt3A_48 = arith.constant 0 : i32
    %gt3A_49 = arith.cmpi sgt, %select_n3A_9, %gt3A_48 : i32
    %convert_element_type3A_50 = arith.extui %gt3A_49 : i1 to i32
    %cond3A_51 = arith.constant 0 : i32
    %cond3A_52 = arith.cmpi ne, %convert_element_type3A_50, %cond3A_51 : i32
    scf.if %cond3A_52 {
      %dma_start3A = arith.constant 0 : i32
      %dma_start3A_67 = arith.constant 0 : i32
      %dma_start3A_68 = arith.constant 0 : i32
      %dma_start3A_69 = arith.constant 0 : i32
      %dma_start3A_70 = arith.constant 0 : i32
      %dma_start3A_71 = arith.constant 0 : i32
      %dma_start3A_72 = tpu.memref_slice %arg6[%dma_start3A_69, %dma_start3A_70, %dma_start3A_71] : memref<2x128x128xf32, #tpu.memory_space<vmem>> -> memref<1x128x128xf32, #tpu.memory_space<vmem>>
      %dma_start3A_73 = tpu.memref_squeeze %dma_start3A_72 : memref<1x128x128xf32, #tpu.memory_space<vmem>> -> memref<128x128xf32, #tpu.memory_space<vmem>>
      %dma_start3A_74 = arith.constant 0 : i32
      %dma_start3A_75 = tpu.memref_slice %arg5[%dma_start3A, %dma_start3A_67, %dma_start3A_68, %dma_start3A_74] : memref<2x2x4x128xi32, #tpu.memory_space<vmem>> -> memref<1x1x1x128xi32, #tpu.memory_space<vmem>>
      %dma_start3A_76 = tpu.memref_squeeze %dma_start3A_75 : memref<1x1x1x128xi32, #tpu.memory_space<vmem>> -> memref<128xi32, #tpu.memory_space<vmem>>
      %dma_start3A_77 = arith.constant 0 : i32
      %dma_start3A_78 = arith.constant 0 : i32
      %dma_start3A_79 = tpu.memref_slice %arg2[%dma_start3A_77, %dma_start3A_78] : memref<10000x128xf32, #tpu.memory_space<hbm>> -> memref<10000x128xf32, #tpu.memory_space<hbm>>
      tpu.enqueue_indirect_dma source(%dma_start3A_79 : memref<10000x128xf32, #tpu.memory_space<hbm>>) target(%dma_start3A_73 : memref<128x128xf32, #tpu.memory_space<vmem>>) offsets(%dma_start3A_76 : memref<128xi32, #tpu.memory_space<vmem>>) semaphore(%arg9 : memref<!tpu.dma_semaphore, #tpu.memory_space<semaphore_mem>>)
    } else {
    }
    %while3A = arith.constant 0 : i32
    %while3A_53 = arith.constant 0 : i32
    %while3A_54 = arith.subi %mul3A_11, %while3A_53 : i32
    %while3A_55 = arith.addi %while3A_53, %while3A_54 : i32
    %while3A_56 = arith.constant 1 : i32
    %while3A_57 = arith.divsi %while3A_54, %while3A_56 : i32
    %while3A_58 = arith.muli %while3A_57, %while3A_56 : i32
    %while3A_59 = arith.addi %while3A_53, %while3A_58 : i32
    %while3A_60 = arith.constant 1 : i32
    scf.for %while3A_67 = %while3A_53 to %while3A_59 step %while3A_60  : i32 {
      %jit3A = arith.constant 4 : i32
      %div3A = arith.divsi %while3A_67, %jit3A : i32
      %sign3A = arith.constant 0 : i32
      %sign3A_68 = arith.cmpi sgt, %while3A_67, %sign3A : i32
      %sign3A_69 = arith.extui %sign3A_68 : i1 to i32
      %sign3A_70 = arith.constant 0 : i32
      %sign3A_71 = arith.cmpi slt, %while3A_67, %sign3A_70 : i32
      %sign3A_72 = arith.extui %sign3A_71 : i1 to i32
      %sign3A_73 = arith.subi %sign3A_69, %sign3A_72 : i32
      %sign3A_74 = arith.constant 0 : i32
      %sign3A_75 = arith.cmpi sgt, %jit3A, %sign3A_74 : i32
      %sign3A_76 = arith.extui %sign3A_75 : i1 to i32
      %sign3A_77 = arith.constant 0 : i32
      %sign3A_78 = arith.cmpi slt, %jit3A, %sign3A_77 : i32
      %sign3A_79 = arith.extui %sign3A_78 : i1 to i32
      %sign3A_80 = arith.subi %sign3A_76, %sign3A_79 : i32
      %ne3A = arith.cmpi ne, %sign3A_73, %sign3A_80 : i32
      %rem3A = arith.remsi %while3A_67, %jit3A : i32
      %ne3A_81 = arith.constant 0 : i32
      %ne3A_82 = arith.cmpi ne, %rem3A, %ne3A_81 : i32
      %and3A = arith.andi %ne3A, %ne3A_82 : i1
      %sub3A = arith.constant 1 : i32
      %sub3A_83 = arith.subi %div3A, %sub3A : i32
      %select_n3A_84 = arith.select %and3A, %sub3A_83, %div3A : i32
      %rem3A_85 = arith.constant 4 : i32
      %rem3A_86 = arith.remsi %while3A_67, %rem3A_85 : i32
      %add3A_87 = arith.constant 1 : i32
      %add3A_88 = arith.addi %while3A_67, %add3A_87 : i32
      %jit3A_89 = arith.constant 4 : i32
      %div3A_90 = arith.divsi %add3A_88, %jit3A_89 : i32
      %sign3A_91 = arith.constant 0 : i32
      %sign3A_92 = arith.cmpi sgt, %add3A_88, %sign3A_91 : i32
      %sign3A_93 = arith.extui %sign3A_92 : i1 to i32
      %sign3A_94 = arith.constant 0 : i32
      %sign3A_95 = arith.cmpi slt, %add3A_88, %sign3A_94 : i32
      %sign3A_96 = arith.extui %sign3A_95 : i1 to i32
      %sign3A_97 = arith.subi %sign3A_93, %sign3A_96 : i32
      %sign3A_98 = arith.constant 0 : i32
      %sign3A_99 = arith.cmpi sgt, %jit3A_89, %sign3A_98 : i32
      %sign3A_100 = arith.extui %sign3A_99 : i1 to i32
      %sign3A_101 = arith.constant 0 : i32
      %sign3A_102 = arith.cmpi slt, %jit3A_89, %sign3A_101 : i32
      %sign3A_103 = arith.extui %sign3A_102 : i1 to i32
      %sign3A_104 = arith.subi %sign3A_100, %sign3A_103 : i32
      %ne3A_105 = arith.cmpi ne, %sign3A_97, %sign3A_104 : i32
      %rem3A_106 = arith.remsi %add3A_88, %jit3A_89 : i32
      %ne3A_107 = arith.constant 0 : i32
      %ne3A_108 = arith.cmpi ne, %rem3A_106, %ne3A_107 : i32
      %and3A_109 = arith.andi %ne3A_105, %ne3A_108 : i1
      %sub3A_110 = arith.constant 1 : i32
      %sub3A_111 = arith.subi %div3A_90, %sub3A_110 : i32
      %select_n3A_112 = arith.select %and3A_109, %sub3A_111, %div3A_90 : i32
      %rem3A_113 = arith.constant 4 : i32
      %rem3A_114 = arith.remsi %add3A_88, %rem3A_113 : i32
      %eq3A_115 = arith.constant 3 : i32
      %eq3A_116 = arith.cmpi eq, %rem3A_86, %eq3A_115 : i32
      %lt3A = arith.cmpi slt, %add3A_88, %mul3A_11 : i32
      %and3A_117 = arith.andi %eq3A_116, %lt3A : i1
      %convert_element_type3A_118 = arith.extui %and3A_117 : i1 to i32
      %cond3A_119 = arith.constant 0 : i32
      %cond3A_120 = arith.cmpi ne, %convert_element_type3A_118, %cond3A_119 : i32
      scf.if %cond3A_120 {
        %rem3A_152 = arith.constant 2 : i32
        %rem3A_153 = arith.remsi %select_n3A_112, %rem3A_152 : i32
        %dma_wait3A_154 = arith.constant 0 : i32
        %dma_wait3A_155 = arith.constant 0 : i32
        %dma_wait3A_156 = arith.constant 0 : i32
        %dma_wait3A_157 = arith.constant 0 : i32
        %dma_wait3A_158 = tpu.memref_slice %arg5[%rem3A_153, %dma_wait3A_155, %dma_wait3A_156, %dma_wait3A_157] : memref<2x2x4x128xi32, #tpu.memory_space<vmem>> -> memref<1x2x4x128xi32, #tpu.memory_space<vmem>>
        %dma_wait3A_159 = tpu.memref_squeeze %dma_wait3A_158 : memref<1x2x4x128xi32, #tpu.memory_space<vmem>> -> memref<2x4x128xi32, #tpu.memory_space<vmem>>
        %dma_wait3A_160 = arith.constant 0 : i32
        %dma_wait3A_161 = arith.constant 0 : i32
        %dma_wait3A_162 = arith.constant 0 : i32
        %dma_wait3A_163 = tpu.memref_slice %arg3[%dma_wait3A_154, %dma_wait3A_160, %dma_wait3A_161, %dma_wait3A_162] : memref<640x2x4x128xi32, #tpu.memory_space<hbm>> -> memref<1x2x4x128xi32, #tpu.memory_space<hbm>>
        %dma_wait3A_164 = tpu.memref_squeeze %dma_wait3A_163 : memref<1x2x4x128xi32, #tpu.memory_space<hbm>> -> memref<2x4x128xi32, #tpu.memory_space<hbm>>
        %dma_wait3A_165 = arith.constant 0 : i32
        %dma_wait3A_166 = arith.constant 0 : i32
        %dma_wait3A_167 = arith.constant 0 : i32
        %dma_wait3A_168 = tpu.memref_slice %arg5[%rem3A_153, %dma_wait3A_165, %dma_wait3A_166, %dma_wait3A_167] : memref<2x2x4x128xi32, #tpu.memory_space<vmem>> -> memref<1x2x4x128xi32, #tpu.memory_space<vmem>>
        %dma_wait3A_169 = tpu.memref_squeeze %dma_wait3A_168 : memref<1x2x4x128xi32, #tpu.memory_space<vmem>> -> memref<2x4x128xi32, #tpu.memory_space<vmem>>
        %dma_wait3A_170 = arith.constant 0 : i32
        %dma_wait3A_171 = arith.constant 0 : i32
        %dma_wait3A_172 = arith.constant 0 : i32
        %dma_wait3A_173 = tpu.memref_slice %arg3[%dma_wait3A_154, %dma_wait3A_170, %dma_wait3A_171, %dma_wait3A_172] : memref<640x2x4x128xi32, #tpu.memory_space<hbm>> -> memref<1x2x4x128xi32, #tpu.memory_space<hbm>>
        %dma_wait3A_174 = tpu.memref_squeeze %dma_wait3A_173 : memref<1x2x4x128xi32, #tpu.memory_space<hbm>> -> memref<2x4x128xi32, #tpu.memory_space<hbm>>
        tpu.wait_dma2 semaphore(%arg8 : memref<!tpu.dma_semaphore, #tpu.memory_space<semaphore_mem>>) src(%dma_wait3A_174 : memref<2x4x128xi32, #tpu.memory_space<hbm>>) dst(%dma_wait3A_169 : memref<2x4x128xi32, #tpu.memory_space<vmem>>)
      } else {
      }
      %lt3A_121 = arith.cmpi slt, %add3A_88, %mul3A_11 : i32
      %convert_element_type3A_122 = arith.extui %lt3A_121 : i1 to i32
      %cond3A_123 = arith.constant 0 : i32
      %cond3A_124 = arith.cmpi ne, %convert_element_type3A_122, %cond3A_123 : i32
      scf.if %cond3A_124 {
        %rem3A_152 = arith.constant 2 : i32
        %rem3A_153 = arith.remsi %select_n3A_112, %rem3A_152 : i32
        %rem3A_154 = arith.constant 2 : i32
        %rem3A_155 = arith.remsi %add3A_88, %rem3A_154 : i32
        %dma_start3A = arith.constant 0 : i32
        %dma_start3A_156 = arith.constant 0 : i32
        %dma_start3A_157 = arith.constant 0 : i32
        %dma_start3A_158 = tpu.memref_slice %arg6[%rem3A_155, %dma_start3A_156, %dma_start3A_157] : memref<2x128x128xf32, #tpu.memory_space<vmem>> -> memref<1x128x128xf32, #tpu.memory_space<vmem>>
        %dma_start3A_159 = tpu.memref_squeeze %dma_start3A_158 : memref<1x128x128xf32, #tpu.memory_space<vmem>> -> memref<128x128xf32, #tpu.memory_space<vmem>>
        %dma_start3A_160 = arith.constant 0 : i32
        %dma_start3A_161 = tpu.memref_slice %arg5[%rem3A_153, %dma_start3A, %rem3A_114, %dma_start3A_160] : memref<2x2x4x128xi32, #tpu.memory_space<vmem>> -> memref<1x1x1x128xi32, #tpu.memory_space<vmem>>
        %dma_start3A_162 = tpu.memref_squeeze %dma_start3A_161 : memref<1x1x1x128xi32, #tpu.memory_space<vmem>> -> memref<128xi32, #tpu.memory_space<vmem>>
        %dma_start3A_163 = arith.constant 0 : i32
        %dma_start3A_164 = arith.constant 0 : i32
        %dma_start3A_165 = tpu.memref_slice %arg2[%dma_start3A_163, %dma_start3A_164] : memref<10000x128xf32, #tpu.memory_space<hbm>> -> memref<10000x128xf32, #tpu.memory_space<hbm>>
        tpu.enqueue_indirect_dma source(%dma_start3A_165 : memref<10000x128xf32, #tpu.memory_space<hbm>>) target(%dma_start3A_159 : memref<128x128xf32, #tpu.memory_space<vmem>>) offsets(%dma_start3A_162 : memref<128xi32, #tpu.memory_space<vmem>>) semaphore(%arg9 : memref<!tpu.dma_semaphore, #tpu.memory_space<semaphore_mem>>)
      } else {
      }
      %rem3A_125 = arith.constant 2 : i32
      %rem3A_126 = arith.remsi %while3A_67, %rem3A_125 : i32
      %dma_wait3A = arith.constant 0 : i32
      %dma_wait3A_127 = arith.constant 0 : i32
      %dma_wait3A_128 = tpu.memref_slice %arg6[%rem3A_126, %dma_wait3A, %dma_wait3A_127] : memref<2x128x128xf32, #tpu.memory_space<vmem>> -> memref<1x128x128xf32, #tpu.memory_space<vmem>>
      %dma_wait3A_129 = tpu.memref_squeeze %dma_wait3A_128 : memref<1x128x128xf32, #tpu.memory_space<vmem>> -> memref<128x128xf32, #tpu.memory_space<vmem>>
      %dma_wait3A_130 = arith.constant 0 : i32
      %dma_wait3A_131 = arith.constant 0 : i32
      %dma_wait3A_132 = tpu.memref_slice %arg2[%dma_wait3A_130, %dma_wait3A_131] : memref<10000x128xf32, #tpu.memory_space<hbm>> -> memref<128x128xf32, #tpu.memory_space<hbm>>
      %dma_wait3A_133 = arith.constant 0 : i32
      %dma_wait3A_134 = arith.constant 0 : i32
      %dma_wait3A_135 = tpu.memref_slice %arg6[%rem3A_126, %dma_wait3A_133, %dma_wait3A_134] : memref<2x128x128xf32, #tpu.memory_space<vmem>> -> memref<1x128x128xf32, #tpu.memory_space<vmem>>
      %dma_wait3A_136 = tpu.memref_squeeze %dma_wait3A_135 : memref<1x128x128xf32, #tpu.memory_space<vmem>> -> memref<128x128xf32, #tpu.memory_space<vmem>>
      %dma_wait3A_137 = arith.constant 0 : i32
      %dma_wait3A_138 = arith.constant 0 : i32
      %dma_wait3A_139 = tpu.memref_slice %arg2[%dma_wait3A_137, %dma_wait3A_138] : memref<10000x128xf32, #tpu.memory_space<hbm>> -> memref<128x128xf32, #tpu.memory_space<hbm>>
      tpu.wait_dma2 semaphore(%arg9 : memref<!tpu.dma_semaphore, #tpu.memory_space<semaphore_mem>>) src(%dma_wait3A_139 : memref<128x128xf32, #tpu.memory_space<hbm>>) dst(%dma_wait3A_136 : memref<128x128xf32, #tpu.memory_space<vmem>>)
      %rem3A_140 = arith.constant 2 : i32
      %rem3A_141 = arith.remsi %select_n3A_84, %rem3A_140 : i32
      %run_scoped3A_142 = arith.constant 1 : i32
      "tpu.region"() ({
        %run_scoped3A_152 = tpu.sem_alloc : memref<!tpu.dma_semaphore, #tpu.memory_space<semaphore_mem>>
        %dma_start3A = arith.constant 0 : i32
        %dma_start3A_153 = arith.constant 0 : i32
        %dma_start3A_154 = tpu.memref_slice %arg6[%rem3A_126, %dma_start3A, %dma_start3A_153] : memref<2x128x128xf32, #tpu.memory_space<vmem>> -> memref<1x128x128xf32, #tpu.memory_space<vmem>>
        %dma_start3A_155 = tpu.memref_squeeze %dma_start3A_154 : memref<1x128x128xf32, #tpu.memory_space<vmem>> -> memref<128x128xf32, #tpu.memory_space<vmem>>
        %dma_start3A_156 = arith.constant 0 : i32
        %dma_start3A_157 = tpu.memref_slice %arg5[%rem3A_141, %run_scoped3A_142, %rem3A_86, %dma_start3A_156] : memref<2x2x4x128xi32, #tpu.memory_space<vmem>> -> memref<1x1x1x128xi32, #tpu.memory_space<vmem>>
        %dma_start3A_158 = tpu.memref_squeeze %dma_start3A_157 : memref<1x1x1x128xi32, #tpu.memory_space<vmem>> -> memref<128xi32, #tpu.memory_space<vmem>>
        %dma_start3A_159 = arith.constant 0 : i32
        %dma_start3A_160 = arith.constant 0 : i32
        %dma_start3A_161 = tpu.memref_slice %arg7[%dma_start3A_159, %dma_start3A_160] : memref<10240x128xf32, #tpu.memory_space<vmem_shared>> -> memref<10240x128xf32, #tpu.memory_space<vmem_shared>>
        tpu.enqueue_indirect_dma source(%dma_start3A_155 : memref<128x128xf32, #tpu.memory_space<vmem>>) target(%dma_start3A_161 : memref<10240x128xf32, #tpu.memory_space<vmem_shared>>) offsets(%dma_start3A_158 : memref<128xi32, #tpu.memory_space<vmem>>) semaphore(%run_scoped3A_152 : memref<!tpu.dma_semaphore, #tpu.memory_space<semaphore_mem>>) {add = true}
        %dma_wait3A_162 = arith.constant 0 : i32
        %dma_wait3A_163 = arith.constant 0 : i32
        %dma_wait3A_164 = tpu.memref_slice %arg6[%rem3A_126, %dma_wait3A_162, %dma_wait3A_163] : memref<2x128x128xf32, #tpu.memory_space<vmem>> -> memref<1x128x128xf32, #tpu.memory_space<vmem>>
        %dma_wait3A_165 = tpu.memref_squeeze %dma_wait3A_164 : memref<1x128x128xf32, #tpu.memory_space<vmem>> -> memref<128x128xf32, #tpu.memory_space<vmem>>
        %dma_wait3A_166 = arith.constant 0 : i32
        %dma_wait3A_167 = tpu.memref_slice %arg5[%rem3A_141, %run_scoped3A_142, %rem3A_86, %dma_wait3A_166] : memref<2x2x4x128xi32, #tpu.memory_space<vmem>> -> memref<1x1x1x128xi32, #tpu.memory_space<vmem>>
        %dma_wait3A_168 = tpu.memref_squeeze %dma_wait3A_167 : memref<1x1x1x128xi32, #tpu.memory_space<vmem>> -> memref<128xi32, #tpu.memory_space<vmem>>
        %dma_wait3A_169 = arith.constant 0 : i32
        %dma_wait3A_170 = arith.constant 0 : i32
        %dma_wait3A_171 = tpu.memref_slice %arg7[%dma_wait3A_169, %dma_wait3A_170] : memref<10240x128xf32, #tpu.memory_space<vmem_shared>> -> memref<10240x128xf32, #tpu.memory_space<vmem_shared>>
        tpu.wait_indirect_dma semaphore(%run_scoped3A_152 : memref<!tpu.dma_semaphore, #tpu.memory_space<semaphore_mem>>) src(%dma_wait3A_165 : memref<128x128xf32, #tpu.memory_space<vmem>>) dst(%dma_wait3A_171 : memref<10240x128xf32, #tpu.memory_space<vmem_shared>>)
        tpu.yield
      }) : () -> ()
      %eq3A_143 = arith.constant 3 : i32
      %eq3A_144 = arith.cmpi eq, %rem3A_86, %eq3A_143 : i32
      %add3A_145 = arith.constant 2 : i32
      %add3A_146 = arith.addi %select_n3A_84, %add3A_145 : i32
      %lt3A_147 = arith.cmpi slt, %add3A_146, %select_n3A_9 : i32
      %and3A_148 = arith.andi %eq3A_144, %lt3A_147 : i1
      %convert_element_type3A_149 = arith.extui %and3A_148 : i1 to i32
      %cond3A_150 = arith.constant 0 : i32
      %cond3A_151 = arith.cmpi ne, %convert_element_type3A_149, %cond3A_150 : i32
      scf.if %cond3A_151 {
        %add3A_152 = arith.addi %select_n3A, %select_n3A_84 : i32
        %add3A_153 = arith.constant 2 : i32
        %add3A_154 = arith.addi %add3A_152, %add3A_153 : i32
        %rem3A_155 = arith.constant 2 : i32
        %rem3A_156 = arith.remsi %select_n3A_84, %rem3A_155 : i32
        %dma_start3A = arith.constant 0 : i32
        %dma_start3A_157 = arith.constant 0 : i32
        %dma_start3A_158 = arith.constant 0 : i32
        %dma_start3A_159 = tpu.memref_slice %arg5[%rem3A_156, %dma_start3A, %dma_start3A_157, %dma_start3A_158] : memref<2x2x4x128xi32, #tpu.memory_space<vmem>> -> memref<1x2x4x128xi32, #tpu.memory_space<vmem>>
        %dma_start3A_160 = tpu.memref_squeeze %dma_start3A_159 : memref<1x2x4x128xi32, #tpu.memory_space<vmem>> -> memref<2x4x128xi32, #tpu.memory_space<vmem>>
        %dma_start3A_161 = arith.constant 0 : i32
        %dma_start3A_162 = arith.constant 0 : i32
        %dma_start3A_163 = arith.constant 0 : i32
        %dma_start3A_164 = tpu.memref_slice %arg3[%add3A_154, %dma_start3A_161, %dma_start3A_162, %dma_start3A_163] : memref<640x2x4x128xi32, #tpu.memory_space<hbm>> -> memref<1x2x4x128xi32, #tpu.memory_space<hbm>>
        %dma_start3A_165 = tpu.memref_squeeze %dma_start3A_164 : memref<1x2x4x128xi32, #tpu.memory_space<hbm>> -> memref<2x4x128xi32, #tpu.memory_space<hbm>>
        %dma_start3A_166 = arith.constant 0 : i32
        %dma_start3A_167 = arith.constant 0 : i32
        %dma_start3A_168 = arith.constant 0 : i32
        %dma_start3A_169 = tpu.memref_slice %arg5[%rem3A_156, %dma_start3A_166, %dma_start3A_167, %dma_start3A_168] : memref<2x2x4x128xi32, #tpu.memory_space<vmem>> -> memref<1x2x4x128xi32, #tpu.memory_space<vmem>>
        %dma_start3A_170 = tpu.memref_squeeze %dma_start3A_169 : memref<1x2x4x128xi32, #tpu.memory_space<vmem>> -> memref<2x4x128xi32, #tpu.memory_space<vmem>>
        %dma_start3A_171 = arith.constant 0 : i32
        %dma_start3A_172 = arith.constant 0 : i32
        %dma_start3A_173 = arith.constant 0 : i32
        %dma_start3A_174 = tpu.memref_slice %arg3[%add3A_154, %dma_start3A_171, %dma_start3A_172, %dma_start3A_173] : memref<640x2x4x128xi32, #tpu.memory_space<hbm>> -> memref<1x2x4x128xi32, #tpu.memory_space<hbm>>
        %dma_start3A_175 = tpu.memref_squeeze %dma_start3A_174 : memref<1x2x4x128xi32, #tpu.memory_space<hbm>> -> memref<2x4x128xi32, #tpu.memory_space<hbm>>
        tpu.enqueue_dma source(%dma_start3A_175 : memref<2x4x128xi32, #tpu.memory_space<hbm>>) target(%dma_start3A_170 : memref<2x4x128xi32, #tpu.memory_space<vmem>>) target_semaphore(%arg8 : memref<!tpu.dma_semaphore, #tpu.memory_space<semaphore_mem>>)
      } else {
      }
    }
    %while3A_61 = arith.constant 1 : i32
    scf.for %while3A_67 = %while3A_59 to %while3A_55 step %while3A_61  : i32 {
      %jit3A = arith.constant 4 : i32
      %div3A = arith.divsi %while3A_67, %jit3A : i32
      %sign3A = arith.constant 0 : i32
      %sign3A_68 = arith.cmpi sgt, %while3A_67, %sign3A : i32
      %sign3A_69 = arith.extui %sign3A_68 : i1 to i32
      %sign3A_70 = arith.constant 0 : i32
      %sign3A_71 = arith.cmpi slt, %while3A_67, %sign3A_70 : i32
      %sign3A_72 = arith.extui %sign3A_71 : i1 to i32
      %sign3A_73 = arith.subi %sign3A_69, %sign3A_72 : i32
      %sign3A_74 = arith.constant 0 : i32
      %sign3A_75 = arith.cmpi sgt, %jit3A, %sign3A_74 : i32
      %sign3A_76 = arith.extui %sign3A_75 : i1 to i32
      %sign3A_77 = arith.constant 0 : i32
      %sign3A_78 = arith.cmpi slt, %jit3A, %sign3A_77 : i32
      %sign3A_79 = arith.extui %sign3A_78 : i1 to i32
      %sign3A_80 = arith.subi %sign3A_76, %sign3A_79 : i32
      %ne3A = arith.cmpi ne, %sign3A_73, %sign3A_80 : i32
      %rem3A = arith.remsi %while3A_67, %jit3A : i32
      %ne3A_81 = arith.constant 0 : i32
      %ne3A_82 = arith.cmpi ne, %rem3A, %ne3A_81 : i32
      %and3A = arith.andi %ne3A, %ne3A_82 : i1
      %sub3A = arith.constant 1 : i32
      %sub3A_83 = arith.subi %div3A, %sub3A : i32
      %select_n3A_84 = arith.select %and3A, %sub3A_83, %div3A : i32
      %rem3A_85 = arith.constant 4 : i32
      %rem3A_86 = arith.remsi %while3A_67, %rem3A_85 : i32
      %add3A_87 = arith.constant 1 : i32
      %add3A_88 = arith.addi %while3A_67, %add3A_87 : i32
      %jit3A_89 = arith.constant 4 : i32
      %div3A_90 = arith.divsi %add3A_88, %jit3A_89 : i32
      %sign3A_91 = arith.constant 0 : i32
      %sign3A_92 = arith.cmpi sgt, %add3A_88, %sign3A_91 : i32
      %sign3A_93 = arith.extui %sign3A_92 : i1 to i32
      %sign3A_94 = arith.constant 0 : i32
      %sign3A_95 = arith.cmpi slt, %add3A_88, %sign3A_94 : i32
      %sign3A_96 = arith.extui %sign3A_95 : i1 to i32
      %sign3A_97 = arith.subi %sign3A_93, %sign3A_96 : i32
      %sign3A_98 = arith.constant 0 : i32
      %sign3A_99 = arith.cmpi sgt, %jit3A_89, %sign3A_98 : i32
      %sign3A_100 = arith.extui %sign3A_99 : i1 to i32
      %sign3A_101 = arith.constant 0 : i32
      %sign3A_102 = arith.cmpi slt, %jit3A_89, %sign3A_101 : i32
      %sign3A_103 = arith.extui %sign3A_102 : i1 to i32
      %sign3A_104 = arith.subi %sign3A_100, %sign3A_103 : i32
      %ne3A_105 = arith.cmpi ne, %sign3A_97, %sign3A_104 : i32
      %rem3A_106 = arith.remsi %add3A_88, %jit3A_89 : i32
      %ne3A_107 = arith.constant 0 : i32
      %ne3A_108 = arith.cmpi ne, %rem3A_106, %ne3A_107 : i32
      %and3A_109 = arith.andi %ne3A_105, %ne3A_108 : i1
      %sub3A_110 = arith.constant 1 : i32
      %sub3A_111 = arith.subi %div3A_90, %sub3A_110 : i32
      %select_n3A_112 = arith.select %and3A_109, %sub3A_111, %div3A_90 : i32
      %rem3A_113 = arith.constant 4 : i32
      %rem3A_114 = arith.remsi %add3A_88, %rem3A_113 : i32
      %eq3A_115 = arith.constant 3 : i32
      %eq3A_116 = arith.cmpi eq, %rem3A_86, %eq3A_115 : i32
      %lt3A = arith.cmpi slt, %add3A_88, %mul3A_11 : i32
      %and3A_117 = arith.andi %eq3A_116, %lt3A : i1
      %convert_element_type3A_118 = arith.extui %and3A_117 : i1 to i32
      %cond3A_119 = arith.constant 0 : i32
      %cond3A_120 = arith.cmpi ne, %convert_element_type3A_118, %cond3A_119 : i32
      scf.if %cond3A_120 {
        %rem3A_152 = arith.constant 2 : i32
        %rem3A_153 = arith.remsi %select_n3A_112, %rem3A_152 : i32
        %dma_wait3A_154 = arith.constant 0 : i32
        %dma_wait3A_155 = arith.constant 0 : i32
        %dma_wait3A_156 = arith.constant 0 : i32
        %dma_wait3A_157 = arith.constant 0 : i32
        %dma_wait3A_158 = tpu.memref_slice %arg5[%rem3A_153, %dma_wait3A_155, %dma_wait3A_156, %dma_wait3A_157] : memref<2x2x4x128xi32, #tpu.memory_space<vmem>> -> memref<1x2x4x128xi32, #tpu.memory_space<vmem>>
        %dma_wait3A_159 = tpu.memref_squeeze %dma_wait3A_158 : memref<1x2x4x128xi32, #tpu.memory_space<vmem>> -> memref<2x4x128xi32, #tpu.memory_space<vmem>>
        %dma_wait3A_160 = arith.constant 0 : i32
        %dma_wait3A_161 = arith.constant 0 : i32
        %dma_wait3A_162 = arith.constant 0 : i32
        %dma_wait3A_163 = tpu.memref_slice %arg3[%dma_wait3A_154, %dma_wait3A_160, %dma_wait3A_161, %dma_wait3A_162] : memref<640x2x4x128xi32, #tpu.memory_space<hbm>> -> memref<1x2x4x128xi32, #tpu.memory_space<hbm>>
        %dma_wait3A_164 = tpu.memref_squeeze %dma_wait3A_163 : memref<1x2x4x128xi32, #tpu.memory_space<hbm>> -> memref<2x4x128xi32, #tpu.memory_space<hbm>>
        %dma_wait3A_165 = arith.constant 0 : i32
        %dma_wait3A_166 = arith.constant 0 : i32
        %dma_wait3A_167 = arith.constant 0 : i32
        %dma_wait3A_168 = tpu.memref_slice %arg5[%rem3A_153, %dma_wait3A_165, %dma_wait3A_166, %dma_wait3A_167] : memref<2x2x4x128xi32, #tpu.memory_space<vmem>> -> memref<1x2x4x128xi32, #tpu.memory_space<vmem>>
        %dma_wait3A_169 = tpu.memref_squeeze %dma_wait3A_168 : memref<1x2x4x128xi32, #tpu.memory_space<vmem>> -> memref<2x4x128xi32, #tpu.memory_space<vmem>>
        %dma_wait3A_170 = arith.constant 0 : i32
        %dma_wait3A_171 = arith.constant 0 : i32
        %dma_wait3A_172 = arith.constant 0 : i32
        %dma_wait3A_173 = tpu.memref_slice %arg3[%dma_wait3A_154, %dma_wait3A_170, %dma_wait3A_171, %dma_wait3A_172] : memref<640x2x4x128xi32, #tpu.memory_space<hbm>> -> memref<1x2x4x128xi32, #tpu.memory_space<hbm>>
        %dma_wait3A_174 = tpu.memref_squeeze %dma_wait3A_173 : memref<1x2x4x128xi32, #tpu.memory_space<hbm>> -> memref<2x4x128xi32, #tpu.memory_space<hbm>>
        tpu.wait_dma2 semaphore(%arg8 : memref<!tpu.dma_semaphore, #tpu.memory_space<semaphore_mem>>) src(%dma_wait3A_174 : memref<2x4x128xi32, #tpu.memory_space<hbm>>) dst(%dma_wait3A_169 : memref<2x4x128xi32, #tpu.memory_space<vmem>>)
      } else {
      }
      %lt3A_121 = arith.cmpi slt, %add3A_88, %mul3A_11 : i32
      %convert_element_type3A_122 = arith.extui %lt3A_121 : i1 to i32
      %cond3A_123 = arith.constant 0 : i32
      %cond3A_124 = arith.cmpi ne, %convert_element_type3A_122, %cond3A_123 : i32
      scf.if %cond3A_124 {
        %rem3A_152 = arith.constant 2 : i32
        %rem3A_153 = arith.remsi %select_n3A_112, %rem3A_152 : i32
        %rem3A_154 = arith.constant 2 : i32
        %rem3A_155 = arith.remsi %add3A_88, %rem3A_154 : i32
        %dma_start3A = arith.constant 0 : i32
        %dma_start3A_156 = arith.constant 0 : i32
        %dma_start3A_157 = arith.constant 0 : i32
        %dma_start3A_158 = tpu.memref_slice %arg6[%rem3A_155, %dma_start3A_156, %dma_start3A_157] : memref<2x128x128xf32, #tpu.memory_space<vmem>> -> memref<1x128x128xf32, #tpu.memory_space<vmem>>
        %dma_start3A_159 = tpu.memref_squeeze %dma_start3A_158 : memref<1x128x128xf32, #tpu.memory_space<vmem>> -> memref<128x128xf32, #tpu.memory_space<vmem>>
        %dma_start3A_160 = arith.constant 0 : i32
        %dma_start3A_161 = tpu.memref_slice %arg5[%rem3A_153, %dma_start3A, %rem3A_114, %dma_start3A_160] : memref<2x2x4x128xi32, #tpu.memory_space<vmem>> -> memref<1x1x1x128xi32, #tpu.memory_space<vmem>>
        %dma_start3A_162 = tpu.memref_squeeze %dma_start3A_161 : memref<1x1x1x128xi32, #tpu.memory_space<vmem>> -> memref<128xi32, #tpu.memory_space<vmem>>
        %dma_start3A_163 = arith.constant 0 : i32
        %dma_start3A_164 = arith.constant 0 : i32
        %dma_start3A_165 = tpu.memref_slice %arg2[%dma_start3A_163, %dma_start3A_164] : memref<10000x128xf32, #tpu.memory_space<hbm>> -> memref<10000x128xf32, #tpu.memory_space<hbm>>
        tpu.enqueue_indirect_dma source(%dma_start3A_165 : memref<10000x128xf32, #tpu.memory_space<hbm>>) target(%dma_start3A_159 : memref<128x128xf32, #tpu.memory_space<vmem>>) offsets(%dma_start3A_162 : memref<128xi32, #tpu.memory_space<vmem>>) semaphore(%arg9 : memref<!tpu.dma_semaphore, #tpu.memory_space<semaphore_mem>>)
      } else {
      }
      %rem3A_125 = arith.constant 2 : i32
      %rem3A_126 = arith.remsi %while3A_67, %rem3A_125 : i32
      %dma_wait3A = arith.constant 0 : i32
      %dma_wait3A_127 = arith.constant 0 : i32
      %dma_wait3A_128 = tpu.memref_slice %arg6[%rem3A_126, %dma_wait3A, %dma_wait3A_127] : memref<2x128x128xf32, #tpu.memory_space<vmem>> -> memref<1x128x128xf32, #tpu.memory_space<vmem>>
      %dma_wait3A_129 = tpu.memref_squeeze %dma_wait3A_128 : memref<1x128x128xf32, #tpu.memory_space<vmem>> -> memref<128x128xf32, #tpu.memory_space<vmem>>
      %dma_wait3A_130 = arith.constant 0 : i32
      %dma_wait3A_131 = arith.constant 0 : i32
      %dma_wait3A_132 = tpu.memref_slice %arg2[%dma_wait3A_130, %dma_wait3A_131] : memref<10000x128xf32, #tpu.memory_space<hbm>> -> memref<128x128xf32, #tpu.memory_space<hbm>>
      %dma_wait3A_133 = arith.constant 0 : i32
      %dma_wait3A_134 = arith.constant 0 : i32
      %dma_wait3A_135 = tpu.memref_slice %arg6[%rem3A_126, %dma_wait3A_133, %dma_wait3A_134] : memref<2x128x128xf32, #tpu.memory_space<vmem>> -> memref<1x128x128xf32, #tpu.memory_space<vmem>>
      %dma_wait3A_136 = tpu.memref_squeeze %dma_wait3A_135 : memref<1x128x128xf32, #tpu.memory_space<vmem>> -> memref<128x128xf32, #tpu.memory_space<vmem>>
      %dma_wait3A_137 = arith.constant 0 : i32
      %dma_wait3A_138 = arith.constant 0 : i32
      %dma_wait3A_139 = tpu.memref_slice %arg2[%dma_wait3A_137, %dma_wait3A_138] : memref<10000x128xf32, #tpu.memory_space<hbm>> -> memref<128x128xf32, #tpu.memory_space<hbm>>
      tpu.wait_dma2 semaphore(%arg9 : memref<!tpu.dma_semaphore, #tpu.memory_space<semaphore_mem>>) src(%dma_wait3A_139 : memref<128x128xf32, #tpu.memory_space<hbm>>) dst(%dma_wait3A_136 : memref<128x128xf32, #tpu.memory_space<vmem>>)
      %rem3A_140 = arith.constant 2 : i32
      %rem3A_141 = arith.remsi %select_n3A_84, %rem3A_140 : i32
      %run_scoped3A_142 = arith.constant 1 : i32
      "tpu.region"() ({
        %run_scoped3A_152 = tpu.sem_alloc : memref<!tpu.dma_semaphore, #tpu.memory_space<semaphore_mem>>
        %dma_start3A = arith.constant 0 : i32
        %dma_start3A_153 = arith.constant 0 : i32
        %dma_start3A_154 = tpu.memref_slice %arg6[%rem3A_126, %dma_start3A, %dma_start3A_153] : memref<2x128x128xf32, #tpu.memory_space<vmem>> -> memref<1x128x128xf32, #tpu.memory_space<vmem>>
        %dma_start3A_155 = tpu.memref_squeeze %dma_start3A_154 : memref<1x128x128xf32, #tpu.memory_space<vmem>> -> memref<128x128xf32, #tpu.memory_space<vmem>>
        %dma_start3A_156 = arith.constant 0 : i32
        %dma_start3A_157 = tpu.memref_slice %arg5[%rem3A_141, %run_scoped3A_142, %rem3A_86, %dma_start3A_156] : memref<2x2x4x128xi32, #tpu.memory_space<vmem>> -> memref<1x1x1x128xi32, #tpu.memory_space<vmem>>
        %dma_start3A_158 = tpu.memref_squeeze %dma_start3A_157 : memref<1x1x1x128xi32, #tpu.memory_space<vmem>> -> memref<128xi32, #tpu.memory_space<vmem>>
        %dma_start3A_159 = arith.constant 0 : i32
        %dma_start3A_160 = arith.constant 0 : i32
        %dma_start3A_161 = tpu.memref_slice %arg7[%dma_start3A_159, %dma_start3A_160] : memref<10240x128xf32, #tpu.memory_space<vmem_shared>> -> memref<10240x128xf32, #tpu.memory_space<vmem_shared>>
        tpu.enqueue_indirect_dma source(%dma_start3A_155 : memref<128x128xf32, #tpu.memory_space<vmem>>) target(%dma_start3A_161 : memref<10240x128xf32, #tpu.memory_space<vmem_shared>>) offsets(%dma_start3A_158 : memref<128xi32, #tpu.memory_space<vmem>>) semaphore(%run_scoped3A_152 : memref<!tpu.dma_semaphore, #tpu.memory_space<semaphore_mem>>) {add = true}
        %dma_wait3A_162 = arith.constant 0 : i32
        %dma_wait3A_163 = arith.constant 0 : i32
        %dma_wait3A_164 = tpu.memref_slice %arg6[%rem3A_126, %dma_wait3A_162, %dma_wait3A_163] : memref<2x128x128xf32, #tpu.memory_space<vmem>> -> memref<1x128x128xf32, #tpu.memory_space<vmem>>
        %dma_wait3A_165 = tpu.memref_squeeze %dma_wait3A_164 : memref<1x128x128xf32, #tpu.memory_space<vmem>> -> memref<128x128xf32, #tpu.memory_space<vmem>>
        %dma_wait3A_166 = arith.constant 0 : i32
        %dma_wait3A_167 = tpu.memref_slice %arg5[%rem3A_141, %run_scoped3A_142, %rem3A_86, %dma_wait3A_166] : memref<2x2x4x128xi32, #tpu.memory_space<vmem>> -> memref<1x1x1x128xi32, #tpu.memory_space<vmem>>
        %dma_wait3A_168 = tpu.memref_squeeze %dma_wait3A_167 : memref<1x1x1x128xi32, #tpu.memory_space<vmem>> -> memref<128xi32, #tpu.memory_space<vmem>>
        %dma_wait3A_169 = arith.constant 0 : i32
        %dma_wait3A_170 = arith.constant 0 : i32
        %dma_wait3A_171 = tpu.memref_slice %arg7[%dma_wait3A_169, %dma_wait3A_170] : memref<10240x128xf32, #tpu.memory_space<vmem_shared>> -> memref<10240x128xf32, #tpu.memory_space<vmem_shared>>
        tpu.wait_indirect_dma semaphore(%run_scoped3A_152 : memref<!tpu.dma_semaphore, #tpu.memory_space<semaphore_mem>>) src(%dma_wait3A_165 : memref<128x128xf32, #tpu.memory_space<vmem>>) dst(%dma_wait3A_171 : memref<10240x128xf32, #tpu.memory_space<vmem_shared>>)
        tpu.yield
      }) : () -> ()
      %eq3A_143 = arith.constant 3 : i32
      %eq3A_144 = arith.cmpi eq, %rem3A_86, %eq3A_143 : i32
      %add3A_145 = arith.constant 2 : i32
      %add3A_146 = arith.addi %select_n3A_84, %add3A_145 : i32
      %lt3A_147 = arith.cmpi slt, %add3A_146, %select_n3A_9 : i32
      %and3A_148 = arith.andi %eq3A_144, %lt3A_147 : i1
      %convert_element_type3A_149 = arith.extui %and3A_148 : i1 to i32
      %cond3A_150 = arith.constant 0 : i32
      %cond3A_151 = arith.cmpi ne, %convert_element_type3A_149, %cond3A_150 : i32
      scf.if %cond3A_151 {
        %add3A_152 = arith.addi %select_n3A, %select_n3A_84 : i32
        %add3A_153 = arith.constant 2 : i32
        %add3A_154 = arith.addi %add3A_152, %add3A_153 : i32
        %rem3A_155 = arith.constant 2 : i32
        %rem3A_156 = arith.remsi %select_n3A_84, %rem3A_155 : i32
        %dma_start3A = arith.constant 0 : i32
        %dma_start3A_157 = arith.constant 0 : i32
        %dma_start3A_158 = arith.constant 0 : i32
        %dma_start3A_159 = tpu.memref_slice %arg5[%rem3A_156, %dma_start3A, %dma_start3A_157, %dma_start3A_158] : memref<2x2x4x128xi32, #tpu.memory_space<vmem>> -> memref<1x2x4x128xi32, #tpu.memory_space<vmem>>
        %dma_start3A_160 = tpu.memref_squeeze %dma_start3A_159 : memref<1x2x4x128xi32, #tpu.memory_space<vmem>> -> memref<2x4x128xi32, #tpu.memory_space<vmem>>
        %dma_start3A_161 = arith.constant 0 : i32
        %dma_start3A_162 = arith.constant 0 : i32
        %dma_start3A_163 = arith.constant 0 : i32
        %dma_start3A_164 = tpu.memref_slice %arg3[%add3A_154, %dma_start3A_161, %dma_start3A_162, %dma_start3A_163] : memref<640x2x4x128xi32, #tpu.memory_space<hbm>> -> memref<1x2x4x128xi32, #tpu.memory_space<hbm>>
        %dma_start3A_165 = tpu.memref_squeeze %dma_start3A_164 : memref<1x2x4x128xi32, #tpu.memory_space<hbm>> -> memref<2x4x128xi32, #tpu.memory_space<hbm>>
        %dma_start3A_166 = arith.constant 0 : i32
        %dma_start3A_167 = arith.constant 0 : i32
        %dma_start3A_168 = arith.constant 0 : i32
        %dma_start3A_169 = tpu.memref_slice %arg5[%rem3A_156, %dma_start3A_166, %dma_start3A_167, %dma_start3A_168] : memref<2x2x4x128xi32, #tpu.memory_space<vmem>> -> memref<1x2x4x128xi32, #tpu.memory_space<vmem>>
        %dma_start3A_170 = tpu.memref_squeeze %dma_start3A_169 : memref<1x2x4x128xi32, #tpu.memory_space<vmem>> -> memref<2x4x128xi32, #tpu.memory_space<vmem>>
        %dma_start3A_171 = arith.constant 0 : i32
        %dma_start3A_172 = arith.constant 0 : i32
        %dma_start3A_173 = arith.constant 0 : i32
        %dma_start3A_174 = tpu.memref_slice %arg3[%add3A_154, %dma_start3A_171, %dma_start3A_172, %dma_start3A_173] : memref<640x2x4x128xi32, #tpu.memory_space<hbm>> -> memref<1x2x4x128xi32, #tpu.memory_space<hbm>>
        %dma_start3A_175 = tpu.memref_squeeze %dma_start3A_174 : memref<1x2x4x128xi32, #tpu.memory_space<hbm>> -> memref<2x4x128xi32, #tpu.memory_space<hbm>>
        tpu.enqueue_dma source(%dma_start3A_175 : memref<2x4x128xi32, #tpu.memory_space<hbm>>) target(%dma_start3A_170 : memref<2x4x128xi32, #tpu.memory_space<vmem>>) target_semaphore(%arg8 : memref<!tpu.dma_semaphore, #tpu.memory_space<semaphore_mem>>)
      } else {
      }
    }
    %barrier3A_62 = arith.constant 0 : index
    tpu.barrier barrier_id(%barrier3A_62)
    %mul3A_63 = arith.constant 640 : i32
    %mul3A_64 = arith.muli %arg1, %mul3A_63 : i32
    %mul3A_65 = arith.constant 640 : i32
    %mul3A_66 = arith.muli %arg1, %mul3A_65 : i32
    "tpu.region"() ({
      %run_scoped3A_67 = tpu.sem_alloc : memref<!tpu.dma_semaphore, #tpu.memory_space<semaphore_mem>>
      %dma_start3A = arith.constant 0 : i32
      %dma_start3A_68 = tpu.memref_slice %arg4[%arg0, %mul3A_66, %dma_start3A] : memref<2x10240x128xf32, #tpu.memory_space<hbm>> -> memref<1x640x128xf32, #tpu.memory_space<hbm>>
      %dma_start3A_69 = tpu.memref_squeeze %dma_start3A_68 : memref<1x640x128xf32, #tpu.memory_space<hbm>> -> memref<640x128xf32, #tpu.memory_space<hbm>>
      %dma_start3A_70 = arith.constant 0 : i32
      %dma_start3A_71 = tpu.memref_slice %arg7[%mul3A_64, %dma_start3A_70] : memref<10240x128xf32, #tpu.memory_space<vmem_shared>> -> memref<640x128xf32, #tpu.memory_space<vmem_shared>>
      tpu.enqueue_dma source(%dma_start3A_71 : memref<640x128xf32, #tpu.memory_space<vmem_shared>>) target(%dma_start3A_69 : memref<640x128xf32, #tpu.memory_space<hbm>>) target_semaphore(%run_scoped3A_67 : memref<!tpu.dma_semaphore, #tpu.memory_space<semaphore_mem>>)
      %dma_wait3A = arith.constant 0 : i32
      %dma_wait3A_72 = tpu.memref_slice %arg4[%arg0, %mul3A_66, %dma_wait3A] : memref<2x10240x128xf32, #tpu.memory_space<hbm>> -> memref<1x640x128xf32, #tpu.memory_space<hbm>>
      %dma_wait3A_73 = tpu.memref_squeeze %dma_wait3A_72 : memref<1x640x128xf32, #tpu.memory_space<hbm>> -> memref<640x128xf32, #tpu.memory_space<hbm>>
      %dma_wait3A_74 = arith.constant 0 : i32
      %dma_wait3A_75 = tpu.memref_slice %arg7[%mul3A_64, %dma_wait3A_74] : memref<10240x128xf32, #tpu.memory_space<vmem_shared>> -> memref<640x128xf32, #tpu.memory_space<vmem_shared>>
      tpu.wait_dma2 semaphore(%run_scoped3A_67 : memref<!tpu.dma_semaphore, #tpu.memory_space<semaphore_mem>>) src(%dma_wait3A_75 : memref<640x128xf32, #tpu.memory_space<vmem_shared>>) dst(%dma_wait3A_73 : memref<640x128xf32, #tpu.memory_space<hbm>>)
      tpu.yield
    }) : () -> ()
    return
  }
}

module attributes {stable_mosaic.version = 14 : i64} {
  func.func @_tc1_body(%arg0: memref<10000x128xf32, #tpu.memory_space<vmem>>, %arg1: memref<128x128xf32, #tpu.memory_space<vmem>>, %arg2: memref<1x128xf32, #tpu.memory_space<vmem>>, %arg3: memref<128x128xf32, #tpu.memory_space<vmem>>, %arg4: memref<10000x1xf32, #tpu.memory_space<vmem>>, %arg5: memref<10000x1xf32, #tpu.memory_space<vmem>>, %arg6: memref<10000x128xf32, #tpu.memory_space<vmem>>) attributes {dimension_semantics = [], scalar_prefetch = 0 : i64, scratch_operands = 0 : i64, tpu.core_type = #tpu.core_type<tc>} {
    %get3A = arith.constant 0 : index
    %get3A_0 = arith.constant 0 : index
    %get3A_1 = vector.load %arg0[%get3A, %get3A_0] : memref<10000x128xf32, #tpu.memory_space<vmem>>, vector<10000x128xf32>
    %get3A_2 = arith.constant 0 : index
    %get3A_3 = arith.constant 0 : index
    %get3A_4 = vector.load %arg1[%get3A_2, %get3A_3] : memref<128x128xf32, #tpu.memory_space<vmem>>, vector<128x128xf32>
    %dot_general3A = arith.constant dense<0.000000e+00> : vector<10000x128xf32>
    %dot_general3A_5 = tpu.matmul %get3A_1, %get3A_4, %dot_general3A {dimension_numbers = #tpu.dot_dimension_numbers<[1], [0], [0], [1], [0, 0, 1, 1], [], []>, transpose_lhs_hint = false} : vector<10000x128xf32>, vector<128x128xf32>, vector<10000x128xf32> -> vector<10000x128xf32>
    %get3A_6 = arith.constant 0 : index
    %get3A_7 = arith.constant 0 : index
    %get3A_8 = vector.load %arg2[%get3A_6, %get3A_7] : memref<1x128xf32, #tpu.memory_space<vmem>>, vector<1x128xf32>
    %add3A = vector.broadcast %get3A_8 : vector<1x128xf32> to vector<10000x128xf32>
    %add3A_9 = arith.addf %dot_general3A_5, %add3A : vector<10000x128xf32>
    %max3A = arith.constant 0.000000e+00 : f32
    %max3A_10 = vector.broadcast %max3A : f32 to vector<10000x128xf32>
    %max3A_11 = arith.maximumf %add3A_9, %max3A_10 : vector<10000x128xf32>
    %get3A_12 = arith.constant 0 : index
    %get3A_13 = arith.constant 0 : index
    %get3A_14 = vector.load %arg4[%get3A_12, %get3A_13] : memref<10000x1xf32, #tpu.memory_space<vmem>>, vector<10000x1xf32>
    %get3A_15 = arith.constant 0 : index
    %get3A_16 = arith.constant 0 : index
    %get3A_17 = vector.load %arg5[%get3A_15, %get3A_16] : memref<10000x1xf32, #tpu.memory_space<vmem>>, vector<10000x1xf32>
    %add3A_18 = arith.addf %get3A_14, %get3A_17 : vector<10000x1xf32>
    %rsqrt3A = math.rsqrt %add3A_18 : vector<10000x1xf32>
    %get3A_19 = arith.constant 0 : index
    %get3A_20 = arith.constant 0 : index
    %get3A_21 = vector.load %arg3[%get3A_19, %get3A_20] : memref<128x128xf32, #tpu.memory_space<vmem>>, vector<128x128xf32>
    %dot_general3A_22 = arith.constant dense<0.000000e+00> : vector<10000x128xf32>
    %dot_general3A_23 = tpu.matmul %max3A_11, %get3A_21, %dot_general3A_22 {dimension_numbers = #tpu.dot_dimension_numbers<[1], [0], [0], [1], [0, 0, 1, 1], [], []>, transpose_lhs_hint = false} : vector<10000x128xf32>, vector<128x128xf32>, vector<10000x128xf32> -> vector<10000x128xf32>
    %mul3A = vector.broadcast %rsqrt3A : vector<10000x1xf32> to vector<10000x128xf32>
    %mul3A_24 = arith.mulf %dot_general3A_23, %mul3A : vector<10000x128xf32>
    %swap3A = arith.constant 0 : index
    %swap3A_25 = arith.constant 0 : index
    %swap3A_26 = vector.load %arg6[%swap3A, %swap3A_25] : memref<10000x128xf32, #tpu.memory_space<vmem>>, vector<10000x128xf32>
    tpu.vector_store %arg6[%swap3A, %swap3A_25], %mul3A_24 {strides = array<i32>} : memref<10000x128xf32, #tpu.memory_space<vmem>>, vector<10000x128xf32>,
    return
  }
}

module attributes {stable_mosaic.version = 14 : i64} {
  func.func @_tc2_body(%arg0: memref<10000x128xf32, #tpu.memory_space<vmem>>, %arg1: memref<10000x128xf32, #tpu.memory_space<vmem>>, %arg2: memref<10000x128xf32, #tpu.memory_space<vmem>>, %arg3: memref<1x128xf32, #tpu.memory_space<vmem>>, %arg4: memref<128x64xf32, #tpu.memory_space<vmem>>, %arg5: memref<10000x1xf32, #tpu.memory_space<vmem>>, %arg6: memref<10000x1xf32, #tpu.memory_space<vmem>>, %arg7: memref<10000x128xf32, #tpu.memory_space<vmem>>) attributes {dimension_semantics = [], scalar_prefetch = 0 : i64, scratch_operands = 0 : i64, tpu.core_type = #tpu.core_type<tc>} {
    %get3A = arith.constant 0 : index
    %get3A_0 = arith.constant 0 : index
    %get3A_1 = vector.load %arg5[%get3A, %get3A_0] : memref<10000x1xf32, #tpu.memory_space<vmem>>, vector<10000x1xf32>
    %get3A_2 = arith.constant 0 : index
    %get3A_3 = arith.constant 0 : index
    %get3A_4 = vector.load %arg6[%get3A_2, %get3A_3] : memref<10000x1xf32, #tpu.memory_space<vmem>>, vector<10000x1xf32>
    %add3A = arith.addf %get3A_1, %get3A_4 : vector<10000x1xf32>
    %rsqrt3A = math.rsqrt %add3A : vector<10000x1xf32>
    %get3A_5 = arith.constant 0 : index
    %get3A_6 = arith.constant 0 : index
    %get3A_7 = vector.load %arg0[%get3A_5, %get3A_6] : memref<10000x128xf32, #tpu.memory_space<vmem>>, vector<10000x128xf32>
    %get3A_8 = arith.constant 0 : index
    %get3A_9 = arith.constant 0 : index
    %get3A_10 = vector.load %arg1[%get3A_8, %get3A_9] : memref<10000x128xf32, #tpu.memory_space<vmem>>, vector<10000x128xf32>
    %add3A_11 = arith.addf %get3A_7, %get3A_10 : vector<10000x128xf32>
    %get3A_12 = arith.constant 0 : index
    %get3A_13 = arith.constant 0 : index
    %get3A_14 = vector.load %arg2[%get3A_12, %get3A_13] : memref<10000x128xf32, #tpu.memory_space<vmem>>, vector<10000x128xf32>
    %add3A_15 = arith.addf %add3A_11, %get3A_14 : vector<10000x128xf32>
    %mul3A = vector.broadcast %rsqrt3A : vector<10000x1xf32> to vector<10000x128xf32>
    %mul3A_16 = arith.mulf %mul3A, %add3A_15 : vector<10000x128xf32>
    %get3A_17 = arith.constant 0 : index
    %get3A_18 = arith.constant 0 : index
    %get3A_19 = vector.load %arg3[%get3A_17, %get3A_18] : memref<1x128xf32, #tpu.memory_space<vmem>>, vector<1x128xf32>
    %add3A_20 = vector.broadcast %get3A_19 : vector<1x128xf32> to vector<10000x128xf32>
    %add3A_21 = arith.addf %mul3A_16, %add3A_20 : vector<10000x128xf32>
    %max3A = arith.constant 0.000000e+00 : f32
    %max3A_22 = vector.broadcast %max3A : f32 to vector<10000x128xf32>
    %max3A_23 = arith.maximumf %add3A_21, %max3A_22 : vector<10000x128xf32>
    %get3A_24 = arith.constant 0 : index
    %get3A_25 = arith.constant 0 : index
    %get3A_26 = vector.load %arg4[%get3A_24, %get3A_25] : memref<128x64xf32, #tpu.memory_space<vmem>>, vector<128x64xf32>
    %dot_general3A = arith.constant dense<0.000000e+00> : vector<10000x64xf32>
    %dot_general3A_27 = tpu.matmul %max3A_23, %get3A_26, %dot_general3A {dimension_numbers = #tpu.dot_dimension_numbers<[1], [0], [0], [1], [0, 0, 1, 1], [], []>, transpose_lhs_hint = false} : vector<10000x128xf32>, vector<128x64xf32>, vector<10000x64xf32> -> vector<10000x64xf32>
    %mul3A_28 = vector.broadcast %rsqrt3A : vector<10000x1xf32> to vector<10000x64xf32>
    %mul3A_29 = arith.mulf %dot_general3A_27, %mul3A_28 : vector<10000x64xf32>
    %broadcast_in_dim3A = arith.constant 0.000000e+00 : f32
    %broadcast_in_dim3A_30 = vector.broadcast %broadcast_in_dim3A : f32 to vector<10000x64xf32>
    %concatenate3A = tpu.concatenate %mul3A_29, %broadcast_in_dim3A_30 in 1 : vector<10000x64xf32>, vector<10000x64xf32> -> vector<10000x128xf32>
    %swap3A = arith.constant 0 : index
    %swap3A_31 = arith.constant 0 : index
    %swap3A_32 = vector.load %arg7[%swap3A, %swap3A_31] : memref<10000x128xf32, #tpu.memory_space<vmem>>, vector<10000x128xf32>
    tpu.vector_store %arg7[%swap3A, %swap3A_31], %concatenate3A {strides = array<i32>} : memref<10000x128xf32, #tpu.memory_space<vmem>>, vector<10000x128xf32>,
    return
  }
}

module attributes {stable_mosaic.version = 14 : i64} {
  func.func @_tc3_body(%arg0: memref<10000x128xf32, #tpu.memory_space<vmem>>, %arg1: memref<10000x128xf32, #tpu.memory_space<vmem>>, %arg2: memref<10000x128xf32, #tpu.memory_space<vmem>>, %arg3: memref<1x64xf32, #tpu.memory_space<vmem>>, %arg4: memref<10000x1xf32, #tpu.memory_space<vmem>>, %arg5: memref<10000x1xf32, #tpu.memory_space<vmem>>, %arg6: memref<10000x64xf32, #tpu.memory_space<vmem>>) attributes {dimension_semantics = [], scalar_prefetch = 0 : i64, scratch_operands = 0 : i64, tpu.core_type = #tpu.core_type<tc>} {
    %get3A = arith.constant 0 : index
    %get3A_0 = arith.constant 0 : index
    %get3A_1 = vector.load %arg4[%get3A, %get3A_0] : memref<10000x1xf32, #tpu.memory_space<vmem>>, vector<10000x1xf32>
    %get3A_2 = arith.constant 0 : index
    %get3A_3 = arith.constant 0 : index
    %get3A_4 = vector.load %arg5[%get3A_2, %get3A_3] : memref<10000x1xf32, #tpu.memory_space<vmem>>, vector<10000x1xf32>
    %add3A = arith.addf %get3A_1, %get3A_4 : vector<10000x1xf32>
    %rsqrt3A = math.rsqrt %add3A : vector<10000x1xf32>
    %get3A_5 = arith.constant 0 : index
    %get3A_6 = arith.constant 0 : index
    %get3A_7 = vector.load %arg0[%get3A_5, %get3A_6] : memref<10000x128xf32, #tpu.memory_space<vmem>>, vector<10000x128xf32>
    %get3A_8 = arith.constant 0 : index
    %get3A_9 = arith.constant 0 : index
    %get3A_10 = vector.load %arg1[%get3A_8, %get3A_9] : memref<10000x128xf32, #tpu.memory_space<vmem>>, vector<10000x128xf32>
    %add3A_11 = arith.addf %get3A_7, %get3A_10 : vector<10000x128xf32>
    %get3A_12 = arith.constant 0 : index
    %get3A_13 = arith.constant 0 : index
    %get3A_14 = vector.load %arg2[%get3A_12, %get3A_13] : memref<10000x128xf32, #tpu.memory_space<vmem>>, vector<10000x128xf32>
    %add3A_15 = arith.addf %add3A_11, %get3A_14 : vector<10000x128xf32>
    %slice3A = vector.extract_strided_slice %add3A_15 {offsets = [0, 0], sizes = [10000, 64], strides = [1, 1]} : vector<10000x128xf32> to vector<10000x64xf32>
    %mul3A = vector.broadcast %rsqrt3A : vector<10000x1xf32> to vector<10000x64xf32>
    %mul3A_16 = arith.mulf %mul3A, %slice3A : vector<10000x64xf32>
    %get3A_17 = arith.constant 0 : index
    %get3A_18 = arith.constant 0 : index
    %get3A_19 = vector.load %arg3[%get3A_17, %get3A_18] : memref<1x64xf32, #tpu.memory_space<vmem>>, vector<1x64xf32>
    %add3A_20 = vector.broadcast %get3A_19 : vector<1x64xf32> to vector<10000x64xf32>
    %add3A_21 = arith.addf %mul3A_16, %add3A_20 : vector<10000x64xf32>
    %swap3A = arith.constant 0 : index
    %swap3A_22 = arith.constant 0 : index
    %swap3A_23 = vector.load %arg6[%swap3A, %swap3A_22] : memref<10000x64xf32, #tpu.memory_space<vmem>>, vector<10000x64xf32>
    tpu.vector_store %arg6[%swap3A, %swap3A_22], %add3A_21 {strides = array<i32>} : memref<10000x64xf32, #tpu.memory_space<vmem>>, vector<10000x64xf32>,
    return
  }
}

</mosaic_0001>

<sc_bundles>
// kernel: kernel.11.cloned.1.call-start
scs
__scs_entry_jumppad:
0x0: {  	(pc) =	sbr.rel $0x88, $3  }
0x1: {  	(tag) =	ssettag $0x0;
	lr =	simm.s32 $0x1  }
0x2: {  	[smem:$0x3F99] =	sst lr;
	_ =	strace $0xD0000000  }
0x3: {  	_ = 	snop  }
0x4: {  	_ = 	snop  }
0x5: {  	_ = 	snop  }
0x6: {  	_ = 	snop  }
0x7: {  	_ = 	snop  }
__scs_overlays_trampoline_lowered:
0x8: {  	[smem:$0x3FA8] =	sst s0  }
0x9: {  	[smem:$0x3FA9] =	sst s1  }
0xa: {  	[smem:$0x3FAA] =	sst s2  }
0xb: {  	[smem:$0x3FAB] =	sst s3  }
0xc: {  	[smem:$0x3FAC] =	sst s4  }
0xd: {  	[smem:$0x3FAD] =	sst s5  }
0xe: {  	[smem:$0x3FAE] =	sst s6  }
0xf: {  	[smem:$0x3FAF] =	sst s7  }
0x10: {  	[smem:$0x3FB0] =	sst s8  }
0x11: {  	[smem:$0x3FB1] =	sst s9;
	s0 =	simm.s32 @!p0 $0x0  }
0x12: {  	s1 =	sld [smem:$0x3F97];
	s0 =	simm.s32 @p0 $0x1  }
0x13: {  	[smem:$0x3FB2] =	sst s0;
	s0 =	simm.s32 @!p1 $0x0  }
0x14: {  	s2 =	sld [smem:$0x3F96];
	s0 =	simm.s32 @p1 $0x1  }
0x15: {  	[smem:$0x3FB3] =	sst s0;
	s0 =	simm.s32 @!p2 $0x0  }
0x16: {  	s3 =	sld [smem:$0x3FDB];
	s0 =	simm.s32 @p2 $0x1  }
0x17: {  	s4 =	simm.s32 $0x1BF5;
	[smem:$0x3FB5] =	sst s0  }
0x18: {  	s0 =	sld [smem:$0x3F98];
	_ =	swait.ge [sflag:s4], $0x0  }
0x19: {  	s7 =	sld [smem:$0x3F99]  }
0x1a: {  	s8 =	sadd.s32 $0xFFFFE003, lr  }
0x1b: {  	s9 =	sadd.s32 $0xFFFFFEF7, lr;
	s5 =	simm.s32 $0xFFFFFFFF;
	p2 =	slt.u32 s8, $0xFFFFF086  }
0x1c: {  	p1 =	slt.u32 s9, $0xF7A;
	s5 =	simm.s32 @!p2 $0x0  }
0x1d: {  	s5 =	simm.s32 @p1 $0x1;
	p0 =	seq.s32 s7, s2  }
0x1e: {  	s7 =	smul.u32 @!p0 $0xF7A, s2;
	p2 =	seq.s32 @!p0 s5, $0x0  }
0x1f: {  	s9 =	smul.u32 $0xF7A, s1;
	s8 =	simm.s32 @!p0 $0x1BF5;
	p2 =	por !p2, p0  }
0x20: {  	[sflag:s8] =	ssyncset.s32 @!p0 $0xFFFFF086;
	s6 =	sadd.s32 @!p0 s3, s7;
	s7 =	simm.s32 @!p0 $0x108  }
0x21: {  	s3 =	sadd.s32 s3, s9;
	s6 =	sadd.s32 @!p0 $0x88, s6;
	s7 =	simm.s32 @p2 $0x1082  }
0x22: {  	[simem:s7], [sflag:s8] =	dma.local @!p0 [hbm:s6], $0xF7A  }
0x23: {  	s9 =	sor.u32 $0xD0000000, s2;
	s6 =	simm.s32 $0x108;
	_ =	swait.ge @!p0 [sflag:s8], $0x0  }
0x24: {  	s3 =	sadd.s32 $0x88, s3;
	s6 =	simm.s32 @!p1 $0x1082;
	[sflag:s4] =	ssyncset.s32 $0xFFFFF086  }
0x25: {  	[simem:s6], [sflag:s4] =	dma.local [hbm:s3], $0xF7A  }
0x26: {  	[smem:$0x3F99] =	sst s1;
	(tag) =	ssettag s2;
	_ =	strace s9  }
0x27: {  	s1 =	sld [smem:$0x3FA9]  }
0x28: {  	s2 =	sld [smem:$0x3FAA]  }
0x29: {  	s4 =	sld [smem:$0x3FAC]  }
0x2a: {  	p0 =	seq.s32 s5, $0x0;
	s5 =	sld [smem:$0x3FAD]  }
0x2b: {  	s6 =	sld [smem:$0x3FAE]  }
0x2c: {  	s7 =	sld [smem:$0x3FAF]  }
0x2d: {  	s3 =	simm.s32 $0x108;
	s8 =	sld [smem:$0x3FB0]  }
0x2e: {  	s3 =	simm.s32 @!p0 $0x1082;
	s9 =	sld [smem:$0x3FB1]  }
0x2f: {  	lr =	sadd.s32 s0, s3;
	s0 =	sld [smem:$0x3FA8]  }
0x30: {  	s3 =	sld [smem:$0x3FAB]  }
0x31: {  	[smem:$0x3FB4] =	sst s10  }
0x32: {  	s10 =	sld [smem:$0x3FB2];
	_ =	sdelay $0x3  }
0x33: {  	p0 =	seq.s32 s10, $0x1;
	s10 =	sld [smem:$0x3FB4];
	_ =	sdelay $0x3  }
0x34: {  	[smem:$0x3FB4] =	sst s10  }
0x35: {  	s10 =	sld [smem:$0x3FB3];
	_ =	sdelay $0x3  }
0x36: {  	p1 =	seq.s32 s10, $0x1;
	s10 =	sld [smem:$0x3FB4];
	_ =	sdelay $0x3  }
0x37: {  	[smem:$0x3FB4] =	sst s10  }
0x38: {  	s10 =	sld [smem:$0x3FB5]  }
0x39: {  	_ = 	snop;
	(pc) =	sbr.ind lr, $3  }
0x3a: {  	_ = 	snop  }
0x3b: {  	_ = 	snop  }
0x3c: {  	p2 =	seq.s32 s10, $0x1;
	s10 =	sld [smem:$0x3FB4]  }
0x3d: {  	_ =	shalt  }
0x3e: {  	_ =	shalt  }
0x3f: {  	_ =	shalt  }
0x40: {  	_ =	shalt  }
0x41: {  	_ =	shalt  }
0x42: {  	_ =	shalt  }
0x43: {  	_ =	shalt  }
0x44: {  	_ =	shalt  }
0x45: {  	_ =	shalt  }
0x46: {  	_ =	shalt  }
0x47: {  	_ =	shalt  }
0x48: {  	_ =	shalt  }
0x49: {  	_ =	shalt  }
0x4a: {  	_ =	shalt  }
0x4b: {  	_ =	shalt  }
0x4c: {  	_ =	shalt  }
0x4d: {  	_ =	shalt  }
0x4e: {  	_ =	shalt  }
0x4f: {  	_ =	shalt  }
0x50: {  	_ =	shalt  }
0x51: {  	_ =	shalt  }
0x52: {  	_ =	shalt  }
0x53: {  	_ =	shalt  }
0x54: {  	_ =	shalt  }
0x55: {  	_ =	shalt  }
0x56: {  	_ =	shalt  }
0x57: {  	_ =	shalt  }
0x58: {  	_ =	shalt  }
0x59: {  	_ =	shalt  }
0x5a: {  	_ =	shalt  }
0x5b: {  	_ =	shalt  }
0x5c: {  	_ =	shalt  }
0x5d: {  	_ =	shalt  }
0x5e: {  	_ =	shalt  }
0x5f: {  	_ =	shalt  }
0x60: {  	_ =	shalt  }
0x61: {  	_ =	shalt  }
0x62: {  	_ =	shalt  }
0x63: {  	_ =	shalt  }
0x64: {  	_ =	shalt  }
0x65: {  	_ =	shalt  }
0x66: {  	_ =	shalt  }
0x67: {  	_ =	shalt  }
0x68: {  	_ =	shalt  }
0x69: {  	_ =	shalt  }
0x6a: {  	_ =	shalt  }
0x6b: {  	_ =	shalt  }
0x6c: {  	_ =	shalt  }
0x6d: {  	_ =	shalt  }
0x6e: {  	_ =	shalt  }
0x6f: {  	_ =	shalt  }
0x70: {  	_ =	shalt  }
0x71: {  	_ =	shalt  }
0x72: {  	_ =	shalt  }
0x73: {  	_ =	shalt  }
0x74: {  	_ =	shalt  }
0x75: {  	_ =	shalt  }
0x76: {  	_ =	shalt  }
0x77: {  	_ =	shalt  }
0x78: {  	_ =	shalt  }
0x79: {  	_ =	shalt  }
0x7a: {  	_ =	shalt  }
0x7b: {  	_ =	shalt  }
0x7c: {  	_ =	shalt  }
0x7d: {  	_ =	shalt  }
0x7e: {  	_ =	shalt  }
0x7f: {  	_ =	shalt  }
0x80: {  	_ =	shalt  }
0x81: {  	_ =	shalt  }
0x82: {  	_ =	shalt  }
0x83: {  	_ =	shalt  }
0x84: {  	_ =	shalt  }
0x85: {  	_ =	shalt  }
0x86: {  	_ =	shalt  }
0x87: {  	_ =	shalt  }
.Lfunc_end0:
.L_simem_size_0:
called_computation.1_lowered:
.L_overlay_start_0:
0x88: {  	s2 =	sld [smem:$0x3FD9]  }
0x89: {  	s3 =	sld [smem:$0x3FFE];
	_ =	sdelay $0x1  }
0x8a: {  	s1 =	srdreg.scid  }
0x8b: {  	s0 =	sand.u32 $0x1, s1  }
0x8c: {  	s16 =	sshll.u32 s0, $0xA;
	s2 =	sadd.s32 s3, s2  }
0x8d: {  	s2 =	sadd.s32 s2, s16  }
0x8e: {  	[smem:$0x3FC0] =	sst s2  }
0x8f: {  	_ = 	snop  }
0x90: {  	(tm) =	ssettm $0x1  }
0x91: {  	s17 =	sld [smem:$0x3FFB];
	_ =	sdelay $0x3  }
0x92: {  	_ =	strace s17  }
0x93: {  	s2 =	sld [smem:$0x3FFC];
	_ =	sdelay $0x3  }
0x94: {  	_ =	strace s2  }
0x95: {  	s2 =	sld [smem:$0x3FFD];
	_ =	sdelay $0x3  }
0x96: {  	_ =	strace s2  }
0x97: {  	_ =	strace $0x8FFFFFFF  }
0x98: {  	s18 =	sld [smem:$0x3FDB];
	_ =	sdelay $0x1  }
0x99: {  	s19 =	simm.s32 $_scs_section_size  }
0x9a: {  	s4 =	simm.s32 $_size__tile_overlayer_lowered;
	s5 =	simm.s32 $_tile_overlayer_lowered  }
0x9b: {  	s22 =	simm.s32 $0x1BFF;
	s21 =	sshll.u32 s5, $0x1;
	s2 =	sadd.s32 s19, s18  }
0x9c: {  	s6 =	simm.s32 $0x0;
	s20 =	sshll.u32 s4, $0x1;
	s4 =	sadd.s32 s21, s2  }
0x9d: {  	[timem:s6], [sflag:s22] =	dma.local [hbm:s4], s20  }
0x9e: {  	_ =	swait.ge [sflag:s22], s20  }
0x9f: {  	s3 =	ssub.s32 $0x0, s20;
	[sflag:s22] =	ssyncset.done $0x0  }
0xa0: {  	[sflag:s22] =	ssyncadd.s32 s3;
	_ =	sdelay $0x1  }
0xa1: {  	s23 =	simm.s32 $0x1B8B  }
0xa2: {  	_ =	swait.ge [sflag:s23], $0x1  }
0xa3: {  	[sflag:s23] =	ssyncset.done $0x0  }
0xa4: {  	s25 =	simm.s32 $0x1B8E;
	s24 =	sld [smem:$0x3FFE];
	[sflag:s23] =	ssyncadd.s32 $0xFFFFFFFF  }
0xa5: {  	s26 =	simm.s32 $execute0_lowered;
	[smem:$0x3FD2] =	sst s25  }
0xa6: {  	s4 =	sshll.u32 s26, $0x1;
	_ =	strace $0x80000049;
	[dreg:$0x1] =	wrdreg $0xFFFFFFFF  }
0xa7: {  	s28 =	simm.s32 $_size_execute0_lowered;
	s2 =	sadd.s32 s2, s4;
	[dreg:$0x0] =	wrdreg $0x0  }
0xa8: {  	s4 =	sshll.u32 s28, $0x1;
	[dreg:$0x2] =	wrdreg s2  }
0xa9: {  	[dreg:$0x3] =	wrdreg s4  }
0xaa: {  	[dreg:$0x4] =	wrdreg $0xC0  }
0xab: {  	_ =	task [dreg:s6], $0x5FFFF  }
0xac: {  	[dreg:$0x1] =	wrdreg $0xFFFFFFFF  }
0xad: {  	[dreg:$0x0] =	wrdreg $0x60  }
0xae: {  	[dreg:$0x2] =	wrdreg s24  }
0xaf: {  	[dreg:$0x3] =	wrdreg $0x88000  }
0xb0: {  	[dreg:$0x4] =	wrdreg $0x9  }
0xb1: {  	_ =	task.clear_ibuf [dreg:s6], $0x5FFFF;
	_ =	strace $0x90000049  }
0xb2: {  	s29 =	simm.s32 $0x9;
	_ =	strace $0x8000004B  }
0xb3: {  	_ =	swait.ge [sflag:s29], $0x1  }
0xb4: {  	[sflag:s29] =	ssyncadd.s32 $0xFFFFFFFF  }
0xb5: {  	_ =	strace $0x9000004B  }
0xb6: {  	_ =	sfence  }
0xb7: {  	s30 =	sld [smem:$0x0];
	_ =	sdelay $0x2  }
0xb8: {  	s31 =	sshll.u32 s1, $0xD;
	s1 =	sshrl.u32 s1, $0x2  }
0xb9: {  	s3 =	sand.u32 $0x4000, s31;
	s1 =	sadd.s32 s1, s30  }
0xba: {  	s0 =	sor.u32 s3, s0;
	s1 =	sshll.u32 s1, $0x11  }
0xbb: {  	s0 =	sor.u32 s1, s0  }
0xbc: {  	s0 =	sadd.s32 $0x8F2B, s0  }
0xbd: {  	[sflag:s0] =	ssyncadd.remote.s32 $0x1  }
0xbe: {  	_ =	sfence.sel $0xFFFF  }
0xbf: {  	[dreg:$0x0] =	wrdreg $0xFFFFFFFF;
	(pc) =	sbr.abs _section_cstart, $3  }
0xc0: {  	[dreg:$0x1] =	wrdreg $0xFFFFFFFF  }
0xc1: {  	_ =	task.clear_ibuf [dreg:s6], $0x2FFFF;
	_ =	strace $0x9FFFFFFF  }
0xc2: {  	(tm) =	ssettm $0x7FFFFFFF  }
0xc3: {  	_ =	shalt  }
tec
execute0_lowered:
.L_overlay_start_1:
0x0: {  	(tag) =	ssettag $0x1  }
0x1: {  	s12 =	rddreg [dreg:$0x0]  }
0x2: {  	s2 =	rddreg [dreg:$0x1];
	s0 =	stileid.u32  }
0x3: {  	s3 =	simm.s32 $0x0;
	s4 =	srdreg.scid;
	s17 =	simm.s32 $0x800  }
0x4: {  	s18 =	simm.s32 $0x80;
	s19 =	simm.s32 $0x2;
	s5 =	smul.u32 $0x14, s0  }
0x5: {  	s21 =	simm.s32 $0x4800;
	s22 =	simm.s32 $0x0;
	s8 =	smul.u32 $0x14000, s0  }
0x6: {  	[smem:$0x7FF] =	sst s3;
	s6 =	sand.u32 $0x1, s4;
	s10 =	smul.u32 $0x50000, s0  }
0x7: {  	s15 =	sadd.s32 $0x3300, s12;
	p0 =	seq.s32 s6, $0x0;
	s7 =	smul.u32 $0x140000, s6  }
0x8: {  	_ =	strace $0x8000004A;
	s6 =	ssub.s32 $0x2, s6;
	[dreg:$0x3] =	wrdreg s15  }
0x9: {  	s15 =	simm.s32 $0x3;
	s4 =	sadd.s32 $0x140, s5;
	s31 =	sshrl.u32 s6, $0x1  }
0xa: {  	s10 =	sshrl.u32 s10, $0x2;
	s4 =	smov.u32 @p0 s5;
	s5 =	sadd.s32 $0x65600, s12  }
0xb: {  	s7 =	sadd.s32 s8, s7;
	s14 =	ssub.s32 s6, s31;
	s6 =	sadd.s32 s10, s2  }
0xc: {  	s9 =	sshll.u32 s4, $0x7;
	s7 =	sshrl.u32 s7, $0x3;
	s10 =	sadd.s32 $0x8000, s6  }
0xd: {  	s11 =	sadd.s32 $0xC000, s6;
	s14 =	smax.u32 s14, $0x1;
	s9 =	sadd.s32 s9, s12  }
0xe: {  	s13 =	sadd.s32 s7, s12;
	s12 =	sadd.s32 $0x10000, s6;
	s7 =	sadd.s32 $0x3200, s9  }
0xf: {  	v0 =	vimm.f32 $0.0e+00;
	s8 =	sadd.s32 $0x3280, s9;
	s9 =	sadd.s32 $0x4000, s6;
	s13 =	sadd.s32 $0x8C800, s13  }
.LBB2_1:
0x10: {  	[tilespmem:s3], [sflag:$0x3] =	stream.linear.gather [hbm4b:s7+s3], $0x400, $0x38;
	[tilespmem:$0x1C800] =	vst v63  }
0x11: {  	s0 =	simm.s32 $0x400  }
0x12: {  	s23 =	sand.u32 $0xFE00, s3;
	s24 =	sand.u32 $0x70, s3;
	_ =	swait.ge [sflag:s15], $0x400  }
0x13: {  	s25 =	sshrl.u32 s23, $0x2;
	s23 =	simm.s32 $0x40;
	[sflag:s15] =	ssyncset.done $0x0  }
0x14: {  	s25 =	sor.u32 s24, s25;
	s24 =	simm.s32 $0x0;
	[sflag:s15] =	ssyncadd.s32 $0xFFFFFC00  }
0x15: {  	[tilespmem:s0], [sflag:$0x1] =	stream.linear.gather [hbm4b:s8+s3], $0x400, $0x38;
	[tilespmem:$0x1C800] =	vst v63  }
.LBB2_2:
0x16: {  	p0 =	sne.s32 s23, $0xFFC0  }
0x17: {  	[tilespmem:s25+$0x800] =	vst v0;
	s24 =	sadd.s32 $0x10, s24;
	s25 =	smov.u32 s23;
	s23 =	sadd.s32 $0x40, s23  }
.Ltmp0:
0x18: {  	(pc) =	sbr.rel @p0 .LBB2_2-.Ltmp0, $4  }
0x19: {  	_ = 	snop  }
0x1a: {  	s25 =	sand.u32 $0xFE00, s25  }
0x1b: {  	s26 =	sand.u32 $0x70, s24;
	s25 =	sshrl.u32 s25, $0x2  }
0x1c: {  	s25 =	sor.u32 s26, s25  }
0x1d: {  	[tilespmem:s25+$0x800] =	vst v0  }
0x1e: {  	[spmem:s6] =	stream.linear.scatter [tilespmem:s17], [sflag:$0x3], $0x4000, $0x38;
	[tilespmem:$0x1C800] =	vst v63  }
0x1f: {  	_ =	swait.ge [sflag:s15], $0x4000  }
0x20: {  	[sflag:s15] =	ssyncset.done $0x0  }
0x21: {  	[sflag:s15] =	ssyncadd.s32 $0xFFFFC000  }
0x22: {  	[spmem:s9] =	stream.linear.scatter [tilespmem:s17], [sflag:$0x3], $0x4000, $0x38;
	[tilespmem:$0x1C800] =	vst v63  }
0x23: {  	_ =	swait.ge [sflag:s15], $0x4000  }
0x24: {  	[sflag:s15] =	ssyncset.done $0x0  }
0x25: {  	[sflag:s15] =	ssyncadd.s32 $0xFFFFC000  }
0x26: {  	[spmem:s10] =	stream.linear.scatter [tilespmem:s17], [sflag:$0x3], $0x4000, $0x38;
	[tilespmem:$0x1C800] =	vst v63  }
0x27: {  	_ =	swait.ge [sflag:s15], $0x4000  }
0x28: {  	[sflag:s15] =	ssyncset.done $0x0  }
0x29: {  	[sflag:s15] =	ssyncadd.s32 $0xFFFFC000  }
0x2a: {  	[spmem:s11] =	stream.linear.scatter [tilespmem:s17], [sflag:$0x3], $0x4000, $0x38;
	[tilespmem:$0x1C800] =	vst v63  }
0x2b: {  	_ =	swait.ge [sflag:s15], $0x4000  }
0x2c: {  	[sflag:s15] =	ssyncset.done $0x0  }
0x2d: {  	s23 =	simm.s32 $0x0;
	s24 =	simm.s32 $0x400;
	[sflag:s15] =	ssyncadd.s32 $0xFFFFC000  }
0x2e: {  	[spmem:s12] =	stream.linear.scatter [tilespmem:s17], [sflag:$0x3], $0x4000, $0x38;
	[tilespmem:$0x1C800] =	vst v63  }
0x2f: {  	s20 =	simm.s32 $0x200;
	p0 =	por $0x0, $0x0;
	_ =	swait.ge [sflag:s15], $0x4000  }
0x30: {  	s30 =	simm.s32 $0x0;
	s26 =	sand.u32 $0x3, s23;
	[sflag:s15] =	ssyncset.done $0x0  }
0x31: {  	s29 =	sand.u32 $0x10000, s23;
	s25 =	sand.u32 $0x600, s20;
	[sflag:s15] =	ssyncadd.s32 $0xFFFFC000  }
0x32: {  	s24 =	sand.u32 $0x1000, s24;
	p1 =	sne.s32 s26, $0x3;
	[bflag:$0x0] =	sbarrier.arrive $0xFFFF  }
0x33: {  	[tilespmem:s17], [sflag:$0x2] =	stream.indirect.gather [hbm4b:s5+s18], $0x80, s23, s18, $0xb8;
	[tilespmem:$0x1C800] =	vst v63  }
0x34: {  	s24 =	sor.u32 s25, s24;
	s28 =	simm.s32 @!p1 $0x1;
	s23 =	sxor.u32 $0xFFFFFFFF, s23  }
0x35: {  	s25 =	sshll.u32 s26, $0x7;
	_ =	swait.ge @!p1 [sflag:s28], $0x400;
	s23 =	sand.u32 $0x10000, s23  }
0x36: {  	s31 =	sshrl.u32 s29, $0x2;
	[sflag:s28] =	ssyncset.done @!p1 $0x0;
	s23 =	sshrl.u32 s23, $0x2  }
0x37: {  	s24 =	sshrl.u32 s24, $0x2;
	[sflag:s28] =	ssyncadd.s32 @!p1 $0xFFFFFC00;
	s23 =	sor.u32 $0x800, s23  }
0x38: {  	[tilespmem:s23], [sflag:$0x2] =	stream.indirect.gather [hbm4b:s5+s18], $0x80, s24, s18, $0xb8;
	[tilespmem:$0x1C800] =	vst v63  }
0x39: {  	s28 =	sand.u32 $0x400, s30;
	p1 =	sne.s32 @!p0 s26, $0x3;
	_ =	swait.ge [sflag:s19], $0x4000  }
0x3a: {  	s23 =	sor.u32 s25, s28;
	s24 =	sor.u32 $0x800, s31;
	[sflag:s19] =	ssyncset.done $0x0  }
0x3b: {  	p0 =	por p1, p0;
	s23 =	sor.u32 $0x200, s23;
	[sflag:s19] =	ssyncadd.s32 $0xFFFFC000  }
0x3c: {  	[spmem:s2] =	stream.indirect.scatter.add.f32 [tilespmem:s24], [sflag:$0x3], $0x80, s23, s18, $0xb8;
	[tilespmem:$0x1C800] =	vst v63  }
0x3d: {  	s25 =	simm.s32 $0x1;
	s30 =	simm.s32 @!p0 $0x0;
	s24 =	sadd.s32 @!p0 $0x0, s4  }
0x3e: {  	s23 =	simm.s32 $0x800;
	_ =	swait.ge [sflag:s15], $0x4000;
	s29 =	sshll.u32 @!p0 s24, $0x7  }
0x3f: {  	s24 =	simm.s32 $0x10000;
	[sflag:s15] =	ssyncset.done $0x0;
	s26 =	rddreg [dreg:$0x3]  }
0x40: {  	[sflag:s15] =	ssyncadd.s32 $0xFFFFC000;
	s29 =	sadd.s32 @!p0 s29, s26;
	s26 =	simm.s32 $0x400  }
.LBB2_4:
0x41: {  	[tilespmem:s28], [sflag:$0x1] =	stream.linear.gather @!p0 [hbm4b:s29+s30], $0x400, $0x38;
	[tilespmem:$0x1C800] =	vst v63  }
0x42: {  	s28 =	smov.u32 s23;
	s23 =	sadd.s32 $0x400, s23  }
0x43: {  	s29 =	sand.u32 $0x3, s25;
	s30 =	sand.u32 $0x10000, s24;
	p0 =	sgt.u32 s25, $0x47  }
0x44: {  	s31 =	sshrl.u32 s25, $0x2;
	s0 =	sand.u32 $0x600, s26;
	s16 =	sxor.u32 $0xFFFFFFFF, s24  }
0x45: {  	s24 =	sadd.s32 $0x10000, s24;
	s25 =	sadd.s32 $0x1, s25;
	p1 =	sne.s32 s29, $0x3  }
0x46: {  	s20 =	sshll.u32 s31, $0xA;
	s16 =	sand.u32 $0x10000, s16;
	s28 =	sand.u32 $0x1000, s28  }
0x47: {  	s1 =	simm.s32 @!p1 $0x1;
	s16 =	sshrl.u32 s16, $0x2;
	s0 =	sor.u32 s0, s28  }
0x48: {  	s28 =	sand.u32 $0x400, s20;
	s20 =	sshrl.u32 s30, $0x2;
	_ =	swait.ge @!p1 [sflag:s1], $0x400  }
0x49: {  	s16 =	sor.u32 $0x800, s16;
	s0 =	sshrl.u32 s0, $0x2;
	[sflag:s1] =	ssyncset.done @!p1 $0x0  }
0x4a: {  	[sflag:s1] =	ssyncadd.s32 @!p1 $0xFFFFFC00;
	s1 =	sor.u32 $0x800, s20;
	p1 =	sne.s32 @!p0 s29, $0x3  }
0x4b: {  	[tilespmem:s16], [sflag:$0x2] =	stream.indirect.gather [hbm4b:s5+s18], $0x80, s0, s18, $0xb8;
	[tilespmem:$0x1C800] =	vst v63  }
0x4c: {  	s16 =	sshll.u32 s29, $0x7;
	p0 =	por p1, p0;
	_ =	swait.ge [sflag:s19], $0x4000  }
0x4d: {  	p1 =	sne.s32 s23, $0x14000;
	s0 =	sor.u32 s16, s28;
	[sflag:s19] =	ssyncset.done $0x0  }
.Ltmp1:
0x4e: {  	s0 =	sor.u32 $0x200, s0;
	[sflag:s19] =	ssyncadd.s32 $0xFFFFC000;
	(pc) =	sbr.rel @p1 .LBB2_4-.Ltmp1, $4  }
0x4f: {  	[spmem:s2] =	stream.indirect.scatter.add.f32 [tilespmem:s1], [sflag:$0x3], $0x80, s0, s18, $0xb8;
	[tilespmem:$0x1C800] =	vst v63  }
0x50: {  	s26 =	sadd.s32 $0x200, s26;
	s1 =	sadd.s32 @!p0 s4, s31;
	_ =	swait.ge [sflag:s15], $0x4000  }
0x51: {  	s1 =	sshll.u32 @!p0 s1, $0x7;
	[sflag:s15] =	ssyncset.done $0x0;
	s0 =	rddreg [dreg:$0x3]  }
0x52: {  	s30 =	simm.s32 @!p0 $0x0;
	[sflag:s15] =	ssyncadd.s32 $0xFFFFC000;
	s29 =	sadd.s32 @!p0 s1, s0  }
0x53: {  	[tilespmem:s28], [sflag:$0x1] =	stream.linear.gather @!p0 [hbm4b:s29+s30], $0x400, $0x38;
	[tilespmem:$0x1C800] =	vst v63  }
0x54: {  	_ =	swait.ge [sflag:s19], $0x4000  }
0x55: {  	[sflag:s19] =	ssyncset.done $0x0  }
0x56: {  	s0 =	simm.s32 $0x780;
	[sflag:s19] =	ssyncadd.s32 $0xFFFFC000  }
0x57: {  	[spmem:s2] =	stream.indirect.scatter.add.f32 [tilespmem:s21], [sflag:$0x3], $0x80, s0, s18, $0xb8;
	[tilespmem:$0x1C800] =	vst v63  }
0x58: {  	s31 =	stileid.u32;
	_ =	swait.ge [sflag:s15], $0x4000  }
0x59: {  	s1 =	sshrl.u32 s6, $0x3;
	s22 =	sadd.s32 $0x1, s22;
	[sflag:s15] =	ssyncset.done $0x0  }
0x5a: {  	p0 =	sne.s32 s22, s14;
	s0 =	sshll.u32 s31, $0x6;
	[sflag:s15] =	ssyncadd.s32 $0xFFFFC000  }
.Ltmp2:
0x5b: {  	s0 =	sor.u32 $0x1C03, s0;
	[bflag:$0x0] =	sbarrier.arrive $0xFFFF;
	(pc) =	sbr.rel @p0 .LBB2_1-.Ltmp2, $4  }
0x5c: {  	[hbm:s13], [sflag:s0] =	dma.local [spmem:s1], $0x2800  }
0x5d: {  	_ =	swait.ge [sflag:s15], $0x2800  }
0x5e: {  	[sflag:s15] =	ssyncset.done $0x0  }
0x5f: {  	[sflag:s15] =	ssyncadd.s32 $0xFFFFD800  }
0x60: {  	_ =	sfence.sel $0x180000  }
0x61: {  	[bflag:$0x0] =	sbarrier.arrive $0xFFFF  }
0x62: {  	_ =	strace $0x9000004A  }
0x63: {  	s0 =	stileid.u32;
	[bflag:$0x2] =	sbarrier.arrive $0xFFFF  }
0x64: {  	p0 =	sne.s32 s0, $0x0;
	s0 =	rddreg [dreg:$0x2]  }
0x65: {  	s0 =	sadd.s32 @!p0 $0x100000, s0  }
0x66: {  	[sflag:s0] =	ssyncadd.tile.s32 @!p0 $0x1;
	_ =	shalt  }
.Lfunc_end2:
_tile_overlayer_lowered:
.L_overlay_start_2:
0x67: {  	(tag) =	ssettag $0x2  }
0x68: {  	s0 =	rddreg [dreg:$0x0];
	s2 =	stileid.u32  }
0x69: {  	s1 =	rddreg [dreg:$0x1];
	p0 =	sne.s32 s2, $0x0  }
0x6a: {  	s3 =	rddreg [dreg:$0x2];
	[bflag:$0x3] =	sbarrier.arrive $0xFFFF;
	s2 =	simm.s32 @!p0 $0x1C03  }
0x6b: {  	[timem:s3], [sflag:s2] =	dma.local @!p0 [hbm:s0], s1  }
0x6c: {  	s0 =	simm.s32 @!p0 $0x3  }
0x6d: {  	_ =	swait.ge @!p0 [sflag:s0], s1  }
0x6e: {  	s1 =	ssub.s32 @!p0 $0x0, s1;
	[sflag:s0] =	ssyncset.done @!p0 $0x0  }
0x6f: {  	[sflag:s0] =	ssyncadd.s32 @!p0 s1  }
0x70: {  	[bflag:$0x3] =	sbarrier.arrive $0xFFFF  }
0x71: {  	_ =	shalt  }

// kernel: kernel.14.cloned.1.call-start
scs
__scs_entry_jumppad:
0x0: {  	(pc) =	sbr.rel $0x88, $3  }
0x1: {  	(tag) =	ssettag $0x0;
	lr =	simm.s32 $0x1  }
0x2: {  	[smem:$0x3F99] =	sst lr;
	_ =	strace $0xD0000000  }
0x3: {  	_ = 	snop  }
0x4: {  	_ = 	snop  }
0x5: {  	_ = 	snop  }
0x6: {  	_ = 	snop  }
0x7: {  	_ = 	snop  }
__scs_overlays_trampoline_lowered:
0x8: {  	[smem:$0x3FA8] =	sst s0  }
0x9: {  	[smem:$0x3FA9] =	sst s1  }
0xa: {  	[smem:$0x3FAA] =	sst s2  }
0xb: {  	[smem:$0x3FAB] =	sst s3  }
0xc: {  	[smem:$0x3FAC] =	sst s4  }
0xd: {  	[smem:$0x3FAD] =	sst s5  }
0xe: {  	[smem:$0x3FAE] =	sst s6  }
0xf: {  	[smem:$0x3FAF] =	sst s7  }
0x10: {  	[smem:$0x3FB0] =	sst s8  }
0x11: {  	[smem:$0x3FB1] =	sst s9;
	s0 =	simm.s32 @!p0 $0x0  }
0x12: {  	s1 =	sld [smem:$0x3F97];
	s0 =	simm.s32 @p0 $0x1  }
0x13: {  	[smem:$0x3FB2] =	sst s0;
	s0 =	simm.s32 @!p1 $0x0  }
0x14: {  	s2 =	sld [smem:$0x3F96];
	s0 =	simm.s32 @p1 $0x1  }
0x15: {  	[smem:$0x3FB3] =	sst s0;
	s0 =	simm.s32 @!p2 $0x0  }
0x16: {  	s3 =	sld [smem:$0x3FDB];
	s0 =	simm.s32 @p2 $0x1  }
0x17: {  	s4 =	simm.s32 $0x1BF5;
	[smem:$0x3FB5] =	sst s0  }
0x18: {  	s0 =	sld [smem:$0x3F98];
	_ =	swait.ge [sflag:s4], $0x0  }
0x19: {  	s7 =	sld [smem:$0x3F99]  }
0x1a: {  	s8 =	sadd.s32 $0xFFFFE003, lr  }
0x1b: {  	s9 =	sadd.s32 $0xFFFFFEF7, lr;
	s5 =	simm.s32 $0xFFFFFFFF;
	p2 =	slt.u32 s8, $0xFFFFF086  }
0x1c: {  	p1 =	slt.u32 s9, $0xF7A;
	s5 =	simm.s32 @!p2 $0x0  }
0x1d: {  	s5 =	simm.s32 @p1 $0x1;
	p0 =	seq.s32 s7, s2  }
0x1e: {  	s7 =	smul.u32 @!p0 $0xF7A, s2;
	p2 =	seq.s32 @!p0 s5, $0x0  }
0x1f: {  	s9 =	smul.u32 $0xF7A, s1;
	s8 =	simm.s32 @!p0 $0x1BF5;
	p2 =	por !p2, p0  }
0x20: {  	[sflag:s8] =	ssyncset.s32 @!p0 $0xFFFFF086;
	s6 =	sadd.s32 @!p0 s3, s7;
	s7 =	simm.s32 @!p0 $0x108  }
0x21: {  	s3 =	sadd.s32 s3, s9;
	s6 =	sadd.s32 @!p0 $0x88, s6;
	s7 =	simm.s32 @p2 $0x1082  }
0x22: {  	[simem:s7], [sflag:s8] =	dma.local @!p0 [hbm:s6], $0xF7A  }
0x23: {  	s9 =	sor.u32 $0xD0000000, s2;
	s6 =	simm.s32 $0x108;
	_ =	swait.ge @!p0 [sflag:s8], $0x0  }
0x24: {  	s3 =	sadd.s32 $0x88, s3;
	s6 =	simm.s32 @!p1 $0x1082;
	[sflag:s4] =	ssyncset.s32 $0xFFFFF086  }
0x25: {  	[simem:s6], [sflag:s4] =	dma.local [hbm:s3], $0xF7A  }
0x26: {  	[smem:$0x3F99] =	sst s1;
	(tag) =	ssettag s2;
	_ =	strace s9  }
0x27: {  	s1 =	sld [smem:$0x3FA9]  }
0x28: {  	s2 =	sld [smem:$0x3FAA]  }
0x29: {  	s4 =	sld [smem:$0x3FAC]  }
0x2a: {  	p0 =	seq.s32 s5, $0x0;
	s5 =	sld [smem:$0x3FAD]  }
0x2b: {  	s6 =	sld [smem:$0x3FAE]  }
0x2c: {  	s7 =	sld [smem:$0x3FAF]  }
0x2d: {  	s3 =	simm.s32 $0x108;
	s8 =	sld [smem:$0x3FB0]  }
0x2e: {  	s3 =	simm.s32 @!p0 $0x1082;
	s9 =	sld [smem:$0x3FB1]  }
0x2f: {  	lr =	sadd.s32 s0, s3;
	s0 =	sld [smem:$0x3FA8]  }
0x30: {  	s3 =	sld [smem:$0x3FAB]  }
0x31: {  	[smem:$0x3FB4] =	sst s10  }
0x32: {  	s10 =	sld [smem:$0x3FB2];
	_ =	sdelay $0x3  }
0x33: {  	p0 =	seq.s32 s10, $0x1;
	s10 =	sld [smem:$0x3FB4];
	_ =	sdelay $0x3  }
0x34: {  	[smem:$0x3FB4] =	sst s10  }
0x35: {  	s10 =	sld [smem:$0x3FB3];
	_ =	sdelay $0x3  }
0x36: {  	p1 =	seq.s32 s10, $0x1;
	s10 =	sld [smem:$0x3FB4];
	_ =	sdelay $0x3  }
0x37: {  	[smem:$0x3FB4] =	sst s10  }
0x38: {  	s10 =	sld [smem:$0x3FB5]  }
0x39: {  	_ = 	snop;
	(pc) =	sbr.ind lr, $3  }
0x3a: {  	_ = 	snop  }
0x3b: {  	_ = 	snop  }
0x3c: {  	p2 =	seq.s32 s10, $0x1;
	s10 =	sld [smem:$0x3FB4]  }
0x3d: {  	_ =	shalt  }
0x3e: {  	_ =	shalt  }
0x3f: {  	_ =	shalt  }
0x40: {  	_ =	shalt  }
0x41: {  	_ =	shalt  }
0x42: {  	_ =	shalt  }
0x43: {  	_ =	shalt  }
0x44: {  	_ =	shalt  }
0x45: {  	_ =	shalt  }
0x46: {  	_ =	shalt  }
0x47: {  	_ =	shalt  }
0x48: {  	_ =	shalt  }
0x49: {  	_ =	shalt  }
0x4a: {  	_ =	shalt  }
0x4b: {  	_ =	shalt  }
0x4c: {  	_ =	shalt  }
0x4d: {  	_ =	shalt  }
0x4e: {  	_ =	shalt  }
0x4f: {  	_ =	shalt  }
0x50: {  	_ =	shalt  }
0x51: {  	_ =	shalt  }
0x52: {  	_ =	shalt  }
0x53: {  	_ =	shalt  }
0x54: {  	_ =	shalt  }
0x55: {  	_ =	shalt  }
0x56: {  	_ =	shalt  }
0x57: {  	_ =	shalt  }
0x58: {  	_ =	shalt  }
0x59: {  	_ =	shalt  }
0x5a: {  	_ =	shalt  }
0x5b: {  	_ =	shalt  }
0x5c: {  	_ =	shalt  }
0x5d: {  	_ =	shalt  }
0x5e: {  	_ =	shalt  }
0x5f: {  	_ =	shalt  }
0x60: {  	_ =	shalt  }
0x61: {  	_ =	shalt  }
0x62: {  	_ =	shalt  }
0x63: {  	_ =	shalt  }
0x64: {  	_ =	shalt  }
0x65: {  	_ =	shalt  }
0x66: {  	_ =	shalt  }
0x67: {  	_ =	shalt  }
0x68: {  	_ =	shalt  }
0x69: {  	_ =	shalt  }
0x6a: {  	_ =	shalt  }
0x6b: {  	_ =	shalt  }
0x6c: {  	_ =	shalt  }
0x6d: {  	_ =	shalt  }
0x6e: {  	_ =	shalt  }
0x6f: {  	_ =	shalt  }
0x70: {  	_ =	shalt  }
0x71: {  	_ =	shalt  }
0x72: {  	_ =	shalt  }
0x73: {  	_ =	shalt  }
0x74: {  	_ =	shalt  }
0x75: {  	_ =	shalt  }
0x76: {  	_ =	shalt  }
0x77: {  	_ =	shalt  }
0x78: {  	_ =	shalt  }
0x79: {  	_ =	shalt  }
0x7a: {  	_ =	shalt  }
0x7b: {  	_ =	shalt  }
0x7c: {  	_ =	shalt  }
0x7d: {  	_ =	shalt  }
0x7e: {  	_ =	shalt  }
0x7f: {  	_ =	shalt  }
0x80: {  	_ =	shalt  }
0x81: {  	_ =	shalt  }
0x82: {  	_ =	shalt  }
0x83: {  	_ =	shalt  }
0x84: {  	_ =	shalt  }
0x85: {  	_ =	shalt  }
0x86: {  	_ =	shalt  }
0x87: {  	_ =	shalt  }
.Lfunc_end0:
.L_simem_size_0:
called_computation.2_lowered:
.L_overlay_start_0:
0x88: {  	s2 =	sld [smem:$0x3FD9]  }
0x89: {  	s3 =	sld [smem:$0x3FFE];
	_ =	sdelay $0x1  }
0x8a: {  	s1 =	srdreg.scid  }
0x8b: {  	s0 =	sand.u32 $0x1, s1  }
0x8c: {  	s16 =	sshll.u32 s0, $0xA;
	s2 =	sadd.s32 s3, s2  }
0x8d: {  	s2 =	sadd.s32 s2, s16  }
0x8e: {  	[smem:$0x3FC0] =	sst s2  }
0x8f: {  	_ = 	snop  }
0x90: {  	(tm) =	ssettm $0x1  }
0x91: {  	s17 =	sld [smem:$0x3FFB];
	_ =	sdelay $0x3  }
0x92: {  	_ =	strace s17  }
0x93: {  	s2 =	sld [smem:$0x3FFC];
	_ =	sdelay $0x3  }
0x94: {  	_ =	strace s2  }
0x95: {  	s2 =	sld [smem:$0x3FFD];
	_ =	sdelay $0x3  }
0x96: {  	_ =	strace s2  }
0x97: {  	_ =	strace $0x8FFFFFFF  }
0x98: {  	s18 =	sld [smem:$0x3FDB];
	_ =	sdelay $0x1  }
0x99: {  	s19 =	simm.s32 $_scs_section_size  }
0x9a: {  	s4 =	simm.s32 $_size__tile_overlayer_lowered;
	s5 =	simm.s32 $_tile_overlayer_lowered  }
0x9b: {  	s22 =	simm.s32 $0x1BFF;
	s21 =	sshll.u32 s5, $0x1;
	s2 =	sadd.s32 s19, s18  }
0x9c: {  	s6 =	simm.s32 $0x0;
	s20 =	sshll.u32 s4, $0x1;
	s4 =	sadd.s32 s21, s2  }
0x9d: {  	[timem:s6], [sflag:s22] =	dma.local [hbm:s4], s20  }
0x9e: {  	_ =	swait.ge [sflag:s22], s20  }
0x9f: {  	s3 =	ssub.s32 $0x0, s20;
	[sflag:s22] =	ssyncset.done $0x0  }
0xa0: {  	[sflag:s22] =	ssyncadd.s32 s3;
	_ =	sdelay $0x1  }
0xa1: {  	s23 =	simm.s32 $0x1B8B  }
0xa2: {  	_ =	swait.ge [sflag:s23], $0x1  }
0xa3: {  	[sflag:s23] =	ssyncset.done $0x0  }
0xa4: {  	s25 =	simm.s32 $0x1B8E;
	s24 =	sld [smem:$0x3FFE];
	[sflag:s23] =	ssyncadd.s32 $0xFFFFFFFF  }
0xa5: {  	s26 =	simm.s32 $execute0_lowered;
	[smem:$0x3FD2] =	sst s25  }
0xa6: {  	s4 =	sshll.u32 s26, $0x1;
	_ =	strace $0x8000004C;
	[dreg:$0x1] =	wrdreg $0xFFFFFFFF  }
0xa7: {  	s28 =	simm.s32 $_size_execute0_lowered;
	s2 =	sadd.s32 s2, s4;
	[dreg:$0x0] =	wrdreg $0x0  }
0xa8: {  	s4 =	sshll.u32 s28, $0x1;
	[dreg:$0x2] =	wrdreg s2  }
0xa9: {  	[dreg:$0x3] =	wrdreg s4  }
0xaa: {  	[dreg:$0x4] =	wrdreg $0xC0  }
0xab: {  	_ =	task [dreg:s6], $0x5FFFF  }
0xac: {  	[dreg:$0x1] =	wrdreg $0xFFFFFFFF  }
0xad: {  	[dreg:$0x0] =	wrdreg $0x60  }
0xae: {  	[dreg:$0x2] =	wrdreg s24  }
0xaf: {  	[dreg:$0x3] =	wrdreg $0x88000  }
0xb0: {  	[dreg:$0x4] =	wrdreg $0x9  }
0xb1: {  	_ =	task.clear_ibuf [dreg:s6], $0x5FFFF;
	_ =	strace $0x9000004C  }
0xb2: {  	s29 =	simm.s32 $0x9;
	_ =	strace $0x8000004E  }
0xb3: {  	_ =	swait.ge [sflag:s29], $0x1  }
0xb4: {  	[sflag:s29] =	ssyncadd.s32 $0xFFFFFFFF  }
0xb5: {  	_ =	strace $0x9000004E  }
0xb6: {  	_ =	sfence  }
0xb7: {  	s30 =	sld [smem:$0x0];
	_ =	sdelay $0x2  }
0xb8: {  	s31 =	sshll.u32 s1, $0xD;
	s1 =	sshrl.u32 s1, $0x2  }
0xb9: {  	s3 =	sand.u32 $0x4000, s31;
	s1 =	sadd.s32 s1, s30  }
0xba: {  	s0 =	sor.u32 s3, s0;
	s1 =	sshll.u32 s1, $0x11  }
0xbb: {  	s0 =	sor.u32 s1, s0  }
0xbc: {  	s0 =	sadd.s32 $0x8F2B, s0  }
0xbd: {  	[sflag:s0] =	ssyncadd.remote.s32 $0x1  }
0xbe: {  	_ =	sfence.sel $0xFFFF  }
0xbf: {  	[dreg:$0x0] =	wrdreg $0xFFFFFFFF;
	(pc) =	sbr.abs _section_cstart, $3  }
0xc0: {  	[dreg:$0x1] =	wrdreg $0xFFFFFFFF  }
0xc1: {  	_ =	task.clear_ibuf [dreg:s6], $0x2FFFF;
	_ =	strace $0x9FFFFFFF  }
0xc2: {  	(tm) =	ssettm $0x7FFFFFFF  }
0xc3: {  	_ =	shalt  }
tec
execute0_lowered:
.L_overlay_start_1:
0x0: {  	(tag) =	ssettag $0x1  }
0x1: {  	s12 =	rddreg [dreg:$0x0]  }
0x2: {  	s2 =	rddreg [dreg:$0x1];
	s0 =	stileid.u32  }
0x3: {  	s3 =	simm.s32 $0x0;
	s4 =	srdreg.scid;
	s17 =	simm.s32 $0x800  }
0x4: {  	s18 =	simm.s32 $0x80;
	s19 =	simm.s32 $0x2;
	s5 =	smul.u32 $0x14, s0  }
0x5: {  	s21 =	simm.s32 $0x4800;
	s22 =	simm.s32 $0x0;
	s8 =	smul.u32 $0x14000, s0  }
0x6: {  	[smem:$0x7FF] =	sst s3;
	s6 =	sand.u32 $0x1, s4;
	s10 =	smul.u32 $0x50000, s0  }
0x7: {  	s15 =	sadd.s32 $0x3300, s12;
	p0 =	seq.s32 s6, $0x0;
	s7 =	smul.u32 $0x140000, s6  }
0x8: {  	_ =	strace $0x8000004D;
	s6 =	ssub.s32 $0x2, s6;
	[dreg:$0x3] =	wrdreg s15  }
0x9: {  	s15 =	simm.s32 $0x3;
	s4 =	sadd.s32 $0x140, s5;
	s31 =	sshrl.u32 s6, $0x1  }
0xa: {  	s10 =	sshrl.u32 s10, $0x2;
	s4 =	smov.u32 @p0 s5;
	s5 =	sadd.s32 $0x65600, s12  }
0xb: {  	s7 =	sadd.s32 s8, s7;
	s14 =	ssub.s32 s6, s31;
	s6 =	sadd.s32 s10, s2  }
0xc: {  	s9 =	sshll.u32 s4, $0x7;
	s7 =	sshrl.u32 s7, $0x3;
	s10 =	sadd.s32 $0x8000, s6  }
0xd: {  	s11 =	sadd.s32 $0xC000, s6;
	s14 =	smax.u32 s14, $0x1;
	s9 =	sadd.s32 s9, s12  }
0xe: {  	s13 =	sadd.s32 s7, s12;
	s12 =	sadd.s32 $0x10000, s6;
	s7 =	sadd.s32 $0x3200, s9  }
0xf: {  	v0 =	vimm.f32 $0.0e+00;
	s8 =	sadd.s32 $0x3280, s9;
	s9 =	sadd.s32 $0x4000, s6;
	s13 =	sadd.s32 $0x8C800, s13  }
.LBB2_1:
0x10: {  	[tilespmem:s3], [sflag:$0x3] =	stream.linear.gather [hbm4b:s7+s3], $0x400, $0x38;
	[tilespmem:$0x1C800] =	vst v63  }
0x11: {  	s0 =	simm.s32 $0x400  }
0x12: {  	s23 =	sand.u32 $0xFE00, s3;
	s24 =	sand.u32 $0x70, s3;
	_ =	swait.ge [sflag:s15], $0x400  }
0x13: {  	s25 =	sshrl.u32 s23, $0x2;
	s23 =	simm.s32 $0x40;
	[sflag:s15] =	ssyncset.done $0x0  }
0x14: {  	s25 =	sor.u32 s24, s25;
	s24 =	simm.s32 $0x0;
	[sflag:s15] =	ssyncadd.s32 $0xFFFFFC00  }
0x15: {  	[tilespmem:s0], [sflag:$0x1] =	stream.linear.gather [hbm4b:s8+s3], $0x400, $0x38;
	[tilespmem:$0x1C800] =	vst v63  }
.LBB2_2:
0x16: {  	p0 =	sne.s32 s23, $0xFFC0  }
0x17: {  	[tilespmem:s25+$0x800] =	vst v0;
	s24 =	sadd.s32 $0x10, s24;
	s25 =	smov.u32 s23;
	s23 =	sadd.s32 $0x40, s23  }
.Ltmp0:
0x18: {  	(pc) =	sbr.rel @p0 .LBB2_2-.Ltmp0, $4  }
0x19: {  	_ = 	snop  }
0x1a: {  	s25 =	sand.u32 $0xFE00, s25  }
0x1b: {  	s26 =	sand.u32 $0x70, s24;
	s25 =	sshrl.u32 s25, $0x2  }
0x1c: {  	s25 =	sor.u32 s26, s25  }
0x1d: {  	[tilespmem:s25+$0x800] =	vst v0  }
0x1e: {  	[spmem:s6] =	stream.linear.scatter [tilespmem:s17], [sflag:$0x3], $0x4000, $0x38;
	[tilespmem:$0x1C800] =	vst v63  }
0x1f: {  	_ =	swait.ge [sflag:s15], $0x4000  }
0x20: {  	[sflag:s15] =	ssyncset.done $0x0  }
0x21: {  	[sflag:s15] =	ssyncadd.s32 $0xFFFFC000  }
0x22: {  	[spmem:s9] =	stream.linear.scatter [tilespmem:s17], [sflag:$0x3], $0x4000, $0x38;
	[tilespmem:$0x1C800] =	vst v63  }
0x23: {  	_ =	swait.ge [sflag:s15], $0x4000  }
0x24: {  	[sflag:s15] =	ssyncset.done $0x0  }
0x25: {  	[sflag:s15] =	ssyncadd.s32 $0xFFFFC000  }
0x26: {  	[spmem:s10] =	stream.linear.scatter [tilespmem:s17], [sflag:$0x3], $0x4000, $0x38;
	[tilespmem:$0x1C800] =	vst v63  }
0x27: {  	_ =	swait.ge [sflag:s15], $0x4000  }
0x28: {  	[sflag:s15] =	ssyncset.done $0x0  }
0x29: {  	[sflag:s15] =	ssyncadd.s32 $0xFFFFC000  }
0x2a: {  	[spmem:s11] =	stream.linear.scatter [tilespmem:s17], [sflag:$0x3], $0x4000, $0x38;
	[tilespmem:$0x1C800] =	vst v63  }
0x2b: {  	_ =	swait.ge [sflag:s15], $0x4000  }
0x2c: {  	[sflag:s15] =	ssyncset.done $0x0  }
0x2d: {  	s23 =	simm.s32 $0x0;
	s24 =	simm.s32 $0x400;
	[sflag:s15] =	ssyncadd.s32 $0xFFFFC000  }
0x2e: {  	[spmem:s12] =	stream.linear.scatter [tilespmem:s17], [sflag:$0x3], $0x4000, $0x38;
	[tilespmem:$0x1C800] =	vst v63  }
0x2f: {  	s20 =	simm.s32 $0x200;
	p0 =	por $0x0, $0x0;
	_ =	swait.ge [sflag:s15], $0x4000  }
0x30: {  	s30 =	simm.s32 $0x0;
	s26 =	sand.u32 $0x3, s23;
	[sflag:s15] =	ssyncset.done $0x0  }
0x31: {  	s29 =	sand.u32 $0x10000, s23;
	s25 =	sand.u32 $0x600, s20;
	[sflag:s15] =	ssyncadd.s32 $0xFFFFC000  }
0x32: {  	s24 =	sand.u32 $0x1000, s24;
	p1 =	sne.s32 s26, $0x3;
	[bflag:$0x0] =	sbarrier.arrive $0xFFFF  }
0x33: {  	[tilespmem:s17], [sflag:$0x2] =	stream.indirect.gather [hbm4b:s5+s18], $0x80, s23, s18, $0xb8;
	[tilespmem:$0x1C800] =	vst v63  }
0x34: {  	s24 =	sor.u32 s25, s24;
	s28 =	simm.s32 @!p1 $0x1;
	s23 =	sxor.u32 $0xFFFFFFFF, s23  }
0x35: {  	s25 =	sshll.u32 s26, $0x7;
	_ =	swait.ge @!p1 [sflag:s28], $0x400;
	s23 =	sand.u32 $0x10000, s23  }
0x36: {  	s31 =	sshrl.u32 s29, $0x2;
	[sflag:s28] =	ssyncset.done @!p1 $0x0;
	s23 =	sshrl.u32 s23, $0x2  }
0x37: {  	s24 =	sshrl.u32 s24, $0x2;
	[sflag:s28] =	ssyncadd.s32 @!p1 $0xFFFFFC00;
	s23 =	sor.u32 $0x800, s23  }
0x38: {  	[tilespmem:s23], [sflag:$0x2] =	stream.indirect.gather [hbm4b:s5+s18], $0x80, s24, s18, $0xb8;
	[tilespmem:$0x1C800] =	vst v63  }
0x39: {  	s28 =	sand.u32 $0x400, s30;
	p1 =	sne.s32 @!p0 s26, $0x3;
	_ =	swait.ge [sflag:s19], $0x4000  }
0x3a: {  	s23 =	sor.u32 s25, s28;
	s24 =	sor.u32 $0x800, s31;
	[sflag:s19] =	ssyncset.done $0x0  }
0x3b: {  	p0 =	por p1, p0;
	s23 =	sor.u32 $0x200, s23;
	[sflag:s19] =	ssyncadd.s32 $0xFFFFC000  }
0x3c: {  	[spmem:s2] =	stream.indirect.scatter.add.f32 [tilespmem:s24], [sflag:$0x3], $0x80, s23, s18, $0xb8;
	[tilespmem:$0x1C800] =	vst v63  }
0x3d: {  	s25 =	simm.s32 $0x1;
	s30 =	simm.s32 @!p0 $0x0;
	s24 =	sadd.s32 @!p0 $0x0, s4  }
0x3e: {  	s23 =	simm.s32 $0x800;
	_ =	swait.ge [sflag:s15], $0x4000;
	s29 =	sshll.u32 @!p0 s24, $0x7  }
0x3f: {  	s24 =	simm.s32 $0x10000;
	[sflag:s15] =	ssyncset.done $0x0;
	s26 =	rddreg [dreg:$0x3]  }
0x40: {  	[sflag:s15] =	ssyncadd.s32 $0xFFFFC000;
	s29 =	sadd.s32 @!p0 s29, s26;
	s26 =	simm.s32 $0x400  }
.LBB2_4:
0x41: {  	[tilespmem:s28], [sflag:$0x1] =	stream.linear.gather @!p0 [hbm4b:s29+s30], $0x400, $0x38;
	[tilespmem:$0x1C800] =	vst v63  }
0x42: {  	s28 =	smov.u32 s23;
	s23 =	sadd.s32 $0x400, s23  }
0x43: {  	s29 =	sand.u32 $0x3, s25;
	s30 =	sand.u32 $0x10000, s24;
	p0 =	sgt.u32 s25, $0x47  }
0x44: {  	s31 =	sshrl.u32 s25, $0x2;
	s0 =	sand.u32 $0x600, s26;
	s16 =	sxor.u32 $0xFFFFFFFF, s24  }
0x45: {  	s24 =	sadd.s32 $0x10000, s24;
	s25 =	sadd.s32 $0x1, s25;
	p1 =	sne.s32 s29, $0x3  }
0x46: {  	s20 =	sshll.u32 s31, $0xA;
	s16 =	sand.u32 $0x10000, s16;
	s28 =	sand.u32 $0x1000, s28  }
0x47: {  	s1 =	simm.s32 @!p1 $0x1;
	s16 =	sshrl.u32 s16, $0x2;
	s0 =	sor.u32 s0, s28  }
0x48: {  	s28 =	sand.u32 $0x400, s20;
	s20 =	sshrl.u32 s30, $0x2;
	_ =	swait.ge @!p1 [sflag:s1], $0x400  }
0x49: {  	s16 =	sor.u32 $0x800, s16;
	s0 =	sshrl.u32 s0, $0x2;
	[sflag:s1] =	ssyncset.done @!p1 $0x0  }
0x4a: {  	[sflag:s1] =	ssyncadd.s32 @!p1 $0xFFFFFC00;
	s1 =	sor.u32 $0x800, s20;
	p1 =	sne.s32 @!p0 s29, $0x3  }
0x4b: {  	[tilespmem:s16], [sflag:$0x2] =	stream.indirect.gather [hbm4b:s5+s18], $0x80, s0, s18, $0xb8;
	[tilespmem:$0x1C800] =	vst v63  }
0x4c: {  	s16 =	sshll.u32 s29, $0x7;
	p0 =	por p1, p0;
	_ =	swait.ge [sflag:s19], $0x4000  }
0x4d: {  	p1 =	sne.s32 s23, $0x14000;
	s0 =	sor.u32 s16, s28;
	[sflag:s19] =	ssyncset.done $0x0  }
.Ltmp1:
0x4e: {  	s0 =	sor.u32 $0x200, s0;
	[sflag:s19] =	ssyncadd.s32 $0xFFFFC000;
	(pc) =	sbr.rel @p1 .LBB2_4-.Ltmp1, $4  }
0x4f: {  	[spmem:s2] =	stream.indirect.scatter.add.f32 [tilespmem:s1], [sflag:$0x3], $0x80, s0, s18, $0xb8;
	[tilespmem:$0x1C800] =	vst v63  }
0x50: {  	s26 =	sadd.s32 $0x200, s26;
	s1 =	sadd.s32 @!p0 s4, s31;
	_ =	swait.ge [sflag:s15], $0x4000  }
0x51: {  	s1 =	sshll.u32 @!p0 s1, $0x7;
	[sflag:s15] =	ssyncset.done $0x0;
	s0 =	rddreg [dreg:$0x3]  }
0x52: {  	s30 =	simm.s32 @!p0 $0x0;
	[sflag:s15] =	ssyncadd.s32 $0xFFFFC000;
	s29 =	sadd.s32 @!p0 s1, s0  }
0x53: {  	[tilespmem:s28], [sflag:$0x1] =	stream.linear.gather @!p0 [hbm4b:s29+s30], $0x400, $0x38;
	[tilespmem:$0x1C800] =	vst v63  }
0x54: {  	_ =	swait.ge [sflag:s19], $0x4000  }
0x55: {  	[sflag:s19] =	ssyncset.done $0x0  }
0x56: {  	s0 =	simm.s32 $0x780;
	[sflag:s19] =	ssyncadd.s32 $0xFFFFC000  }
0x57: {  	[spmem:s2] =	stream.indirect.scatter.add.f32 [tilespmem:s21], [sflag:$0x3], $0x80, s0, s18, $0xb8;
	[tilespmem:$0x1C800] =	vst v63  }
0x58: {  	s31 =	stileid.u32;
	_ =	swait.ge [sflag:s15], $0x4000  }
0x59: {  	s1 =	sshrl.u32 s6, $0x3;
	s22 =	sadd.s32 $0x1, s22;
	[sflag:s15] =	ssyncset.done $0x0  }
0x5a: {  	p0 =	sne.s32 s22, s14;
	s0 =	sshll.u32 s31, $0x6;
	[sflag:s15] =	ssyncadd.s32 $0xFFFFC000  }
.Ltmp2:
0x5b: {  	s0 =	sor.u32 $0x1C03, s0;
	[bflag:$0x0] =	sbarrier.arrive $0xFFFF;
	(pc) =	sbr.rel @p0 .LBB2_1-.Ltmp2, $4  }
0x5c: {  	[hbm:s13], [sflag:s0] =	dma.local [spmem:s1], $0x2800  }
0x5d: {  	_ =	swait.ge [sflag:s15], $0x2800  }
0x5e: {  	[sflag:s15] =	ssyncset.done $0x0  }
0x5f: {  	[sflag:s15] =	ssyncadd.s32 $0xFFFFD800  }
0x60: {  	_ =	sfence.sel $0x180000  }
0x61: {  	[bflag:$0x0] =	sbarrier.arrive $0xFFFF  }
0x62: {  	_ =	strace $0x9000004D  }
0x63: {  	s0 =	stileid.u32;
	[bflag:$0x2] =	sbarrier.arrive $0xFFFF  }
0x64: {  	p0 =	sne.s32 s0, $0x0;
	s0 =	rddreg [dreg:$0x2]  }
0x65: {  	s0 =	sadd.s32 @!p0 $0x100000, s0  }
0x66: {  	[sflag:s0] =	ssyncadd.tile.s32 @!p0 $0x1;
	_ =	shalt  }
.Lfunc_end2:
_tile_overlayer_lowered:
.L_overlay_start_2:
0x67: {  	(tag) =	ssettag $0x2  }
0x68: {  	s0 =	rddreg [dreg:$0x0];
	s2 =	stileid.u32  }
0x69: {  	s1 =	rddreg [dreg:$0x1];
	p0 =	sne.s32 s2, $0x0  }
0x6a: {  	s3 =	rddreg [dreg:$0x2];
	[bflag:$0x3] =	sbarrier.arrive $0xFFFF;
	s2 =	simm.s32 @!p0 $0x1C03  }
0x6b: {  	[timem:s3], [sflag:s2] =	dma.local @!p0 [hbm:s0], s1  }
0x6c: {  	s0 =	simm.s32 @!p0 $0x3  }
0x6d: {  	_ =	swait.ge @!p0 [sflag:s0], s1  }
0x6e: {  	s1 =	ssub.s32 @!p0 $0x0, s1;
	[sflag:s0] =	ssyncset.done @!p0 $0x0  }
0x6f: {  	[sflag:s0] =	ssyncadd.s32 @!p0 s1  }
0x70: {  	[bflag:$0x3] =	sbarrier.arrive $0xFFFF  }
0x71: {  	_ =	shalt  }

// kernel: kernel.8.cloned.1.call-start
scs
__scs_entry_jumppad:
0x0: {  	(pc) =	sbr.rel $0x88, $3  }
0x1: {  	(tag) =	ssettag $0x0;
	lr =	simm.s32 $0x1  }
0x2: {  	[smem:$0x3F99] =	sst lr;
	_ =	strace $0xD0000000  }
0x3: {  	_ = 	snop  }
0x4: {  	_ = 	snop  }
0x5: {  	_ = 	snop  }
0x6: {  	_ = 	snop  }
0x7: {  	_ = 	snop  }
__scs_overlays_trampoline_lowered:
0x8: {  	[smem:$0x3FA8] =	sst s0  }
0x9: {  	[smem:$0x3FA9] =	sst s1  }
0xa: {  	[smem:$0x3FAA] =	sst s2  }
0xb: {  	[smem:$0x3FAB] =	sst s3  }
0xc: {  	[smem:$0x3FAC] =	sst s4  }
0xd: {  	[smem:$0x3FAD] =	sst s5  }
0xe: {  	[smem:$0x3FAE] =	sst s6  }
0xf: {  	[smem:$0x3FAF] =	sst s7  }
0x10: {  	[smem:$0x3FB0] =	sst s8  }
0x11: {  	[smem:$0x3FB1] =	sst s9;
	s0 =	simm.s32 @!p0 $0x0  }
0x12: {  	s1 =	sld [smem:$0x3F97];
	s0 =	simm.s32 @p0 $0x1  }
0x13: {  	[smem:$0x3FB2] =	sst s0;
	s0 =	simm.s32 @!p1 $0x0  }
0x14: {  	s2 =	sld [smem:$0x3F96];
	s0 =	simm.s32 @p1 $0x1  }
0x15: {  	[smem:$0x3FB3] =	sst s0;
	s0 =	simm.s32 @!p2 $0x0  }
0x16: {  	s3 =	sld [smem:$0x3FDB];
	s0 =	simm.s32 @p2 $0x1  }
0x17: {  	s4 =	simm.s32 $0x1BF5;
	[smem:$0x3FB5] =	sst s0  }
0x18: {  	s0 =	sld [smem:$0x3F98];
	_ =	swait.ge [sflag:s4], $0x0  }
0x19: {  	s7 =	sld [smem:$0x3F99]  }
0x1a: {  	s8 =	sadd.s32 $0xFFFFE003, lr  }
0x1b: {  	s9 =	sadd.s32 $0xFFFFFEF7, lr;
	s5 =	simm.s32 $0xFFFFFFFF;
	p2 =	slt.u32 s8, $0xFFFFF086  }
0x1c: {  	p1 =	slt.u32 s9, $0xF7A;
	s5 =	simm.s32 @!p2 $0x0  }
0x1d: {  	s5 =	simm.s32 @p1 $0x1;
	p0 =	seq.s32 s7, s2  }
0x1e: {  	s7 =	smul.u32 @!p0 $0xF7A, s2;
	p2 =	seq.s32 @!p0 s5, $0x0  }
0x1f: {  	s9 =	smul.u32 $0xF7A, s1;
	s8 =	simm.s32 @!p0 $0x1BF5;
	p2 =	por !p2, p0  }
0x20: {  	[sflag:s8] =	ssyncset.s32 @!p0 $0xFFFFF086;
	s6 =	sadd.s32 @!p0 s3, s7;
	s7 =	simm.s32 @!p0 $0x108  }
0x21: {  	s3 =	sadd.s32 s3, s9;
	s6 =	sadd.s32 @!p0 $0x88, s6;
	s7 =	simm.s32 @p2 $0x1082  }
0x22: {  	[simem:s7], [sflag:s8] =	dma.local @!p0 [hbm:s6], $0xF7A  }
0x23: {  	s9 =	sor.u32 $0xD0000000, s2;
	s6 =	simm.s32 $0x108;
	_ =	swait.ge @!p0 [sflag:s8], $0x0  }
0x24: {  	s3 =	sadd.s32 $0x88, s3;
	s6 =	simm.s32 @!p1 $0x1082;
	[sflag:s4] =	ssyncset.s32 $0xFFFFF086  }
0x25: {  	[simem:s6], [sflag:s4] =	dma.local [hbm:s3], $0xF7A  }
0x26: {  	[smem:$0x3F99] =	sst s1;
	(tag) =	ssettag s2;
	_ =	strace s9  }
0x27: {  	s1 =	sld [smem:$0x3FA9]  }
0x28: {  	s2 =	sld [smem:$0x3FAA]  }
0x29: {  	s4 =	sld [smem:$0x3FAC]  }
0x2a: {  	p0 =	seq.s32 s5, $0x0;
	s5 =	sld [smem:$0x3FAD]  }
0x2b: {  	s6 =	sld [smem:$0x3FAE]  }
0x2c: {  	s7 =	sld [smem:$0x3FAF]  }
0x2d: {  	s3 =	simm.s32 $0x108;
	s8 =	sld [smem:$0x3FB0]  }
0x2e: {  	s3 =	simm.s32 @!p0 $0x1082;
	s9 =	sld [smem:$0x3FB1]  }
0x2f: {  	lr =	sadd.s32 s0, s3;
	s0 =	sld [smem:$0x3FA8]  }
0x30: {  	s3 =	sld [smem:$0x3FAB]  }
0x31: {  	[smem:$0x3FB4] =	sst s10  }
0x32: {  	s10 =	sld [smem:$0x3FB2];
	_ =	sdelay $0x3  }
0x33: {  	p0 =	seq.s32 s10, $0x1;
	s10 =	sld [smem:$0x3FB4];
	_ =	sdelay $0x3  }
0x34: {  	[smem:$0x3FB4] =	sst s10  }
0x35: {  	s10 =	sld [smem:$0x3FB3];
	_ =	sdelay $0x3  }
0x36: {  	p1 =	seq.s32 s10, $0x1;
	s10 =	sld [smem:$0x3FB4];
	_ =	sdelay $0x3  }
0x37: {  	[smem:$0x3FB4] =	sst s10  }
0x38: {  	s10 =	sld [smem:$0x3FB5]  }
0x39: {  	_ = 	snop;
	(pc) =	sbr.ind lr, $3  }
0x3a: {  	_ = 	snop  }
0x3b: {  	_ = 	snop  }
0x3c: {  	p2 =	seq.s32 s10, $0x1;
	s10 =	sld [smem:$0x3FB4]  }
0x3d: {  	_ =	shalt  }
0x3e: {  	_ =	shalt  }
0x3f: {  	_ =	shalt  }
0x40: {  	_ =	shalt  }
0x41: {  	_ =	shalt  }
0x42: {  	_ =	shalt  }
0x43: {  	_ =	shalt  }
0x44: {  	_ =	shalt  }
0x45: {  	_ =	shalt  }
0x46: {  	_ =	shalt  }
0x47: {  	_ =	shalt  }
0x48: {  	_ =	shalt  }
0x49: {  	_ =	shalt  }
0x4a: {  	_ =	shalt  }
0x4b: {  	_ =	shalt  }
0x4c: {  	_ =	shalt  }
0x4d: {  	_ =	shalt  }
0x4e: {  	_ =	shalt  }
0x4f: {  	_ =	shalt  }
0x50: {  	_ =	shalt  }
0x51: {  	_ =	shalt  }
0x52: {  	_ =	shalt  }
0x53: {  	_ =	shalt  }
0x54: {  	_ =	shalt  }
0x55: {  	_ =	shalt  }
0x56: {  	_ =	shalt  }
0x57: {  	_ =	shalt  }
0x58: {  	_ =	shalt  }
0x59: {  	_ =	shalt  }
0x5a: {  	_ =	shalt  }
0x5b: {  	_ =	shalt  }
0x5c: {  	_ =	shalt  }
0x5d: {  	_ =	shalt  }
0x5e: {  	_ =	shalt  }
0x5f: {  	_ =	shalt  }
0x60: {  	_ =	shalt  }
0x61: {  	_ =	shalt  }
0x62: {  	_ =	shalt  }
0x63: {  	_ =	shalt  }
0x64: {  	_ =	shalt  }
0x65: {  	_ =	shalt  }
0x66: {  	_ =	shalt  }
0x67: {  	_ =	shalt  }
0x68: {  	_ =	shalt  }
0x69: {  	_ =	shalt  }
0x6a: {  	_ =	shalt  }
0x6b: {  	_ =	shalt  }
0x6c: {  	_ =	shalt  }
0x6d: {  	_ =	shalt  }
0x6e: {  	_ =	shalt  }
0x6f: {  	_ =	shalt  }
0x70: {  	_ =	shalt  }
0x71: {  	_ =	shalt  }
0x72: {  	_ =	shalt  }
0x73: {  	_ =	shalt  }
0x74: {  	_ =	shalt  }
0x75: {  	_ =	shalt  }
0x76: {  	_ =	shalt  }
0x77: {  	_ =	shalt  }
0x78: {  	_ =	shalt  }
0x79: {  	_ =	shalt  }
0x7a: {  	_ =	shalt  }
0x7b: {  	_ =	shalt  }
0x7c: {  	_ =	shalt  }
0x7d: {  	_ =	shalt  }
0x7e: {  	_ =	shalt  }
0x7f: {  	_ =	shalt  }
0x80: {  	_ =	shalt  }
0x81: {  	_ =	shalt  }
0x82: {  	_ =	shalt  }
0x83: {  	_ =	shalt  }
0x84: {  	_ =	shalt  }
0x85: {  	_ =	shalt  }
0x86: {  	_ =	shalt  }
0x87: {  	_ =	shalt  }
.Lfunc_end0:
.L_simem_size_0:
called_computation_lowered:
.L_overlay_start_0:
0x88: {  	s2 =	sld [smem:$0x3FD9]  }
0x89: {  	s3 =	sld [smem:$0x3FFE];
	_ =	sdelay $0x1  }
0x8a: {  	s1 =	srdreg.scid  }
0x8b: {  	s0 =	sand.u32 $0x1, s1  }
0x8c: {  	s17 =	sshll.u32 s0, $0xA;
	s2 =	sadd.s32 s3, s2  }
0x8d: {  	s2 =	sadd.s32 s2, s17  }
0x8e: {  	[smem:$0x3FC0] =	sst s2  }
0x8f: {  	_ = 	snop  }
0x90: {  	s2 =	sld [smem:$0x3FD0];
	(tm) =	ssettm $0x1  }
0x91: {  	s18 =	sld [smem:$0x3FFB];
	_ =	sdelay $0x3  }
0x92: {  	_ =	strace s18  }
0x93: {  	s3 =	sld [smem:$0x3FFC];
	_ =	sdelay $0x3  }
0x94: {  	_ =	strace s3  }
0x95: {  	s3 =	sld [smem:$0x3FFD];
	_ =	sdelay $0x3  }
0x96: {  	_ =	strace s3  }
0x97: {  	_ =	strace $0x8FFFFFFF  }
0x98: {  	s19 =	sld [smem:$0x3FDB];
	_ =	sdelay $0x1  }
0x99: {  	s4 =	simm.s32 $_scs_section_size  }
0x9a: {  	s5 =	simm.s32 $_size__tile_overlayer_lowered;
	s6 =	simm.s32 $_tile_overlayer_lowered  }
0x9b: {  	s22 =	simm.s32 $0x1BFF;
	s21 =	sshll.u32 s6, $0x1;
	s3 =	sadd.s32 s4, s19  }
0x9c: {  	s7 =	simm.s32 $0x0;
	s20 =	sshll.u32 s5, $0x1;
	s5 =	sadd.s32 s21, s3  }
0x9d: {  	[timem:s7], [sflag:s22] =	dma.local [hbm:s5], s20  }
0x9e: {  	_ =	swait.ge [sflag:s22], s20  }
0x9f: {  	s4 =	ssub.s32 $0x0, s20;
	[sflag:s22] =	ssyncset.done $0x0  }
0xa0: {  	[sflag:s22] =	ssyncadd.s32 s4;
	_ =	sdelay $0x1  }
0xa1: {  	s23 =	simm.s32 $0x1B8B  }
0xa2: {  	_ =	swait.ge [sflag:s23], $0x1  }
0xa3: {  	[sflag:s23] =	ssyncset.done $0x0  }
0xa4: {  	s25 =	simm.s32 $0x1B8E;
	s24 =	sld [smem:$0x3FFE];
	[sflag:s23] =	ssyncadd.s32 $0xFFFFFFFF  }
0xa5: {  	s26 =	simm.s32 $execute0_lowered;
	[smem:$0x3FD2] =	sst s25  }
0xa6: {  	s5 =	sshll.u32 s26, $0x1;
	_ =	strace $0x80000046;
	[dreg:$0x1] =	wrdreg $0xFFFFFFFF  }
0xa7: {  	s28 =	simm.s32 $_size_execute0_lowered;
	s3 =	sadd.s32 s3, s5;
	[dreg:$0x0] =	wrdreg $0x0  }
0xa8: {  	s5 =	sshll.u32 s28, $0x1;
	[dreg:$0x2] =	wrdreg s3  }
0xa9: {  	[dreg:$0x3] =	wrdreg s5  }
0xaa: {  	[dreg:$0x4] =	wrdreg $0xC0  }
0xab: {  	_ =	task [dreg:s7], $0x5FFFF  }
0xac: {  	[dreg:$0x1] =	wrdreg $0xFFFFFFFF  }
0xad: {  	[dreg:$0x0] =	wrdreg $0x60  }
0xae: {  	[dreg:$0x2] =	wrdreg s24  }
0xaf: {  	[dreg:$0x3] =	wrdreg s2  }
0xb0: {  	[dreg:$0x4] =	wrdreg $0x7000  }
0xb1: {  	[dreg:$0x5] =	wrdreg $0x9  }
0xb2: {  	_ =	task.clear_ibuf [dreg:s7], $0x6FFFF;
	_ =	strace $0x90000046  }
0xb3: {  	s29 =	simm.s32 $0x9;
	_ =	strace $0x80000048  }
0xb4: {  	_ =	swait.ge [sflag:s29], $0x1  }
0xb5: {  	[sflag:s29] =	ssyncadd.s32 $0xFFFFFFFF  }
0xb6: {  	_ =	strace $0x90000048  }
0xb7: {  	_ =	sfence  }
0xb8: {  	s30 =	sld [smem:$0x0];
	_ =	sdelay $0x2  }
0xb9: {  	s31 =	sshll.u32 s1, $0xD;
	s1 =	sshrl.u32 s1, $0x2  }
0xba: {  	s3 =	sand.u32 $0x4000, s31;
	s1 =	sadd.s32 s1, s30  }
0xbb: {  	s0 =	sor.u32 s3, s0;
	s1 =	sshll.u32 s1, $0x11  }
0xbc: {  	s0 =	sor.u32 s1, s0  }
0xbd: {  	s0 =	sadd.s32 $0x8F2B, s0  }
0xbe: {  	[sflag:s0] =	ssyncadd.remote.s32 $0x1  }
0xbf: {  	_ =	sfence.sel $0xFFFF  }
0xc0: {  	[dreg:$0x0] =	wrdreg $0xFFFFFFFF;
	(pc) =	sbr.abs _section_cstart, $3  }
0xc1: {  	[dreg:$0x1] =	wrdreg $0xFFFFFFFF  }
0xc2: {  	_ =	task.clear_ibuf [dreg:s7], $0x2FFFF;
	_ =	strace $0x9FFFFFFF  }
0xc3: {  	(tm) =	ssettm $0x7FFFFFFF  }
tec
execute0_lowered:
.L_overlay_start_1:
0x0: {  	(tag) =	ssettag $0x1  }
0x1: {  	s4 =	rddreg [dreg:$0x0]  }
0x2: {  	s5 =	rddreg [dreg:$0x1]  }
0x3: {  	s2 =	rddreg [dreg:$0x2];
	s0 =	stileid.u32  }
0x4: {  	s3 =	srdreg.scid;
	s1 =	rddreg [dreg:$0x3];
	s12 =	simm.s32 $0x400  }
0x5: {  	s13 =	simm.s32 $0x280;
	s14 =	simm.s32 $0x300;
	s15 =	simm.s32 $0x380  }
0x6: {  	s18 =	simm.s32 $0x20;
	s19 =	simm.s32 $0x10;
	s6 =	smul.u32 $0x14, s0  }
0x7: {  	s20 =	simm.s32 $0x0;
	s7 =	sand.u32 $0x1, s3;
	s26 =	smul.u32 $0x500, s0  }
0x8: {  	s3 =	simm.s32 $0x0;
	s10 =	smul.u32 $0xA00, s0;
	s16 =	sshll.u32 s0, $0x6  }
0x9: {  	p0 =	seq.s32 s7, $0x0;
	[smem:$0x7FF] =	sst s3;
	s9 =	ssub.s32 $0x2, s7  }
0xa: {  	s7 =	sshll.u32 s7, $0x7;
	s16 =	sor.u32 $0x1C01, s16;
	s8 =	sadd.s32 $0x140, s6  }
0xb: {  	_ =	strace $0x80000047;
	s28 =	sshrl.u32 s9, $0x1;
	s29 =	sor.u32 s7, s26  }
0xc: {  	s31 =	sshrl.u32 s10, $0x2;
	s10 =	simm.s32 $0x80;
	s8 =	smov.u32 @p0 s6  }
0xd: {  	s30 =	ssub.s32 s9, s28;
	s9 =	simm.s32 $0x1;
	s6 =	sshll.u32 s8, $0x7  }
0xe: {  	s8 =	simm.s32 $0x480;
	s11 =	sadd.s32 s6, s4;
	s6 =	sshrl.u32 s29, $0x3  }
0xf: {  	s4 =	sadd.s32 s31, s2;
	s5 =	sadd.s32 s5, s6;
	s6 =	smax.u32 s30, $0x1  }
0x10: {  	v0 =	vimm.f32 $1.000000000e+00;
	v1 =	vimm.f32 $0.0e+00;
	s7 =	sadd.s32 $0x3200, s11;
	s11 =	simm.s32 $0x200;
	s17 =	sshrl.u32 s4, $0x3  }
.LBB2_1:
0x11: {  	[tilespmem:$0x400] =	vst v0  }
0x12: {  	[tilespmem:$0x410] =	vst v0  }
0x13: {  	[tilespmem:$0x420] =	vst v0  }
0x14: {  	[tilespmem:$0x430] =	vst v0  }
0x15: {  	[tilespmem:$0x440] =	vst v0  }
0x16: {  	[tilespmem:$0x450] =	vst v0  }
0x17: {  	[tilespmem:$0x460] =	vst v0  }
0x18: {  	[tilespmem:$0x470] =	vst v0  }
0x19: {  	[tilespmem:$0x480] =	vst v1  }
0x1a: {  	[tilespmem:$0x490] =	vst v1  }
0x1b: {  	[tilespmem:$0x4A0] =	vst v1  }
0x1c: {  	[tilespmem:$0x4B0] =	vst v1  }
0x1d: {  	[tilespmem:$0x4C0] =	vst v1  }
0x1e: {  	[tilespmem:$0x4D0] =	vst v1  }
0x1f: {  	[tilespmem:$0x4E0] =	vst v1  }
0x20: {  	[tilespmem:$0x4F0] =	vst v1  }
0x21: {  	[tilespmem:$0x500] =	vst v1  }
0x22: {  	[tilespmem:$0x510] =	vst v1  }
0x23: {  	[tilespmem:$0x520] =	vst v1  }
0x24: {  	[tilespmem:$0x530] =	vst v1  }
0x25: {  	[tilespmem:$0x540] =	vst v1  }
0x26: {  	[tilespmem:$0x550] =	vst v1  }
0x27: {  	[tilespmem:$0x560] =	vst v1  }
0x28: {  	[tilespmem:$0x570] =	vst v1  }
0x29: {  	[tilespmem:$0x580] =	vst v1  }
0x2a: {  	[tilespmem:$0x590] =	vst v1  }
0x2b: {  	[tilespmem:$0x5A0] =	vst v1  }
0x2c: {  	[tilespmem:$0x5B0] =	vst v1  }
0x2d: {  	[tilespmem:$0x5C0] =	vst v1  }
0x2e: {  	[tilespmem:$0x5D0] =	vst v1  }
0x2f: {  	[tilespmem:$0x5E0] =	vst v1  }
0x30: {  	[tilespmem:$0x5F0] =	vst v1  }
0x31: {  	[tilespmem:$0x600] =	vst v1  }
0x32: {  	[tilespmem:$0x610] =	vst v1  }
0x33: {  	[tilespmem:$0x620] =	vst v1  }
0x34: {  	[tilespmem:$0x630] =	vst v1  }
0x35: {  	[tilespmem:$0x640] =	vst v1  }
0x36: {  	[tilespmem:$0x650] =	vst v1  }
0x37: {  	[tilespmem:$0x660] =	vst v1  }
0x38: {  	[tilespmem:$0x670] =	vst v1  }
0x39: {  	[tilespmem:$0x680] =	vst v1  }
0x3a: {  	[tilespmem:$0x690] =	vst v1  }
0x3b: {  	[tilespmem:$0x6A0] =	vst v1  }
0x3c: {  	[tilespmem:$0x6B0] =	vst v1  }
0x3d: {  	[tilespmem:$0x6C0] =	vst v1  }
0x3e: {  	[tilespmem:$0x6D0] =	vst v1  }
0x3f: {  	[tilespmem:$0x6E0] =	vst v1  }
0x40: {  	[tilespmem:$0x6F0] =	vst v1  }
0x41: {  	[spmem:s4] =	stream.linear.scatter [tilespmem:s8], [sflag:$0x1], $0x280, $0x38;
	[tilespmem:$0x980] =	vst v63  }
0x42: {  	_ =	swait.ge [sflag:s9], $0x280  }
0x43: {  	[sflag:s9] =	ssyncset.done $0x0  }
0x44: {  	[sflag:s9] =	ssyncadd.s32 $0xFFFFFD80  }
0x45: {  	s21 =	sadd.s32 $0x0, s7;
	[bflag:$0x0] =	sbarrier.arrive $0xFFFF  }
0x46: {  	[tilespmem:s3], [sflag:$0x1] =	stream.linear.gather [hbm4b:s21+s3], $0x400, $0x38;
	[tilespmem:$0x980] =	vst v63  }
0x47: {  	_ =	swait.ge [sflag:s9], $0x400  }
0x48: {  	[sflag:s9] =	ssyncset.done $0x0  }
0x49: {  	[sflag:s9] =	ssyncadd.s32 $0xFFFFFC00  }
0x4a: {  	[spmem:s2] =	stream.indirect.scatter.add.f32 [tilespmem:s12], [sflag:$0x1], $0x1, s11, s10, $0xb8;
	[tilespmem:$0x980] =	vst v63  }
0x4b: {  	_ =	swait.ge [sflag:s9], $0x80  }
0x4c: {  	[sflag:s9] =	ssyncset.done $0x0  }
0x4d: {  	[sflag:s9] =	ssyncadd.s32 $0xFFFFFF80  }
0x4e: {  	[spmem:s2] =	stream.indirect.scatter.add.f32 [tilespmem:s12], [sflag:$0x1], $0x1, s13, s10, $0xb8;
	[tilespmem:$0x980] =	vst v63  }
0x4f: {  	_ =	swait.ge [sflag:s9], $0x80  }
0x50: {  	[sflag:s9] =	ssyncset.done $0x0  }
0x51: {  	[sflag:s9] =	ssyncadd.s32 $0xFFFFFF80  }
0x52: {  	[spmem:s2] =	stream.indirect.scatter.add.f32 [tilespmem:s12], [sflag:$0x1], $0x1, s14, s10, $0xb8;
	[tilespmem:$0x980] =	vst v63  }
0x53: {  	_ =	swait.ge [sflag:s9], $0x80  }
0x54: {  	[sflag:s9] =	ssyncset.done $0x0  }
0x55: {  	[sflag:s9] =	ssyncadd.s32 $0xFFFFFF80  }
0x56: {  	[spmem:s2] =	stream.indirect.scatter.add.f32 [tilespmem:s12], [sflag:$0x1], $0x1, s15, s10, $0xb8;
	[tilespmem:$0x980] =	vst v63  }
0x57: {  	_ =	swait.ge [sflag:s9], $0x80  }
0x58: {  	s22 =	simm.s32 $0x100;
	s21 =	simm.s32 $0x80;
	[sflag:s9] =	ssyncset.done $0x0  }
.LBB2_2:
0x59: {  	s23 =	sadd.s32 s21, s7  }
0x5a: {  	[sflag:s9] =	ssyncadd.s32 $0xFFFFFF80;
	s21 =	smov.u32 s22;
	s24 =	sadd.s32 $0x80, s22  }
0x5b: {  	[tilespmem:s3], [sflag:$0x1] =	stream.linear.gather [hbm4b:s23+s3], $0x400, $0x38;
	[tilespmem:$0x980] =	vst v63  }
0x5c: {  	p0 =	sne.s32 s22, $0x980;
	_ =	swait.ge [sflag:s9], $0x400  }
0x5d: {  	[sflag:s9] =	ssyncset.done $0x0  }
0x5e: {  	[sflag:s9] =	ssyncadd.s32 $0xFFFFFC00  }
0x5f: {  	[spmem:s2] =	stream.indirect.scatter.add.f32 [tilespmem:s12], [sflag:$0x1], $0x1, s11, s10, $0xb8;
	[tilespmem:$0x980] =	vst v63  }
0x60: {  	_ =	swait.ge [sflag:s9], $0x80  }
0x61: {  	[sflag:s9] =	ssyncset.done $0x0  }
0x62: {  	[sflag:s9] =	ssyncadd.s32 $0xFFFFFF80  }
0x63: {  	[spmem:s2] =	stream.indirect.scatter.add.f32 [tilespmem:s12], [sflag:$0x1], $0x1, s13, s10, $0xb8;
	[tilespmem:$0x980] =	vst v63  }
0x64: {  	_ =	swait.ge [sflag:s9], $0x80  }
0x65: {  	[sflag:s9] =	ssyncset.done $0x0  }
0x66: {  	[sflag:s9] =	ssyncadd.s32 $0xFFFFFF80  }
0x67: {  	[spmem:s2] =	stream.indirect.scatter.add.f32 [tilespmem:s12], [sflag:$0x1], $0x1, s14, s10, $0xb8;
	[tilespmem:$0x980] =	vst v63  }
0x68: {  	_ =	swait.ge [sflag:s9], $0x80  }
.Ltmp0:
0x69: {  	[sflag:s9] =	ssyncset.done $0x0;
	(pc) =	sbr.rel @p0 .LBB2_2-.Ltmp0, $4  }
0x6a: {  	[sflag:s9] =	ssyncadd.s32 $0xFFFFFF80  }
0x6b: {  	[spmem:s2] =	stream.indirect.scatter.add.f32 [tilespmem:s12], [sflag:$0x1], $0x1, s15, s10, $0xb8;
	[tilespmem:$0x980] =	vst v63  }
0x6c: {  	_ =	swait.ge [sflag:s9], $0x80  }
0x6d: {  	s22 =	smov.u32 s24;
	[sflag:s9] =	ssyncset.done $0x0  }
0x6e: {  	s21 =	sadd.s32 s21, s7;
	[sflag:s9] =	ssyncadd.s32 $0xFFFFFF80  }
0x6f: {  	[tilespmem:s3], [sflag:$0x1] =	stream.linear.gather [hbm4b:s21+s3], $0x400, $0x38;
	[tilespmem:$0x980] =	vst v63  }
0x70: {  	_ =	swait.ge [sflag:s9], $0x400  }
0x71: {  	[sflag:s9] =	ssyncset.done $0x0  }
0x72: {  	[sflag:s9] =	ssyncadd.s32 $0xFFFFFC00  }
0x73: {  	[spmem:s2] =	stream.indirect.scatter.add.f32 [tilespmem:s12], [sflag:$0x1], $0x1, s11, s10, $0xb8;
	[tilespmem:$0x980] =	vst v63  }
0x74: {  	_ =	swait.ge [sflag:s9], $0x80  }
0x75: {  	[sflag:s9] =	ssyncset.done $0x0  }
0x76: {  	[sflag:s9] =	ssyncadd.s32 $0xFFFFFF80  }
0x77: {  	[spmem:s2] =	stream.indirect.scatter.add.f32 [tilespmem:s12], [sflag:$0x1], $0x1, s13, s10, $0xb8;
	[tilespmem:$0x980] =	vst v63  }
0x78: {  	_ =	swait.ge [sflag:s9], $0x80  }
0x79: {  	[sflag:s9] =	ssyncset.done $0x0  }
0x7a: {  	[sflag:s9] =	ssyncadd.s32 $0xFFFFFF80  }
0x7b: {  	[spmem:s2] =	stream.indirect.scatter.add.f32 [tilespmem:s12], [sflag:$0x1], $0x1, s14, s10, $0xb8;
	[tilespmem:$0x980] =	vst v63  }
0x7c: {  	_ =	swait.ge [sflag:s9], $0x80  }
0x7d: {  	[sflag:s9] =	ssyncset.done $0x0  }
0x7e: {  	[sflag:s9] =	ssyncadd.s32 $0xFFFFFF80  }
0x7f: {  	[spmem:s2] =	stream.indirect.scatter.add.f32 [tilespmem:s12], [sflag:$0x1], $0x1, s15, s10, $0xb8;
	[tilespmem:$0x980] =	vst v63  }
0x80: {  	_ =	swait.ge [sflag:s9], $0x80  }
0x81: {  	s20 =	sadd.s32 $0x1, s20;
	[sflag:s9] =	ssyncset.done $0x0  }
0x82: {  	p0 =	sne.s32 s20, s6;
	[sflag:s9] =	ssyncadd.s32 $0xFFFFFF80  }
.Ltmp1:
0x83: {  	[bflag:$0x0] =	sbarrier.arrive $0xFFFF;
	(pc) =	sbr.rel @p0 .LBB2_1-.Ltmp1, $4  }
0x84: {  	[hbm:s5@s18], [sflag:s16] =	dma.strided [spmem:s17@s19], $0x50, s9, $0x10   }
0x85: {  	_ =	swait.ge [sflag:s9], $0x50  }
0x86: {  	[sflag:s9] =	ssyncset.done $0x0  }
0x87: {  	[sflag:s9] =	ssyncadd.s32 $0xFFFFFFB0  }
0x88: {  	_ =	sfence.sel $0x180000  }
0x89: {  	[bflag:$0x0] =	sbarrier.arrive $0xFFFF  }
0x8a: {  	p0 =	sne.s32 s0, $0x0;
	_ =	strace $0x90000047  }
0x8b: {  	s0 =	sadd.s32 @!p0 $0x100000, s1;
	[bflag:$0x2] =	sbarrier.arrive $0xFFFF  }
0x8c: {  	[sflag:s0] =	ssyncadd.tile.s32 @!p0 $0x1;
	_ =	shalt  }
.Lfunc_end2:
_tile_overlayer_lowered:
.L_overlay_start_2:
0x8d: {  	(tag) =	ssettag $0x2  }
0x8e: {  	s0 =	rddreg [dreg:$0x0];
	s2 =	stileid.u32  }
0x8f: {  	s1 =	rddreg [dreg:$0x1];
	p0 =	sne.s32 s2, $0x0  }
0x90: {  	s3 =	rddreg [dreg:$0x2];
	[bflag:$0x3] =	sbarrier.arrive $0xFFFF;
	s2 =	simm.s32 @!p0 $0x1C01  }
0x91: {  	[timem:s3], [sflag:s2] =	dma.local @!p0 [hbm:s0], s1  }
0x92: {  	s0 =	simm.s32 @!p0 $0x1  }
0x93: {  	_ =	swait.ge @!p0 [sflag:s0], s1  }
0x94: {  	s1 =	ssub.s32 @!p0 $0x0, s1;
	[sflag:s0] =	ssyncset.done @!p0 $0x0  }
0x95: {  	[sflag:s0] =	ssyncadd.s32 @!p0 s1  }
0x96: {  	[bflag:$0x3] =	sbarrier.arrive $0xFFFF  }
0x97: {  	_ =	shalt  }

</sc_bundles>
